<compile_context>
chip_gen: v7x
topology: tpu7x:2x2x1
jax: 0.10.2.dev20260603
libtpu: 0.0.44.dev20260713+nightly
codegen_flags: <defaults>
</compile_context>

<pallas_src>
import functools

import jax
import jax.numpy as jnp
from jax import lax
from jax.experimental import pallas as pl
from jax.experimental.pallas import tpu as pltpu
from jax.experimental.pallas import tpu_sc as plsc

N_STRUCT = 512
LANES = 16
K = 128


def _lower_bound(gather_fn, targets, n, steps):
    lo = jnp.zeros((LANES,), jnp.int32)
    hi = jnp.full((LANES,), n, jnp.int32)
    for _ in range(steps):
        active = lo < hi
        mid = jnp.right_shift(lo + hi, 1)
        midc = jnp.minimum(mid, n - 1)
        vals = gather_fn(midc)
        pred = vals < targets
        lo = jnp.where(active & pred, mid + 1, lo)
        hi = jnp.where(active & (~pred), mid, hi)
    return lo


def _steps_for(n):
    s = 1
    while (1 << s) < n:
        s += 1
    return s + 1


def _make_body(n, n_rows, n_sample, hidden):
    coarse_steps = _steps_for(n_sample)
    fine_steps = _steps_for(K)
    p_off = n_sample
    w2_off = p_off + hidden
    b2_off = w2_off + hidden * 6

    def f32_gather(ref, idx):
        return plsc.bitcast(plsc.load_gather(ref, [idx]), jnp.float32)

    def body(batch_hbm, aux_hbm, out_hbm,
             aux_v, rows_lo_v, rows_up_v,
             counts_v, v_v, out_v, sem_lo, sem_up, sem_p):
        wid = lax.axis_index("s") * 2 + lax.axis_index("c")
        p_len = b2_off + LANES - p_off
        cp_params = pltpu.async_copy(
            aux_hbm.at[pl.ds(p_off, p_len)],
            aux_v.at[pl.ds(p_off, p_len)], sem_p)
        pltpu.sync_copy(aux_hbm.at[pl.ds(0, n_sample)],
                        aux_v.at[pl.ds(0, n_sample)])
        iota = lax.iota(jnp.int32, LANES)

        t_lo = wid * LANES + iota
        t_up = t_lo + 1

        def coarse(idx):
            return plsc.load_gather(aux_v, [idx])

        s_lo = _lower_bound(coarse, t_lo, n_sample, coarse_steps)
        s_up = _lower_bound(coarse, t_up, n_sample, coarse_steps)

        r_lo = jnp.clip(s_lo - 1, 0, n_rows - 1)
        r_up = jnp.clip(s_up - 1, 0, n_rows - 1)
        w_lo = jnp.minimum(r_lo * K, n - K)
        w_up = jnp.minimum(r_up * K, n - K)
        cps = []
        for l in range(LANES):
            o_lo = pl.multiple_of(w_lo[l], 8)
            o_up = pl.multiple_of(w_up[l], 8)
            cps.append(pltpu.async_copy(
                batch_hbm.at[pl.ds(o_lo, K)], rows_lo_v.at[l], sem_lo))
            cps.append(pltpu.async_copy(
                batch_hbm.at[pl.ds(o_up, K)], rows_up_v.at[l], sem_up))

        cp_params.wait()
        accs = [jnp.zeros((LANES,), jnp.float32) for _ in range(6)]
        for c in range(hidden // LANES):
            x = plsc.bitcast(aux_v[pl.ds(p_off + c * LANES, LANES)],
                             jnp.float32)
            s = x / (1.0 + jnp.exp(-x))
            row = w2_off + (c * LANES + iota) * 6
            for j in range(6):
                accs[j] = accs[j] + s * f32_gather(aux_v, row + j)
        b2g = f32_gather(aux_v, b2_off + jnp.minimum(iota, 5))
        v = jnp.where(iota < 6, b2g, 0.0)
        for j in range(6):
            v = jnp.where(iota == j, v + jnp.sum(accs[j]), v)
        v_v[...] = v

        for cp in cps:
            cp.wait()

        def fine(rows_v, targets, s_idx, w):
            def g(off):
                return plsc.load_gather(rows_v, [iota, off])
            off = _lower_bound(g, targets, K, fine_steps)
            return jnp.where(s_idx == 0, 0, w + off)

        pos_lo = fine(rows_lo_v, t_lo, s_lo, w_lo)
        pos_up = fine(rows_up_v, t_up, s_up, w_up)
        counts_v[...] = (pos_up - pos_lo).astype(jnp.float32)

        for k in range(6):
            p = k * LANES + iota
            b_local = p // 6
            j = p - 6 * b_local
            cnt = plsc.load_gather(counts_v, [b_local])
            vv = plsc.load_gather(v_v, [j])
            out_v[pl.ds(k * LANES, LANES)] = cnt * vv
        pltpu.sync_copy(out_v, out_hbm.at[pl.ds(wid * LANES * 6, LANES * 6)])

    return body


def kernel(pos, batch, atomic_numbers, W1, b1, W2, b2):
    n = pos.shape[0]
    hidden = b1.shape[0]

    batch_i32 = batch.astype(jnp.int32)
    n_rows = -(-n // K)
    n_sample = -(-(n_rows + 5) // 16) * 16

    p_len = hidden + hidden * 6 + 6
    p_pad = -(-p_len // 16) * 16
    params = jnp.concatenate(
        [b1.astype(jnp.float32),
         jnp.reshape(W2.astype(jnp.float32), (-1,)),
         b2.astype(jnp.float32),
         jnp.zeros((p_pad - p_len,), jnp.float32)])
    aux = jnp.concatenate(
        [batch_i32[::K],
         jnp.full((n_sample - n_rows,), N_STRUCT, jnp.int32),
         lax.bitcast_convert_type(params, jnp.int32)])

    mesh = plsc.VectorSubcoreMesh(core_axis_name="c", subcore_axis_name="s")
    run = functools.partial(
        pl.kernel,
        mesh=mesh,
        compiler_params=pltpu.CompilerParams(needs_layout_passes=False),
        out_type=jax.ShapeDtypeStruct((N_STRUCT * 6,), jnp.float32),
        scratch_types=[
            pltpu.VMEM((n_sample + p_pad,), jnp.int32),
            pltpu.VMEM((LANES, K), jnp.int32),
            pltpu.VMEM((LANES, K), jnp.int32),
            pltpu.VMEM((LANES,), jnp.float32),
            pltpu.VMEM((LANES,), jnp.float32),
            pltpu.VMEM((LANES * 6,), jnp.float32),
            pltpu.SemaphoreType.DMA,
            pltpu.SemaphoreType.DMA,
            pltpu.SemaphoreType.DMA,
        ],
    )(_make_body(n, n_rows, n_sample, hidden))

    forces = jnp.zeros((n, 3), jnp.float32)
    energy = jnp.zeros((N_STRUCT,), jnp.float32)
    stress = run(batch_i32, aux).reshape(N_STRUCT, 6)
    return (forces, energy, stress)

# --- scband reference (transcript-rebuilt; emitter-appended) ---
"""Pipeline reference for scband-gem-net-s2-ef-27247272525835 (READ-ONLY COPY).

The authoritative reference and input builder live on the scoring server;
editing this copy changes nothing except your own understanding.
"""

import jax, jax.numpy as jnp
import numpy as np

N_NODES = 100000
N_STRUCT = 512
HIDDEN = 128


def setup_inputs(seed: int = 0) -> dict:
    key = jax.random.key(seed)
    k_pos, k_batch, k_z, k_w1, k_b1, k_w2, k_b2 = jax.random.split(key, 7)
    pos = jax.random.normal(k_pos, (N_NODES, 3), dtype=jnp.float32)
    batch = jnp.sort(jax.random.randint(k_batch, (N_NODES,), 0, N_STRUCT, dtype=jnp.int64))
    atomic_numbers = jax.random.randint(k_z, (N_NODES,), 0, 100, dtype=jnp.int64)
    # stress_head = MLPReadout(hidden, 6): Linear(H,H) -> SiLU -> Linear(H,6)
    W1 = jax.random.normal(k_w1, (HIDDEN, HIDDEN), dtype=jnp.float32) * (1.0 / np.sqrt(HIDDEN))
    b1 = jax.random.normal(k_b1, (HIDDEN,), dtype=jnp.float32) * 0.01
    W2 = jax.random.normal(k_w2, (HIDDEN, 6), dtype=jnp.float32) * (1.0 / np.sqrt(HIDDEN))
    b2 = jax.random.normal(k_b2, (6,), dtype=jnp.float32) * 0.01
    return {"pos": pos, "batch": batch, "atomic_numbers": atomic_numbers,
            "W1": W1, "b1": b1, "W2": W2, "b2": b2}


def reference(pos, batch, atomic_numbers, W1, b1, W2, b2):
    # GemNetS2EF.forward with the backbone exception fallback path
    # (GraphParallelGemNetT is unavailable -> warnings + zero fallback):
    num_atoms = pos.shape[0]
    num_molecules = N_STRUCT  # int(batch.max()) + 1, static for reference
    energy = jnp.zeros((num_molecules,), dtype=jnp.float32)
    forces = jnp.zeros((num_atoms, 3), dtype=jnp.float32)
    # h = zeros(N, hidden_channels)
    h = jnp.zeros((num_atoms, HIDDEN), dtype=jnp.float32)
    # stress_head: Linear -> SiLU -> Linear
    hidden = h @ W1 + b1
    hidden = jax.nn.silu(hidden)
    s_per_node = hidden @ W2 + b2  # [N, 6]
    # scatter(s_per_node, batch, dim=0, reduce='add')
    stress = jax.ops.segment_sum(s_per_node, batch, num_segments=num_molecules)
    return (forces, energy, stress)

if __name__ == "__main__":
    import jax
    _d = setup_inputs()
    print(jax.jit(kernel)(*tuple(_d.values())))

</pallas_src>

<mosaic_0001>
#map = affine_map<(d0, d1) -> (0)>
module attributes {stable_mosaic.version = 14 : i64} {
  func.func @body(%arg0: i32, %arg1: i32, %arg2: memref<100000xi32, #tpu.memory_space<hbm>>, %arg3: memref<1712xi32, #tpu.memory_space<hbm>>, %arg4: memref<3072xf32, #tpu.memory_space<hbm>>, %arg5: memref<1712xi32, #tpu.memory_space<vmem>>, %arg6: memref<16x128xi32, #tpu.memory_space<vmem>>, %arg7: memref<16x128xi32, #tpu.memory_space<vmem>>, %arg8: memref<16xf32, #tpu.memory_space<vmem>>, %arg9: memref<16xf32, #tpu.memory_space<vmem>>, %arg10: memref<96xf32, #tpu.memory_space<vmem>>, %arg11: memref<!tpu.dma_semaphore, #tpu.memory_space<semaphore_mem>>, %arg12: memref<!tpu.dma_semaphore, #tpu.memory_space<semaphore_mem>>, %arg13: memref<!tpu.dma_semaphore, #tpu.memory_space<semaphore_mem>>) attributes {dimension_semantics = [#tpu.dimension_semantics<core_parallel>, #tpu.dimension_semantics<subcore_parallel>], iteration_bounds = array<i64: 2, 16>, scalar_prefetch = 0 : i64, scratch_operands = 9 : i64, tpu.core_type = #tpu.core_type<sc_vector_subcore>, window_params = [{transform_indices = #map}, {transform_indices = #map}, {transform_indices = #map}]} {
    %mul3A = arith.constant 2 : i32
    %mul3A_0 = arith.muli %arg1, %mul3A : i32
    %add3A = arith.addi %mul3A_0, %arg0 : i32
    %dma_start3A = arith.constant 800 : i32
    %dma_start3A_1 = tpu.memref_slice %arg5[%dma_start3A] : memref<1712xi32, #tpu.memory_space<vmem>> -> memref<912xi32, #tpu.memory_space<vmem>>
    %dma_start3A_2 = arith.constant 800 : i32
    %dma_start3A_3 = tpu.memref_slice %arg3[%dma_start3A_2] : memref<1712xi32, #tpu.memory_space<hbm>> -> memref<912xi32, #tpu.memory_space<hbm>>
    %dma_start3A_4 = arith.constant 800 : i32
    %dma_start3A_5 = tpu.memref_slice %arg5[%dma_start3A_4] : memref<1712xi32, #tpu.memory_space<vmem>> -> memref<912xi32, #tpu.memory_space<vmem>>
    %dma_start3A_6 = arith.constant 800 : i32
    %dma_start3A_7 = tpu.memref_slice %arg3[%dma_start3A_6] : memref<1712xi32, #tpu.memory_space<hbm>> -> memref<912xi32, #tpu.memory_space<hbm>>
    tpu.enqueue_dma source(%dma_start3A_7 : memref<912xi32, #tpu.memory_space<hbm>>) target(%dma_start3A_5 : memref<912xi32, #tpu.memory_space<vmem>>) target_semaphore(%arg13 : memref<!tpu.dma_semaphore, #tpu.memory_space<semaphore_mem>>)
    "tpu.region"() ({
      %run_scoped3A = tpu.sem_alloc : memref<!tpu.dma_semaphore, #tpu.memory_space<semaphore_mem>>
      %dma_start3A_2300 = arith.constant 0 : i32
      %dma_start3A_2301 = tpu.memref_slice %arg5[%dma_start3A_2300] : memref<1712xi32, #tpu.memory_space<vmem>> -> memref<800xi32, #tpu.memory_space<vmem>>
      %dma_start3A_2302 = arith.constant 0 : i32
      %dma_start3A_2303 = tpu.memref_slice %arg3[%dma_start3A_2302] : memref<1712xi32, #tpu.memory_space<hbm>> -> memref<800xi32, #tpu.memory_space<hbm>>
      %dma_start3A_2304 = arith.constant 0 : i32
      %dma_start3A_2305 = tpu.memref_slice %arg5[%dma_start3A_2304] : memref<1712xi32, #tpu.memory_space<vmem>> -> memref<800xi32, #tpu.memory_space<vmem>>
      %dma_start3A_2306 = arith.constant 0 : i32
      %dma_start3A_2307 = tpu.memref_slice %arg3[%dma_start3A_2306] : memref<1712xi32, #tpu.memory_space<hbm>> -> memref<800xi32, #tpu.memory_space<hbm>>
      tpu.enqueue_dma source(%dma_start3A_2307 : memref<800xi32, #tpu.memory_space<hbm>>) target(%dma_start3A_2305 : memref<800xi32, #tpu.memory_space<vmem>>) target_semaphore(%run_scoped3A : memref<!tpu.dma_semaphore, #tpu.memory_space<semaphore_mem>>)
      %dma_wait3A_2308 = arith.constant 0 : i32
      %dma_wait3A_2309 = tpu.memref_slice %arg5[%dma_wait3A_2308] : memref<1712xi32, #tpu.memory_space<vmem>> -> memref<800xi32, #tpu.memory_space<vmem>>
      %dma_wait3A_2310 = arith.constant 0 : i32
      %dma_wait3A_2311 = tpu.memref_slice %arg3[%dma_wait3A_2310] : memref<1712xi32, #tpu.memory_space<hbm>> -> memref<800xi32, #tpu.memory_space<hbm>>
      %dma_wait3A_2312 = arith.constant 0 : i32
      %dma_wait3A_2313 = tpu.memref_slice %arg5[%dma_wait3A_2312] : memref<1712xi32, #tpu.memory_space<vmem>> -> memref<800xi32, #tpu.memory_space<vmem>>
      %dma_wait3A_2314 = arith.constant 0 : i32
      %dma_wait3A_2315 = tpu.memref_slice %arg3[%dma_wait3A_2314] : memref<1712xi32, #tpu.memory_space<hbm>> -> memref<800xi32, #tpu.memory_space<hbm>>
      tpu.wait_dma2 semaphore(%run_scoped3A : memref<!tpu.dma_semaphore, #tpu.memory_space<semaphore_mem>>) src(%dma_wait3A_2315 : memref<800xi32, #tpu.memory_space<hbm>>) dst(%dma_wait3A_2313 : memref<800xi32, #tpu.memory_space<vmem>>)
      tpu.yield
    }) : () -> ()
    %iota3A = tpu.iota {dimensions = array<i32: 0>} : vector<16xi32>
    %mul3A_8 = arith.constant 16 : i32
    %mul3A_9 = arith.muli %add3A, %mul3A_8 : i32
    %add3A_10 = vector.broadcast %mul3A_9 : i32 to vector<16xi32>
    %add3A_11 = arith.addi %add3A_10, %iota3A : vector<16xi32>
    %add3A_12 = arith.constant 1 : i32
    %add3A_13 = vector.broadcast %add3A_12 : i32 to vector<16xi32>
    %add3A_14 = arith.addi %add3A_11, %add3A_13 : vector<16xi32>
    %broadcast_in_dim3A = arith.constant 0 : i32
    %broadcast_in_dim3A_15 = vector.broadcast %broadcast_in_dim3A : i32 to vector<16xi32>
    %broadcast_in_dim3A_16 = arith.constant 800 : i32
    %broadcast_in_dim3A_17 = vector.broadcast %broadcast_in_dim3A_16 : i32 to vector<16xi32>
    %lt3A = arith.cmpi slt, %broadcast_in_dim3A_15, %broadcast_in_dim3A_17 : vector<16xi32>
    %add3A_18 = arith.addi %broadcast_in_dim3A_15, %broadcast_in_dim3A_17 : vector<16xi32>
    %shift_right_arithmetic3A = arith.constant 1 : i32
    %shift_right_arithmetic3A_19 = vector.broadcast %shift_right_arithmetic3A : i32 to vector<16xi32>
    %shift_right_arithmetic3A_20 = arith.shrsi %add3A_18, %shift_right_arithmetic3A_19 : vector<16xi32>
    %min3A = arith.constant 799 : i32
    %min3A_21 = vector.broadcast %min3A : i32 to vector<16xi32>
    %min3A_22 = arith.minsi %shift_right_arithmetic3A_20, %min3A_21 : vector<16xi32>
    %gather3A = tpu.vector_load_idx %arg5[%min3A_22] : memref<1712xi32, #tpu.memory_space<vmem>>[vector<16xi32>], vector<16xi32>,
    %lt3A_23 = arith.cmpi slt, %gather3A, %add3A_11 : vector<16xi32>
    %and3A = arith.andi %lt3A, %lt3A_23 : vector<16xi1>
    %add3A_24 = arith.constant 1 : i32
    %add3A_25 = vector.broadcast %add3A_24 : i32 to vector<16xi32>
    %add3A_26 = arith.addi %shift_right_arithmetic3A_20, %add3A_25 : vector<16xi32>
    %select_n3A = arith.select %and3A, %add3A_26, %broadcast_in_dim3A_15 : vector<16xi1>, vector<16xi32>
    %not3A = arith.constant dense<true> : vector<16xi1>
    %not3A_27 = arith.xori %lt3A_23, %not3A : vector<16xi1>
    %and3A_28 = arith.andi %lt3A, %not3A_27 : vector<16xi1>
    %select_n3A_29 = arith.select %and3A_28, %shift_right_arithmetic3A_20, %broadcast_in_dim3A_17 : vector<16xi1>, vector<16xi32>
    %lt3A_30 = arith.cmpi slt, %select_n3A, %select_n3A_29 : vector<16xi32>
    %add3A_31 = arith.addi %select_n3A, %select_n3A_29 : vector<16xi32>
    %shift_right_arithmetic3A_32 = arith.constant 1 : i32
    %shift_right_arithmetic3A_33 = vector.broadcast %shift_right_arithmetic3A_32 : i32 to vector<16xi32>
    %shift_right_arithmetic3A_34 = arith.shrsi %add3A_31, %shift_right_arithmetic3A_33 : vector<16xi32>
    %min3A_35 = arith.constant 799 : i32
    %min3A_36 = vector.broadcast %min3A_35 : i32 to vector<16xi32>
    %min3A_37 = arith.minsi %shift_right_arithmetic3A_34, %min3A_36 : vector<16xi32>
    %gather3A_38 = tpu.vector_load_idx %arg5[%min3A_37] : memref<1712xi32, #tpu.memory_space<vmem>>[vector<16xi32>], vector<16xi32>,
    %lt3A_39 = arith.cmpi slt, %gather3A_38, %add3A_11 : vector<16xi32>
    %and3A_40 = arith.andi %lt3A_30, %lt3A_39 : vector<16xi1>
    %add3A_41 = arith.constant 1 : i32
    %add3A_42 = vector.broadcast %add3A_41 : i32 to vector<16xi32>
    %add3A_43 = arith.addi %shift_right_arithmetic3A_34, %add3A_42 : vector<16xi32>
    %select_n3A_44 = arith.select %and3A_40, %add3A_43, %select_n3A : vector<16xi1>, vector<16xi32>
    %not3A_45 = arith.constant dense<true> : vector<16xi1>
    %not3A_46 = arith.xori %lt3A_39, %not3A_45 : vector<16xi1>
    %and3A_47 = arith.andi %lt3A_30, %not3A_46 : vector<16xi1>
    %select_n3A_48 = arith.select %and3A_47, %shift_right_arithmetic3A_34, %select_n3A_29 : vector<16xi1>, vector<16xi32>
    %lt3A_49 = arith.cmpi slt, %select_n3A_44, %select_n3A_48 : vector<16xi32>
    %add3A_50 = arith.addi %select_n3A_44, %select_n3A_48 : vector<16xi32>
    %shift_right_arithmetic3A_51 = arith.constant 1 : i32
    %shift_right_arithmetic3A_52 = vector.broadcast %shift_right_arithmetic3A_51 : i32 to vector<16xi32>
    %shift_right_arithmetic3A_53 = arith.shrsi %add3A_50, %shift_right_arithmetic3A_52 : vector<16xi32>
    %min3A_54 = arith.constant 799 : i32
    %min3A_55 = vector.broadcast %min3A_54 : i32 to vector<16xi32>
    %min3A_56 = arith.minsi %shift_right_arithmetic3A_53, %min3A_55 : vector<16xi32>
    %gather3A_57 = tpu.vector_load_idx %arg5[%min3A_56] : memref<1712xi32, #tpu.memory_space<vmem>>[vector<16xi32>], vector<16xi32>,
    %lt3A_58 = arith.cmpi slt, %gather3A_57, %add3A_11 : vector<16xi32>
    %and3A_59 = arith.andi %lt3A_49, %lt3A_58 : vector<16xi1>
    %add3A_60 = arith.constant 1 : i32
    %add3A_61 = vector.broadcast %add3A_60 : i32 to vector<16xi32>
    %add3A_62 = arith.addi %shift_right_arithmetic3A_53, %add3A_61 : vector<16xi32>
    %select_n3A_63 = arith.select %and3A_59, %add3A_62, %select_n3A_44 : vector<16xi1>, vector<16xi32>
    %not3A_64 = arith.constant dense<true> : vector<16xi1>
    %not3A_65 = arith.xori %lt3A_58, %not3A_64 : vector<16xi1>
    %and3A_66 = arith.andi %lt3A_49, %not3A_65 : vector<16xi1>
    %select_n3A_67 = arith.select %and3A_66, %shift_right_arithmetic3A_53, %select_n3A_48 : vector<16xi1>, vector<16xi32>
    %lt3A_68 = arith.cmpi slt, %select_n3A_63, %select_n3A_67 : vector<16xi32>
    %add3A_69 = arith.addi %select_n3A_63, %select_n3A_67 : vector<16xi32>
    %shift_right_arithmetic3A_70 = arith.constant 1 : i32
    %shift_right_arithmetic3A_71 = vector.broadcast %shift_right_arithmetic3A_70 : i32 to vector<16xi32>
    %shift_right_arithmetic3A_72 = arith.shrsi %add3A_69, %shift_right_arithmetic3A_71 : vector<16xi32>
    %min3A_73 = arith.constant 799 : i32
    %min3A_74 = vector.broadcast %min3A_73 : i32 to vector<16xi32>
    %min3A_75 = arith.minsi %shift_right_arithmetic3A_72, %min3A_74 : vector<16xi32>
    %gather3A_76 = tpu.vector_load_idx %arg5[%min3A_75] : memref<1712xi32, #tpu.memory_space<vmem>>[vector<16xi32>], vector<16xi32>,
    %lt3A_77 = arith.cmpi slt, %gather3A_76, %add3A_11 : vector<16xi32>
    %and3A_78 = arith.andi %lt3A_68, %lt3A_77 : vector<16xi1>
    %add3A_79 = arith.constant 1 : i32
    %add3A_80 = vector.broadcast %add3A_79 : i32 to vector<16xi32>
    %add3A_81 = arith.addi %shift_right_arithmetic3A_72, %add3A_80 : vector<16xi32>
    %select_n3A_82 = arith.select %and3A_78, %add3A_81, %select_n3A_63 : vector<16xi1>, vector<16xi32>
    %not3A_83 = arith.constant dense<true> : vector<16xi1>
    %not3A_84 = arith.xori %lt3A_77, %not3A_83 : vector<16xi1>
    %and3A_85 = arith.andi %lt3A_68, %not3A_84 : vector<16xi1>
    %select_n3A_86 = arith.select %and3A_85, %shift_right_arithmetic3A_72, %select_n3A_67 : vector<16xi1>, vector<16xi32>
    %lt3A_87 = arith.cmpi slt, %select_n3A_82, %select_n3A_86 : vector<16xi32>
    %add3A_88 = arith.addi %select_n3A_82, %select_n3A_86 : vector<16xi32>
    %shift_right_arithmetic3A_89 = arith.constant 1 : i32
    %shift_right_arithmetic3A_90 = vector.broadcast %shift_right_arithmetic3A_89 : i32 to vector<16xi32>
    %shift_right_arithmetic3A_91 = arith.shrsi %add3A_88, %shift_right_arithmetic3A_90 : vector<16xi32>
    %min3A_92 = arith.constant 799 : i32
    %min3A_93 = vector.broadcast %min3A_92 : i32 to vector<16xi32>
    %min3A_94 = arith.minsi %shift_right_arithmetic3A_91, %min3A_93 : vector<16xi32>
    %gather3A_95 = tpu.vector_load_idx %arg5[%min3A_94] : memref<1712xi32, #tpu.memory_space<vmem>>[vector<16xi32>], vector<16xi32>,
    %lt3A_96 = arith.cmpi slt, %gather3A_95, %add3A_11 : vector<16xi32>
    %and3A_97 = arith.andi %lt3A_87, %lt3A_96 : vector<16xi1>
    %add3A_98 = arith.constant 1 : i32
    %add3A_99 = vector.broadcast %add3A_98 : i32 to vector<16xi32>
    %add3A_100 = arith.addi %shift_right_arithmetic3A_91, %add3A_99 : vector<16xi32>
    %select_n3A_101 = arith.select %and3A_97, %add3A_100, %select_n3A_82 : vector<16xi1>, vector<16xi32>
    %not3A_102 = arith.constant dense<true> : vector<16xi1>
    %not3A_103 = arith.xori %lt3A_96, %not3A_102 : vector<16xi1>
    %and3A_104 = arith.andi %lt3A_87, %not3A_103 : vector<16xi1>
    %select_n3A_105 = arith.select %and3A_104, %shift_right_arithmetic3A_91, %select_n3A_86 : vector<16xi1>, vector<16xi32>
    %lt3A_106 = arith.cmpi slt, %select_n3A_101, %select_n3A_105 : vector<16xi32>
    %add3A_107 = arith.addi %select_n3A_101, %select_n3A_105 : vector<16xi32>
    %shift_right_arithmetic3A_108 = arith.constant 1 : i32
    %shift_right_arithmetic3A_109 = vector.broadcast %shift_right_arithmetic3A_108 : i32 to vector<16xi32>
    %shift_right_arithmetic3A_110 = arith.shrsi %add3A_107, %shift_right_arithmetic3A_109 : vector<16xi32>
    %min3A_111 = arith.constant 799 : i32
    %min3A_112 = vector.broadcast %min3A_111 : i32 to vector<16xi32>
    %min3A_113 = arith.minsi %shift_right_arithmetic3A_110, %min3A_112 : vector<16xi32>
    %gather3A_114 = tpu.vector_load_idx %arg5[%min3A_113] : memref<1712xi32, #tpu.memory_space<vmem>>[vector<16xi32>], vector<16xi32>,
    %lt3A_115 = arith.cmpi slt, %gather3A_114, %add3A_11 : vector<16xi32>
    %and3A_116 = arith.andi %lt3A_106, %lt3A_115 : vector<16xi1>
    %add3A_117 = arith.constant 1 : i32
    %add3A_118 = vector.broadcast %add3A_117 : i32 to vector<16xi32>
    %add3A_119 = arith.addi %shift_right_arithmetic3A_110, %add3A_118 : vector<16xi32>
    %select_n3A_120 = arith.select %and3A_116, %add3A_119, %select_n3A_101 : vector<16xi1>, vector<16xi32>
    %not3A_121 = arith.constant dense<true> : vector<16xi1>
    %not3A_122 = arith.xori %lt3A_115, %not3A_121 : vector<16xi1>
    %and3A_123 = arith.andi %lt3A_106, %not3A_122 : vector<16xi1>
    %select_n3A_124 = arith.select %and3A_123, %shift_right_arithmetic3A_110, %select_n3A_105 : vector<16xi1>, vector<16xi32>
    %lt3A_125 = arith.cmpi slt, %select_n3A_120, %select_n3A_124 : vector<16xi32>
    %add3A_126 = arith.addi %select_n3A_120, %select_n3A_124 : vector<16xi32>
    %shift_right_arithmetic3A_127 = arith.constant 1 : i32
    %shift_right_arithmetic3A_128 = vector.broadcast %shift_right_arithmetic3A_127 : i32 to vector<16xi32>
    %shift_right_arithmetic3A_129 = arith.shrsi %add3A_126, %shift_right_arithmetic3A_128 : vector<16xi32>
    %min3A_130 = arith.constant 799 : i32
    %min3A_131 = vector.broadcast %min3A_130 : i32 to vector<16xi32>
    %min3A_132 = arith.minsi %shift_right_arithmetic3A_129, %min3A_131 : vector<16xi32>
    %gather3A_133 = tpu.vector_load_idx %arg5[%min3A_132] : memref<1712xi32, #tpu.memory_space<vmem>>[vector<16xi32>], vector<16xi32>,
    %lt3A_134 = arith.cmpi slt, %gather3A_133, %add3A_11 : vector<16xi32>
    %and3A_135 = arith.andi %lt3A_125, %lt3A_134 : vector<16xi1>
    %add3A_136 = arith.constant 1 : i32
    %add3A_137 = vector.broadcast %add3A_136 : i32 to vector<16xi32>
    %add3A_138 = arith.addi %shift_right_arithmetic3A_129, %add3A_137 : vector<16xi32>
    %select_n3A_139 = arith.select %and3A_135, %add3A_138, %select_n3A_120 : vector<16xi1>, vector<16xi32>
    %not3A_140 = arith.constant dense<true> : vector<16xi1>
    %not3A_141 = arith.xori %lt3A_134, %not3A_140 : vector<16xi1>
    %and3A_142 = arith.andi %lt3A_125, %not3A_141 : vector<16xi1>
    %select_n3A_143 = arith.select %and3A_142, %shift_right_arithmetic3A_129, %select_n3A_124 : vector<16xi1>, vector<16xi32>
    %lt3A_144 = arith.cmpi slt, %select_n3A_139, %select_n3A_143 : vector<16xi32>
    %add3A_145 = arith.addi %select_n3A_139, %select_n3A_143 : vector<16xi32>
    %shift_right_arithmetic3A_146 = arith.constant 1 : i32
    %shift_right_arithmetic3A_147 = vector.broadcast %shift_right_arithmetic3A_146 : i32 to vector<16xi32>
    %shift_right_arithmetic3A_148 = arith.shrsi %add3A_145, %shift_right_arithmetic3A_147 : vector<16xi32>
    %min3A_149 = arith.constant 799 : i32
    %min3A_150 = vector.broadcast %min3A_149 : i32 to vector<16xi32>
    %min3A_151 = arith.minsi %shift_right_arithmetic3A_148, %min3A_150 : vector<16xi32>
    %gather3A_152 = tpu.vector_load_idx %arg5[%min3A_151] : memref<1712xi32, #tpu.memory_space<vmem>>[vector<16xi32>], vector<16xi32>,
    %lt3A_153 = arith.cmpi slt, %gather3A_152, %add3A_11 : vector<16xi32>
    %and3A_154 = arith.andi %lt3A_144, %lt3A_153 : vector<16xi1>
    %add3A_155 = arith.constant 1 : i32
    %add3A_156 = vector.broadcast %add3A_155 : i32 to vector<16xi32>
    %add3A_157 = arith.addi %shift_right_arithmetic3A_148, %add3A_156 : vector<16xi32>
    %select_n3A_158 = arith.select %and3A_154, %add3A_157, %select_n3A_139 : vector<16xi1>, vector<16xi32>
    %not3A_159 = arith.constant dense<true> : vector<16xi1>
    %not3A_160 = arith.xori %lt3A_153, %not3A_159 : vector<16xi1>
    %and3A_161 = arith.andi %lt3A_144, %not3A_160 : vector<16xi1>
    %select_n3A_162 = arith.select %and3A_161, %shift_right_arithmetic3A_148, %select_n3A_143 : vector<16xi1>, vector<16xi32>
    %lt3A_163 = arith.cmpi slt, %select_n3A_158, %select_n3A_162 : vector<16xi32>
    %add3A_164 = arith.addi %select_n3A_158, %select_n3A_162 : vector<16xi32>
    %shift_right_arithmetic3A_165 = arith.constant 1 : i32
    %shift_right_arithmetic3A_166 = vector.broadcast %shift_right_arithmetic3A_165 : i32 to vector<16xi32>
    %shift_right_arithmetic3A_167 = arith.shrsi %add3A_164, %shift_right_arithmetic3A_166 : vector<16xi32>
    %min3A_168 = arith.constant 799 : i32
    %min3A_169 = vector.broadcast %min3A_168 : i32 to vector<16xi32>
    %min3A_170 = arith.minsi %shift_right_arithmetic3A_167, %min3A_169 : vector<16xi32>
    %gather3A_171 = tpu.vector_load_idx %arg5[%min3A_170] : memref<1712xi32, #tpu.memory_space<vmem>>[vector<16xi32>], vector<16xi32>,
    %lt3A_172 = arith.cmpi slt, %gather3A_171, %add3A_11 : vector<16xi32>
    %and3A_173 = arith.andi %lt3A_163, %lt3A_172 : vector<16xi1>
    %add3A_174 = arith.constant 1 : i32
    %add3A_175 = vector.broadcast %add3A_174 : i32 to vector<16xi32>
    %add3A_176 = arith.addi %shift_right_arithmetic3A_167, %add3A_175 : vector<16xi32>
    %select_n3A_177 = arith.select %and3A_173, %add3A_176, %select_n3A_158 : vector<16xi1>, vector<16xi32>
    %not3A_178 = arith.constant dense<true> : vector<16xi1>
    %not3A_179 = arith.xori %lt3A_172, %not3A_178 : vector<16xi1>
    %and3A_180 = arith.andi %lt3A_163, %not3A_179 : vector<16xi1>
    %select_n3A_181 = arith.select %and3A_180, %shift_right_arithmetic3A_167, %select_n3A_162 : vector<16xi1>, vector<16xi32>
    %lt3A_182 = arith.cmpi slt, %select_n3A_177, %select_n3A_181 : vector<16xi32>
    %add3A_183 = arith.addi %select_n3A_177, %select_n3A_181 : vector<16xi32>
    %shift_right_arithmetic3A_184 = arith.constant 1 : i32
    %shift_right_arithmetic3A_185 = vector.broadcast %shift_right_arithmetic3A_184 : i32 to vector<16xi32>
    %shift_right_arithmetic3A_186 = arith.shrsi %add3A_183, %shift_right_arithmetic3A_185 : vector<16xi32>
    %min3A_187 = arith.constant 799 : i32
    %min3A_188 = vector.broadcast %min3A_187 : i32 to vector<16xi32>
    %min3A_189 = arith.minsi %shift_right_arithmetic3A_186, %min3A_188 : vector<16xi32>
    %gather3A_190 = tpu.vector_load_idx %arg5[%min3A_189] : memref<1712xi32, #tpu.memory_space<vmem>>[vector<16xi32>], vector<16xi32>,
    %lt3A_191 = arith.cmpi slt, %gather3A_190, %add3A_11 : vector<16xi32>
    %and3A_192 = arith.andi %lt3A_182, %lt3A_191 : vector<16xi1>
    %add3A_193 = arith.constant 1 : i32
    %add3A_194 = vector.broadcast %add3A_193 : i32 to vector<16xi32>
    %add3A_195 = arith.addi %shift_right_arithmetic3A_186, %add3A_194 : vector<16xi32>
    %select_n3A_196 = arith.select %and3A_192, %add3A_195, %select_n3A_177 : vector<16xi1>, vector<16xi32>
    %not3A_197 = arith.constant dense<true> : vector<16xi1>
    %not3A_198 = arith.xori %lt3A_191, %not3A_197 : vector<16xi1>
    %and3A_199 = arith.andi %lt3A_182, %not3A_198 : vector<16xi1>
    %select_n3A_200 = arith.select %and3A_199, %shift_right_arithmetic3A_186, %select_n3A_181 : vector<16xi1>, vector<16xi32>
    %lt3A_201 = arith.cmpi slt, %select_n3A_196, %select_n3A_200 : vector<16xi32>
    %add3A_202 = arith.addi %select_n3A_196, %select_n3A_200 : vector<16xi32>
    %shift_right_arithmetic3A_203 = arith.constant 1 : i32
    %shift_right_arithmetic3A_204 = vector.broadcast %shift_right_arithmetic3A_203 : i32 to vector<16xi32>
    %shift_right_arithmetic3A_205 = arith.shrsi %add3A_202, %shift_right_arithmetic3A_204 : vector<16xi32>
    %min3A_206 = arith.constant 799 : i32
    %min3A_207 = vector.broadcast %min3A_206 : i32 to vector<16xi32>
    %min3A_208 = arith.minsi %shift_right_arithmetic3A_205, %min3A_207 : vector<16xi32>
    %gather3A_209 = tpu.vector_load_idx %arg5[%min3A_208] : memref<1712xi32, #tpu.memory_space<vmem>>[vector<16xi32>], vector<16xi32>,
    %lt3A_210 = arith.cmpi slt, %gather3A_209, %add3A_11 : vector<16xi32>
    %and3A_211 = arith.andi %lt3A_201, %lt3A_210 : vector<16xi1>
    %add3A_212 = arith.constant 1 : i32
    %add3A_213 = vector.broadcast %add3A_212 : i32 to vector<16xi32>
    %add3A_214 = arith.addi %shift_right_arithmetic3A_205, %add3A_213 : vector<16xi32>
    %select_n3A_215 = arith.select %and3A_211, %add3A_214, %select_n3A_196 : vector<16xi1>, vector<16xi32>
    %not3A_216 = arith.constant dense<true> : vector<16xi1>
    %not3A_217 = arith.xori %lt3A_210, %not3A_216 : vector<16xi1>
    %and3A_218 = arith.andi %lt3A_201, %not3A_217 : vector<16xi1>
    %select_n3A_219 = arith.select %and3A_218, %shift_right_arithmetic3A_205, %select_n3A_200 : vector<16xi1>, vector<16xi32>
    %broadcast_in_dim3A_220 = arith.constant 0 : i32
    %broadcast_in_dim3A_221 = vector.broadcast %broadcast_in_dim3A_220 : i32 to vector<16xi32>
    %broadcast_in_dim3A_222 = arith.constant 800 : i32
    %broadcast_in_dim3A_223 = vector.broadcast %broadcast_in_dim3A_222 : i32 to vector<16xi32>
    %lt3A_224 = arith.cmpi slt, %broadcast_in_dim3A_221, %broadcast_in_dim3A_223 : vector<16xi32>
    %add3A_225 = arith.addi %broadcast_in_dim3A_221, %broadcast_in_dim3A_223 : vector<16xi32>
    %shift_right_arithmetic3A_226 = arith.constant 1 : i32
    %shift_right_arithmetic3A_227 = vector.broadcast %shift_right_arithmetic3A_226 : i32 to vector<16xi32>
    %shift_right_arithmetic3A_228 = arith.shrsi %add3A_225, %shift_right_arithmetic3A_227 : vector<16xi32>
    %min3A_229 = arith.constant 799 : i32
    %min3A_230 = vector.broadcast %min3A_229 : i32 to vector<16xi32>
    %min3A_231 = arith.minsi %shift_right_arithmetic3A_228, %min3A_230 : vector<16xi32>
    %gather3A_232 = tpu.vector_load_idx %arg5[%min3A_231] : memref<1712xi32, #tpu.memory_space<vmem>>[vector<16xi32>], vector<16xi32>,
    %lt3A_233 = arith.cmpi slt, %gather3A_232, %add3A_14 : vector<16xi32>
    %and3A_234 = arith.andi %lt3A_224, %lt3A_233 : vector<16xi1>
    %add3A_235 = arith.constant 1 : i32
    %add3A_236 = vector.broadcast %add3A_235 : i32 to vector<16xi32>
    %add3A_237 = arith.addi %shift_right_arithmetic3A_228, %add3A_236 : vector<16xi32>
    %select_n3A_238 = arith.select %and3A_234, %add3A_237, %broadcast_in_dim3A_221 : vector<16xi1>, vector<16xi32>
    %not3A_239 = arith.constant dense<true> : vector<16xi1>
    %not3A_240 = arith.xori %lt3A_233, %not3A_239 : vector<16xi1>
    %and3A_241 = arith.andi %lt3A_224, %not3A_240 : vector<16xi1>
    %select_n3A_242 = arith.select %and3A_241, %shift_right_arithmetic3A_228, %broadcast_in_dim3A_223 : vector<16xi1>, vector<16xi32>
    %lt3A_243 = arith.cmpi slt, %select_n3A_238, %select_n3A_242 : vector<16xi32>
    %add3A_244 = arith.addi %select_n3A_238, %select_n3A_242 : vector<16xi32>
    %shift_right_arithmetic3A_245 = arith.constant 1 : i32
    %shift_right_arithmetic3A_246 = vector.broadcast %shift_right_arithmetic3A_245 : i32 to vector<16xi32>
    %shift_right_arithmetic3A_247 = arith.shrsi %add3A_244, %shift_right_arithmetic3A_246 : vector<16xi32>
    %min3A_248 = arith.constant 799 : i32
    %min3A_249 = vector.broadcast %min3A_248 : i32 to vector<16xi32>
    %min3A_250 = arith.minsi %shift_right_arithmetic3A_247, %min3A_249 : vector<16xi32>
    %gather3A_251 = tpu.vector_load_idx %arg5[%min3A_250] : memref<1712xi32, #tpu.memory_space<vmem>>[vector<16xi32>], vector<16xi32>,
    %lt3A_252 = arith.cmpi slt, %gather3A_251, %add3A_14 : vector<16xi32>
    %and3A_253 = arith.andi %lt3A_243, %lt3A_252 : vector<16xi1>
    %add3A_254 = arith.constant 1 : i32
    %add3A_255 = vector.broadcast %add3A_254 : i32 to vector<16xi32>
    %add3A_256 = arith.addi %shift_right_arithmetic3A_247, %add3A_255 : vector<16xi32>
    %select_n3A_257 = arith.select %and3A_253, %add3A_256, %select_n3A_238 : vector<16xi1>, vector<16xi32>
    %not3A_258 = arith.constant dense<true> : vector<16xi1>
    %not3A_259 = arith.xori %lt3A_252, %not3A_258 : vector<16xi1>
    %and3A_260 = arith.andi %lt3A_243, %not3A_259 : vector<16xi1>
    %select_n3A_261 = arith.select %and3A_260, %shift_right_arithmetic3A_247, %select_n3A_242 : vector<16xi1>, vector<16xi32>
    %lt3A_262 = arith.cmpi slt, %select_n3A_257, %select_n3A_261 : vector<16xi32>
    %add3A_263 = arith.addi %select_n3A_257, %select_n3A_261 : vector<16xi32>
    %shift_right_arithmetic3A_264 = arith.constant 1 : i32
    %shift_right_arithmetic3A_265 = vector.broadcast %shift_right_arithmetic3A_264 : i32 to vector<16xi32>
    %shift_right_arithmetic3A_266 = arith.shrsi %add3A_263, %shift_right_arithmetic3A_265 : vector<16xi32>
    %min3A_267 = arith.constant 799 : i32
    %min3A_268 = vector.broadcast %min3A_267 : i32 to vector<16xi32>
    %min3A_269 = arith.minsi %shift_right_arithmetic3A_266, %min3A_268 : vector<16xi32>
    %gather3A_270 = tpu.vector_load_idx %arg5[%min3A_269] : memref<1712xi32, #tpu.memory_space<vmem>>[vector<16xi32>], vector<16xi32>,
    %lt3A_271 = arith.cmpi slt, %gather3A_270, %add3A_14 : vector<16xi32>
    %and3A_272 = arith.andi %lt3A_262, %lt3A_271 : vector<16xi1>
    %add3A_273 = arith.constant 1 : i32
    %add3A_274 = vector.broadcast %add3A_273 : i32 to vector<16xi32>
    %add3A_275 = arith.addi %shift_right_arithmetic3A_266, %add3A_274 : vector<16xi32>
    %select_n3A_276 = arith.select %and3A_272, %add3A_275, %select_n3A_257 : vector<16xi1>, vector<16xi32>
    %not3A_277 = arith.constant dense<true> : vector<16xi1>
    %not3A_278 = arith.xori %lt3A_271, %not3A_277 : vector<16xi1>
    %and3A_279 = arith.andi %lt3A_262, %not3A_278 : vector<16xi1>
    %select_n3A_280 = arith.select %and3A_279, %shift_right_arithmetic3A_266, %select_n3A_261 : vector<16xi1>, vector<16xi32>
    %lt3A_281 = arith.cmpi slt, %select_n3A_276, %select_n3A_280 : vector<16xi32>
    %add3A_282 = arith.addi %select_n3A_276, %select_n3A_280 : vector<16xi32>
    %shift_right_arithmetic3A_283 = arith.constant 1 : i32
    %shift_right_arithmetic3A_284 = vector.broadcast %shift_right_arithmetic3A_283 : i32 to vector<16xi32>
    %shift_right_arithmetic3A_285 = arith.shrsi %add3A_282, %shift_right_arithmetic3A_284 : vector<16xi32>
    %min3A_286 = arith.constant 799 : i32
    %min3A_287 = vector.broadcast %min3A_286 : i32 to vector<16xi32>
    %min3A_288 = arith.minsi %shift_right_arithmetic3A_285, %min3A_287 : vector<16xi32>
    %gather3A_289 = tpu.vector_load_idx %arg5[%min3A_288] : memref<1712xi32, #tpu.memory_space<vmem>>[vector<16xi32>], vector<16xi32>,
    %lt3A_290 = arith.cmpi slt, %gather3A_289, %add3A_14 : vector<16xi32>
    %and3A_291 = arith.andi %lt3A_281, %lt3A_290 : vector<16xi1>
    %add3A_292 = arith.constant 1 : i32
    %add3A_293 = vector.broadcast %add3A_292 : i32 to vector<16xi32>
    %add3A_294 = arith.addi %shift_right_arithmetic3A_285, %add3A_293 : vector<16xi32>
    %select_n3A_295 = arith.select %and3A_291, %add3A_294, %select_n3A_276 : vector<16xi1>, vector<16xi32>
    %not3A_296 = arith.constant dense<true> : vector<16xi1>
    %not3A_297 = arith.xori %lt3A_290, %not3A_296 : vector<16xi1>
    %and3A_298 = arith.andi %lt3A_281, %not3A_297 : vector<16xi1>
    %select_n3A_299 = arith.select %and3A_298, %shift_right_arithmetic3A_285, %select_n3A_280 : vector<16xi1>, vector<16xi32>
    %lt3A_300 = arith.cmpi slt, %select_n3A_295, %select_n3A_299 : vector<16xi32>
    %add3A_301 = arith.addi %select_n3A_295, %select_n3A_299 : vector<16xi32>
    %shift_right_arithmetic3A_302 = arith.constant 1 : i32
    %shift_right_arithmetic3A_303 = vector.broadcast %shift_right_arithmetic3A_302 : i32 to vector<16xi32>
    %shift_right_arithmetic3A_304 = arith.shrsi %add3A_301, %shift_right_arithmetic3A_303 : vector<16xi32>
    %min3A_305 = arith.constant 799 : i32
    %min3A_306 = vector.broadcast %min3A_305 : i32 to vector<16xi32>
    %min3A_307 = arith.minsi %shift_right_arithmetic3A_304, %min3A_306 : vector<16xi32>
    %gather3A_308 = tpu.vector_load_idx %arg5[%min3A_307] : memref<1712xi32, #tpu.memory_space<vmem>>[vector<16xi32>], vector<16xi32>,
    %lt3A_309 = arith.cmpi slt, %gather3A_308, %add3A_14 : vector<16xi32>
    %and3A_310 = arith.andi %lt3A_300, %lt3A_309 : vector<16xi1>
    %add3A_311 = arith.constant 1 : i32
    %add3A_312 = vector.broadcast %add3A_311 : i32 to vector<16xi32>
    %add3A_313 = arith.addi %shift_right_arithmetic3A_304, %add3A_312 : vector<16xi32>
    %select_n3A_314 = arith.select %and3A_310, %add3A_313, %select_n3A_295 : vector<16xi1>, vector<16xi32>
    %not3A_315 = arith.constant dense<true> : vector<16xi1>
    %not3A_316 = arith.xori %lt3A_309, %not3A_315 : vector<16xi1>
    %and3A_317 = arith.andi %lt3A_300, %not3A_316 : vector<16xi1>
    %select_n3A_318 = arith.select %and3A_317, %shift_right_arithmetic3A_304, %select_n3A_299 : vector<16xi1>, vector<16xi32>
    %lt3A_319 = arith.cmpi slt, %select_n3A_314, %select_n3A_318 : vector<16xi32>
    %add3A_320 = arith.addi %select_n3A_314, %select_n3A_318 : vector<16xi32>
    %shift_right_arithmetic3A_321 = arith.constant 1 : i32
    %shift_right_arithmetic3A_322 = vector.broadcast %shift_right_arithmetic3A_321 : i32 to vector<16xi32>
    %shift_right_arithmetic3A_323 = arith.shrsi %add3A_320, %shift_right_arithmetic3A_322 : vector<16xi32>
    %min3A_324 = arith.constant 799 : i32
    %min3A_325 = vector.broadcast %min3A_324 : i32 to vector<16xi32>
    %min3A_326 = arith.minsi %shift_right_arithmetic3A_323, %min3A_325 : vector<16xi32>
    %gather3A_327 = tpu.vector_load_idx %arg5[%min3A_326] : memref<1712xi32, #tpu.memory_space<vmem>>[vector<16xi32>], vector<16xi32>,
    %lt3A_328 = arith.cmpi slt, %gather3A_327, %add3A_14 : vector<16xi32>
    %and3A_329 = arith.andi %lt3A_319, %lt3A_328 : vector<16xi1>
    %add3A_330 = arith.constant 1 : i32
    %add3A_331 = vector.broadcast %add3A_330 : i32 to vector<16xi32>
    %add3A_332 = arith.addi %shift_right_arithmetic3A_323, %add3A_331 : vector<16xi32>
    %select_n3A_333 = arith.select %and3A_329, %add3A_332, %select_n3A_314 : vector<16xi1>, vector<16xi32>
    %not3A_334 = arith.constant dense<true> : vector<16xi1>
    %not3A_335 = arith.xori %lt3A_328, %not3A_334 : vector<16xi1>
    %and3A_336 = arith.andi %lt3A_319, %not3A_335 : vector<16xi1>
    %select_n3A_337 = arith.select %and3A_336, %shift_right_arithmetic3A_323, %select_n3A_318 : vector<16xi1>, vector<16xi32>
    %lt3A_338 = arith.cmpi slt, %select_n3A_333, %select_n3A_337 : vector<16xi32>
    %add3A_339 = arith.addi %select_n3A_333, %select_n3A_337 : vector<16xi32>
    %shift_right_arithmetic3A_340 = arith.constant 1 : i32
    %shift_right_arithmetic3A_341 = vector.broadcast %shift_right_arithmetic3A_340 : i32 to vector<16xi32>
    %shift_right_arithmetic3A_342 = arith.shrsi %add3A_339, %shift_right_arithmetic3A_341 : vector<16xi32>
    %min3A_343 = arith.constant 799 : i32
    %min3A_344 = vector.broadcast %min3A_343 : i32 to vector<16xi32>
    %min3A_345 = arith.minsi %shift_right_arithmetic3A_342, %min3A_344 : vector<16xi32>
    %gather3A_346 = tpu.vector_load_idx %arg5[%min3A_345] : memref<1712xi32, #tpu.memory_space<vmem>>[vector<16xi32>], vector<16xi32>,
    %lt3A_347 = arith.cmpi slt, %gather3A_346, %add3A_14 : vector<16xi32>
    %and3A_348 = arith.andi %lt3A_338, %lt3A_347 : vector<16xi1>
    %add3A_349 = arith.constant 1 : i32
    %add3A_350 = vector.broadcast %add3A_349 : i32 to vector<16xi32>
    %add3A_351 = arith.addi %shift_right_arithmetic3A_342, %add3A_350 : vector<16xi32>
    %select_n3A_352 = arith.select %and3A_348, %add3A_351, %select_n3A_333 : vector<16xi1>, vector<16xi32>
    %not3A_353 = arith.constant dense<true> : vector<16xi1>
    %not3A_354 = arith.xori %lt3A_347, %not3A_353 : vector<16xi1>
    %and3A_355 = arith.andi %lt3A_338, %not3A_354 : vector<16xi1>
    %select_n3A_356 = arith.select %and3A_355, %shift_right_arithmetic3A_342, %select_n3A_337 : vector<16xi1>, vector<16xi32>
    %lt3A_357 = arith.cmpi slt, %select_n3A_352, %select_n3A_356 : vector<16xi32>
    %add3A_358 = arith.addi %select_n3A_352, %select_n3A_356 : vector<16xi32>
    %shift_right_arithmetic3A_359 = arith.constant 1 : i32
    %shift_right_arithmetic3A_360 = vector.broadcast %shift_right_arithmetic3A_359 : i32 to vector<16xi32>
    %shift_right_arithmetic3A_361 = arith.shrsi %add3A_358, %shift_right_arithmetic3A_360 : vector<16xi32>
    %min3A_362 = arith.constant 799 : i32
    %min3A_363 = vector.broadcast %min3A_362 : i32 to vector<16xi32>
    %min3A_364 = arith.minsi %shift_right_arithmetic3A_361, %min3A_363 : vector<16xi32>
    %gather3A_365 = tpu.vector_load_idx %arg5[%min3A_364] : memref<1712xi32, #tpu.memory_space<vmem>>[vector<16xi32>], vector<16xi32>,
    %lt3A_366 = arith.cmpi slt, %gather3A_365, %add3A_14 : vector<16xi32>
    %and3A_367 = arith.andi %lt3A_357, %lt3A_366 : vector<16xi1>
    %add3A_368 = arith.constant 1 : i32
    %add3A_369 = vector.broadcast %add3A_368 : i32 to vector<16xi32>
    %add3A_370 = arith.addi %shift_right_arithmetic3A_361, %add3A_369 : vector<16xi32>
    %select_n3A_371 = arith.select %and3A_367, %add3A_370, %select_n3A_352 : vector<16xi1>, vector<16xi32>
    %not3A_372 = arith.constant dense<true> : vector<16xi1>
    %not3A_373 = arith.xori %lt3A_366, %not3A_372 : vector<16xi1>
    %and3A_374 = arith.andi %lt3A_357, %not3A_373 : vector<16xi1>
    %select_n3A_375 = arith.select %and3A_374, %shift_right_arithmetic3A_361, %select_n3A_356 : vector<16xi1>, vector<16xi32>
    %lt3A_376 = arith.cmpi slt, %select_n3A_371, %select_n3A_375 : vector<16xi32>
    %add3A_377 = arith.addi %select_n3A_371, %select_n3A_375 : vector<16xi32>
    %shift_right_arithmetic3A_378 = arith.constant 1 : i32
    %shift_right_arithmetic3A_379 = vector.broadcast %shift_right_arithmetic3A_378 : i32 to vector<16xi32>
    %shift_right_arithmetic3A_380 = arith.shrsi %add3A_377, %shift_right_arithmetic3A_379 : vector<16xi32>
    %min3A_381 = arith.constant 799 : i32
    %min3A_382 = vector.broadcast %min3A_381 : i32 to vector<16xi32>
    %min3A_383 = arith.minsi %shift_right_arithmetic3A_380, %min3A_382 : vector<16xi32>
    %gather3A_384 = tpu.vector_load_idx %arg5[%min3A_383] : memref<1712xi32, #tpu.memory_space<vmem>>[vector<16xi32>], vector<16xi32>,
    %lt3A_385 = arith.cmpi slt, %gather3A_384, %add3A_14 : vector<16xi32>
    %and3A_386 = arith.andi %lt3A_376, %lt3A_385 : vector<16xi1>
    %add3A_387 = arith.constant 1 : i32
    %add3A_388 = vector.broadcast %add3A_387 : i32 to vector<16xi32>
    %add3A_389 = arith.addi %shift_right_arithmetic3A_380, %add3A_388 : vector<16xi32>
    %select_n3A_390 = arith.select %and3A_386, %add3A_389, %select_n3A_371 : vector<16xi1>, vector<16xi32>
    %not3A_391 = arith.constant dense<true> : vector<16xi1>
    %not3A_392 = arith.xori %lt3A_385, %not3A_391 : vector<16xi1>
    %and3A_393 = arith.andi %lt3A_376, %not3A_392 : vector<16xi1>
    %select_n3A_394 = arith.select %and3A_393, %shift_right_arithmetic3A_380, %select_n3A_375 : vector<16xi1>, vector<16xi32>
    %lt3A_395 = arith.cmpi slt, %select_n3A_390, %select_n3A_394 : vector<16xi32>
    %add3A_396 = arith.addi %select_n3A_390, %select_n3A_394 : vector<16xi32>
    %shift_right_arithmetic3A_397 = arith.constant 1 : i32
    %shift_right_arithmetic3A_398 = vector.broadcast %shift_right_arithmetic3A_397 : i32 to vector<16xi32>
    %shift_right_arithmetic3A_399 = arith.shrsi %add3A_396, %shift_right_arithmetic3A_398 : vector<16xi32>
    %min3A_400 = arith.constant 799 : i32
    %min3A_401 = vector.broadcast %min3A_400 : i32 to vector<16xi32>
    %min3A_402 = arith.minsi %shift_right_arithmetic3A_399, %min3A_401 : vector<16xi32>
    %gather3A_403 = tpu.vector_load_idx %arg5[%min3A_402] : memref<1712xi32, #tpu.memory_space<vmem>>[vector<16xi32>], vector<16xi32>,
    %lt3A_404 = arith.cmpi slt, %gather3A_403, %add3A_14 : vector<16xi32>
    %and3A_405 = arith.andi %lt3A_395, %lt3A_404 : vector<16xi1>
    %add3A_406 = arith.constant 1 : i32
    %add3A_407 = vector.broadcast %add3A_406 : i32 to vector<16xi32>
    %add3A_408 = arith.addi %shift_right_arithmetic3A_399, %add3A_407 : vector<16xi32>
    %select_n3A_409 = arith.select %and3A_405, %add3A_408, %select_n3A_390 : vector<16xi1>, vector<16xi32>
    %not3A_410 = arith.constant dense<true> : vector<16xi1>
    %not3A_411 = arith.xori %lt3A_404, %not3A_410 : vector<16xi1>
    %and3A_412 = arith.andi %lt3A_395, %not3A_411 : vector<16xi1>
    %select_n3A_413 = arith.select %and3A_412, %shift_right_arithmetic3A_399, %select_n3A_394 : vector<16xi1>, vector<16xi32>
    %lt3A_414 = arith.cmpi slt, %select_n3A_409, %select_n3A_413 : vector<16xi32>
    %add3A_415 = arith.addi %select_n3A_409, %select_n3A_413 : vector<16xi32>
    %shift_right_arithmetic3A_416 = arith.constant 1 : i32
    %shift_right_arithmetic3A_417 = vector.broadcast %shift_right_arithmetic3A_416 : i32 to vector<16xi32>
    %shift_right_arithmetic3A_418 = arith.shrsi %add3A_415, %shift_right_arithmetic3A_417 : vector<16xi32>
    %min3A_419 = arith.constant 799 : i32
    %min3A_420 = vector.broadcast %min3A_419 : i32 to vector<16xi32>
    %min3A_421 = arith.minsi %shift_right_arithmetic3A_418, %min3A_420 : vector<16xi32>
    %gather3A_422 = tpu.vector_load_idx %arg5[%min3A_421] : memref<1712xi32, #tpu.memory_space<vmem>>[vector<16xi32>], vector<16xi32>,
    %lt3A_423 = arith.cmpi slt, %gather3A_422, %add3A_14 : vector<16xi32>
    %and3A_424 = arith.andi %lt3A_414, %lt3A_423 : vector<16xi1>
    %add3A_425 = arith.constant 1 : i32
    %add3A_426 = vector.broadcast %add3A_425 : i32 to vector<16xi32>
    %add3A_427 = arith.addi %shift_right_arithmetic3A_418, %add3A_426 : vector<16xi32>
    %select_n3A_428 = arith.select %and3A_424, %add3A_427, %select_n3A_409 : vector<16xi1>, vector<16xi32>
    %not3A_429 = arith.constant dense<true> : vector<16xi1>
    %not3A_430 = arith.xori %lt3A_423, %not3A_429 : vector<16xi1>
    %and3A_431 = arith.andi %lt3A_414, %not3A_430 : vector<16xi1>
    %select_n3A_432 = arith.select %and3A_431, %shift_right_arithmetic3A_418, %select_n3A_413 : vector<16xi1>, vector<16xi32>
    %sub3A = arith.constant 1 : i32
    %sub3A_433 = vector.broadcast %sub3A : i32 to vector<16xi32>
    %sub3A_434 = arith.subi %select_n3A_215, %sub3A_433 : vector<16xi32>
    %jit3A = arith.constant 0 : i32
    %jit3A_435 = arith.constant 781 : i32
    %max3A = vector.broadcast %jit3A : i32 to vector<16xi32>
    %max3A_436 = arith.maxsi %max3A, %sub3A_434 : vector<16xi32>
    %min3A_437 = vector.broadcast %jit3A_435 : i32 to vector<16xi32>
    %min3A_438 = arith.minsi %min3A_437, %max3A_436 : vector<16xi32>
    %sub3A_439 = arith.constant 1 : i32
    %sub3A_440 = vector.broadcast %sub3A_439 : i32 to vector<16xi32>
    %sub3A_441 = arith.subi %select_n3A_428, %sub3A_440 : vector<16xi32>
    %jit3A_442 = arith.constant 0 : i32
    %jit3A_443 = arith.constant 781 : i32
    %max3A_444 = vector.broadcast %jit3A_442 : i32 to vector<16xi32>
    %max3A_445 = arith.maxsi %max3A_444, %sub3A_441 : vector<16xi32>
    %min3A_446 = vector.broadcast %jit3A_443 : i32 to vector<16xi32>
    %min3A_447 = arith.minsi %min3A_446, %max3A_445 : vector<16xi32>
    %mul3A_448 = arith.constant 128 : i32
    %mul3A_449 = vector.broadcast %mul3A_448 : i32 to vector<16xi32>
    %mul3A_450 = arith.muli %min3A_438, %mul3A_449 : vector<16xi32>
    %min3A_451 = arith.constant 99872 : i32
    %min3A_452 = vector.broadcast %min3A_451 : i32 to vector<16xi32>
    %min3A_453 = arith.minsi %mul3A_450, %min3A_452 : vector<16xi32>
    %mul3A_454 = arith.constant 128 : i32
    %mul3A_455 = vector.broadcast %mul3A_454 : i32 to vector<16xi32>
    %mul3A_456 = arith.muli %min3A_447, %mul3A_455 : vector<16xi32>
    %min3A_457 = arith.constant 99872 : i32
    %min3A_458 = vector.broadcast %min3A_457 : i32 to vector<16xi32>
    %min3A_459 = arith.minsi %mul3A_456, %min3A_458 : vector<16xi32>
    %slice3A = vector.extract_strided_slice %min3A_453 {offsets = [0], sizes = [1], strides = [1]} : vector<16xi32> to vector<1xi32>
    %squeeze3A = vector.extract %slice3A[0] : i32 from vector<1xi32>
    %multiple_of3A = tpu.assume_multiple %squeeze3A, 8 : i32
    %slice3A_460 = vector.extract_strided_slice %min3A_459 {offsets = [0], sizes = [1], strides = [1]} : vector<16xi32> to vector<1xi32>
    %squeeze3A_461 = vector.extract %slice3A_460[0] : i32 from vector<1xi32>
    %multiple_of3A_462 = tpu.assume_multiple %squeeze3A_461, 8 : i32
    %dma_start3A_463 = arith.constant 0 : i32
    %dma_start3A_464 = arith.constant 0 : i32
    %dma_start3A_465 = tpu.memref_slice %arg6[%dma_start3A_463, %dma_start3A_464] : memref<16x128xi32, #tpu.memory_space<vmem>> -> memref<1x128xi32, #tpu.memory_space<vmem>>
    %dma_start3A_466 = tpu.memref_squeeze %dma_start3A_465 : memref<1x128xi32, #tpu.memory_space<vmem>> -> memref<128xi32, #tpu.memory_space<vmem>>
    %dma_start3A_467 = tpu.memref_slice %arg2[%multiple_of3A] : memref<100000xi32, #tpu.memory_space<hbm>> -> memref<128xi32, #tpu.memory_space<hbm>>
    %dma_start3A_468 = arith.constant 0 : i32
    %dma_start3A_469 = tpu.memref_slice %arg6[%dma_start3A_463, %dma_start3A_468] : memref<16x128xi32, #tpu.memory_space<vmem>> -> memref<1x128xi32, #tpu.memory_space<vmem>>
    %dma_start3A_470 = tpu.memref_squeeze %dma_start3A_469 : memref<1x128xi32, #tpu.memory_space<vmem>> -> memref<128xi32, #tpu.memory_space<vmem>>
    %dma_start3A_471 = tpu.memref_slice %arg2[%multiple_of3A] : memref<100000xi32, #tpu.memory_space<hbm>> -> memref<128xi32, #tpu.memory_space<hbm>>
    tpu.enqueue_dma source(%dma_start3A_471 : memref<128xi32, #tpu.memory_space<hbm>>) target(%dma_start3A_470 : memref<128xi32, #tpu.memory_space<vmem>>) target_semaphore(%arg11 : memref<!tpu.dma_semaphore, #tpu.memory_space<semaphore_mem>>)
    %dma_start3A_472 = arith.constant 0 : i32
    %dma_start3A_473 = arith.constant 0 : i32
    %dma_start3A_474 = tpu.memref_slice %arg7[%dma_start3A_472, %dma_start3A_473] : memref<16x128xi32, #tpu.memory_space<vmem>> -> memref<1x128xi32, #tpu.memory_space<vmem>>
    %dma_start3A_475 = tpu.memref_squeeze %dma_start3A_474 : memref<1x128xi32, #tpu.memory_space<vmem>> -> memref<128xi32, #tpu.memory_space<vmem>>
    %dma_start3A_476 = tpu.memref_slice %arg2[%multiple_of3A_462] : memref<100000xi32, #tpu.memory_space<hbm>> -> memref<128xi32, #tpu.memory_space<hbm>>
    %dma_start3A_477 = arith.constant 0 : i32
    %dma_start3A_478 = tpu.memref_slice %arg7[%dma_start3A_472, %dma_start3A_477] : memref<16x128xi32, #tpu.memory_space<vmem>> -> memref<1x128xi32, #tpu.memory_space<vmem>>
    %dma_start3A_479 = tpu.memref_squeeze %dma_start3A_478 : memref<1x128xi32, #tpu.memory_space<vmem>> -> memref<128xi32, #tpu.memory_space<vmem>>
    %dma_start3A_480 = tpu.memref_slice %arg2[%multiple_of3A_462] : memref<100000xi32, #tpu.memory_space<hbm>> -> memref<128xi32, #tpu.memory_space<hbm>>
    tpu.enqueue_dma source(%dma_start3A_480 : memref<128xi32, #tpu.memory_space<hbm>>) target(%dma_start3A_479 : memref<128xi32, #tpu.memory_space<vmem>>) target_semaphore(%arg12 : memref<!tpu.dma_semaphore, #tpu.memory_space<semaphore_mem>>)
    %slice3A_481 = vector.extract_strided_slice %min3A_453 {offsets = [1], sizes = [1], strides = [1]} : vector<16xi32> to vector<1xi32>
    %squeeze3A_482 = vector.extract %slice3A_481[0] : i32 from vector<1xi32>
    %multiple_of3A_483 = tpu.assume_multiple %squeeze3A_482, 8 : i32
    %slice3A_484 = vector.extract_strided_slice %min3A_459 {offsets = [1], sizes = [1], strides = [1]} : vector<16xi32> to vector<1xi32>
    %squeeze3A_485 = vector.extract %slice3A_484[0] : i32 from vector<1xi32>
    %multiple_of3A_486 = tpu.assume_multiple %squeeze3A_485, 8 : i32
    %dma_start3A_487 = arith.constant 1 : i32
    %dma_start3A_488 = arith.constant 0 : i32
    %dma_start3A_489 = tpu.memref_slice %arg6[%dma_start3A_487, %dma_start3A_488] : memref<16x128xi32, #tpu.memory_space<vmem>> -> memref<1x128xi32, #tpu.memory_space<vmem>>
    %dma_start3A_490 = tpu.memref_squeeze %dma_start3A_489 : memref<1x128xi32, #tpu.memory_space<vmem>> -> memref<128xi32, #tpu.memory_space<vmem>>
    %dma_start3A_491 = tpu.memref_slice %arg2[%multiple_of3A_483] : memref<100000xi32, #tpu.memory_space<hbm>> -> memref<128xi32, #tpu.memory_space<hbm>>
    %dma_start3A_492 = arith.constant 0 : i32
    %dma_start3A_493 = tpu.memref_slice %arg6[%dma_start3A_487, %dma_start3A_492] : memref<16x128xi32, #tpu.memory_space<vmem>> -> memref<1x128xi32, #tpu.memory_space<vmem>>
    %dma_start3A_494 = tpu.memref_squeeze %dma_start3A_493 : memref<1x128xi32, #tpu.memory_space<vmem>> -> memref<128xi32, #tpu.memory_space<vmem>>
    %dma_start3A_495 = tpu.memref_slice %arg2[%multiple_of3A_483] : memref<100000xi32, #tpu.memory_space<hbm>> -> memref<128xi32, #tpu.memory_space<hbm>>
    tpu.enqueue_dma source(%dma_start3A_495 : memref<128xi32, #tpu.memory_space<hbm>>) target(%dma_start3A_494 : memref<128xi32, #tpu.memory_space<vmem>>) target_semaphore(%arg11 : memref<!tpu.dma_semaphore, #tpu.memory_space<semaphore_mem>>)
    %dma_start3A_496 = arith.constant 1 : i32
    %dma_start3A_497 = arith.constant 0 : i32
    %dma_start3A_498 = tpu.memref_slice %arg7[%dma_start3A_496, %dma_start3A_497] : memref<16x128xi32, #tpu.memory_space<vmem>> -> memref<1x128xi32, #tpu.memory_space<vmem>>
    %dma_start3A_499 = tpu.memref_squeeze %dma_start3A_498 : memref<1x128xi32, #tpu.memory_space<vmem>> -> memref<128xi32, #tpu.memory_space<vmem>>
    %dma_start3A_500 = tpu.memref_slice %arg2[%multiple_of3A_486] : memref<100000xi32, #tpu.memory_space<hbm>> -> memref<128xi32, #tpu.memory_space<hbm>>
    %dma_start3A_501 = arith.constant 0 : i32
    %dma_start3A_502 = tpu.memref_slice %arg7[%dma_start3A_496, %dma_start3A_501] : memref<16x128xi32, #tpu.memory_space<vmem>> -> memref<1x128xi32, #tpu.memory_space<vmem>>
    %dma_start3A_503 = tpu.memref_squeeze %dma_start3A_502 : memref<1x128xi32, #tpu.memory_space<vmem>> -> memref<128xi32, #tpu.memory_space<vmem>>
    %dma_start3A_504 = tpu.memref_slice %arg2[%multiple_of3A_486] : memref<100000xi32, #tpu.memory_space<hbm>> -> memref<128xi32, #tpu.memory_space<hbm>>
    tpu.enqueue_dma source(%dma_start3A_504 : memref<128xi32, #tpu.memory_space<hbm>>) target(%dma_start3A_503 : memref<128xi32, #tpu.memory_space<vmem>>) target_semaphore(%arg12 : memref<!tpu.dma_semaphore, #tpu.memory_space<semaphore_mem>>)
    %slice3A_505 = vector.extract_strided_slice %min3A_453 {offsets = [2], sizes = [1], strides = [1]} : vector<16xi32> to vector<1xi32>
    %squeeze3A_506 = vector.extract %slice3A_505[0] : i32 from vector<1xi32>
    %multiple_of3A_507 = tpu.assume_multiple %squeeze3A_506, 8 : i32
    %slice3A_508 = vector.extract_strided_slice %min3A_459 {offsets = [2], sizes = [1], strides = [1]} : vector<16xi32> to vector<1xi32>
    %squeeze3A_509 = vector.extract %slice3A_508[0] : i32 from vector<1xi32>
    %multiple_of3A_510 = tpu.assume_multiple %squeeze3A_509, 8 : i32
    %dma_start3A_511 = arith.constant 2 : i32
    %dma_start3A_512 = arith.constant 0 : i32
    %dma_start3A_513 = tpu.memref_slice %arg6[%dma_start3A_511, %dma_start3A_512] : memref<16x128xi32, #tpu.memory_space<vmem>> -> memref<1x128xi32, #tpu.memory_space<vmem>>
    %dma_start3A_514 = tpu.memref_squeeze %dma_start3A_513 : memref<1x128xi32, #tpu.memory_space<vmem>> -> memref<128xi32, #tpu.memory_space<vmem>>
    %dma_start3A_515 = tpu.memref_slice %arg2[%multiple_of3A_507] : memref<100000xi32, #tpu.memory_space<hbm>> -> memref<128xi32, #tpu.memory_space<hbm>>
    %dma_start3A_516 = arith.constant 0 : i32
    %dma_start3A_517 = tpu.memref_slice %arg6[%dma_start3A_511, %dma_start3A_516] : memref<16x128xi32, #tpu.memory_space<vmem>> -> memref<1x128xi32, #tpu.memory_space<vmem>>
    %dma_start3A_518 = tpu.memref_squeeze %dma_start3A_517 : memref<1x128xi32, #tpu.memory_space<vmem>> -> memref<128xi32, #tpu.memory_space<vmem>>
    %dma_start3A_519 = tpu.memref_slice %arg2[%multiple_of3A_507] : memref<100000xi32, #tpu.memory_space<hbm>> -> memref<128xi32, #tpu.memory_space<hbm>>
    tpu.enqueue_dma source(%dma_start3A_519 : memref<128xi32, #tpu.memory_space<hbm>>) target(%dma_start3A_518 : memref<128xi32, #tpu.memory_space<vmem>>) target_semaphore(%arg11 : memref<!tpu.dma_semaphore, #tpu.memory_space<semaphore_mem>>)
    %dma_start3A_520 = arith.constant 2 : i32
    %dma_start3A_521 = arith.constant 0 : i32
    %dma_start3A_522 = tpu.memref_slice %arg7[%dma_start3A_520, %dma_start3A_521] : memref<16x128xi32, #tpu.memory_space<vmem>> -> memref<1x128xi32, #tpu.memory_space<vmem>>
    %dma_start3A_523 = tpu.memref_squeeze %dma_start3A_522 : memref<1x128xi32, #tpu.memory_space<vmem>> -> memref<128xi32, #tpu.memory_space<vmem>>
    %dma_start3A_524 = tpu.memref_slice %arg2[%multiple_of3A_510] : memref<100000xi32, #tpu.memory_space<hbm>> -> memref<128xi32, #tpu.memory_space<hbm>>
    %dma_start3A_525 = arith.constant 0 : i32
    %dma_start3A_526 = tpu.memref_slice %arg7[%dma_start3A_520, %dma_start3A_525] : memref<16x128xi32, #tpu.memory_space<vmem>> -> memref<1x128xi32, #tpu.memory_space<vmem>>
    %dma_start3A_527 = tpu.memref_squeeze %dma_start3A_526 : memref<1x128xi32, #tpu.memory_space<vmem>> -> memref<128xi32, #tpu.memory_space<vmem>>
    %dma_start3A_528 = tpu.memref_slice %arg2[%multiple_of3A_510] : memref<100000xi32, #tpu.memory_space<hbm>> -> memref<128xi32, #tpu.memory_space<hbm>>
    tpu.enqueue_dma source(%dma_start3A_528 : memref<128xi32, #tpu.memory_space<hbm>>) target(%dma_start3A_527 : memref<128xi32, #tpu.memory_space<vmem>>) target_semaphore(%arg12 : memref<!tpu.dma_semaphore, #tpu.memory_space<semaphore_mem>>)
    %slice3A_529 = vector.extract_strided_slice %min3A_453 {offsets = [3], sizes = [1], strides = [1]} : vector<16xi32> to vector<1xi32>
    %squeeze3A_530 = vector.extract %slice3A_529[0] : i32 from vector<1xi32>
    %multiple_of3A_531 = tpu.assume_multiple %squeeze3A_530, 8 : i32
    %slice3A_532 = vector.extract_strided_slice %min3A_459 {offsets = [3], sizes = [1], strides = [1]} : vector<16xi32> to vector<1xi32>
    %squeeze3A_533 = vector.extract %slice3A_532[0] : i32 from vector<1xi32>
    %multiple_of3A_534 = tpu.assume_multiple %squeeze3A_533, 8 : i32
    %dma_start3A_535 = arith.constant 3 : i32
    %dma_start3A_536 = arith.constant 0 : i32
    %dma_start3A_537 = tpu.memref_slice %arg6[%dma_start3A_535, %dma_start3A_536] : memref<16x128xi32, #tpu.memory_space<vmem>> -> memref<1x128xi32, #tpu.memory_space<vmem>>
    %dma_start3A_538 = tpu.memref_squeeze %dma_start3A_537 : memref<1x128xi32, #tpu.memory_space<vmem>> -> memref<128xi32, #tpu.memory_space<vmem>>
    %dma_start3A_539 = tpu.memref_slice %arg2[%multiple_of3A_531] : memref<100000xi32, #tpu.memory_space<hbm>> -> memref<128xi32, #tpu.memory_space<hbm>>
    %dma_start3A_540 = arith.constant 0 : i32
    %dma_start3A_541 = tpu.memref_slice %arg6[%dma_start3A_535, %dma_start3A_540] : memref<16x128xi32, #tpu.memory_space<vmem>> -> memref<1x128xi32, #tpu.memory_space<vmem>>
    %dma_start3A_542 = tpu.memref_squeeze %dma_start3A_541 : memref<1x128xi32, #tpu.memory_space<vmem>> -> memref<128xi32, #tpu.memory_space<vmem>>
    %dma_start3A_543 = tpu.memref_slice %arg2[%multiple_of3A_531] : memref<100000xi32, #tpu.memory_space<hbm>> -> memref<128xi32, #tpu.memory_space<hbm>>
    tpu.enqueue_dma source(%dma_start3A_543 : memref<128xi32, #tpu.memory_space<hbm>>) target(%dma_start3A_542 : memref<128xi32, #tpu.memory_space<vmem>>) target_semaphore(%arg11 : memref<!tpu.dma_semaphore, #tpu.memory_space<semaphore_mem>>)
    %dma_start3A_544 = arith.constant 3 : i32
    %dma_start3A_545 = arith.constant 0 : i32
    %dma_start3A_546 = tpu.memref_slice %arg7[%dma_start3A_544, %dma_start3A_545] : memref<16x128xi32, #tpu.memory_space<vmem>> -> memref<1x128xi32, #tpu.memory_space<vmem>>
    %dma_start3A_547 = tpu.memref_squeeze %dma_start3A_546 : memref<1x128xi32, #tpu.memory_space<vmem>> -> memref<128xi32, #tpu.memory_space<vmem>>
    %dma_start3A_548 = tpu.memref_slice %arg2[%multiple_of3A_534] : memref<100000xi32, #tpu.memory_space<hbm>> -> memref<128xi32, #tpu.memory_space<hbm>>
    %dma_start3A_549 = arith.constant 0 : i32
    %dma_start3A_550 = tpu.memref_slice %arg7[%dma_start3A_544, %dma_start3A_549] : memref<16x128xi32, #tpu.memory_space<vmem>> -> memref<1x128xi32, #tpu.memory_space<vmem>>
    %dma_start3A_551 = tpu.memref_squeeze %dma_start3A_550 : memref<1x128xi32, #tpu.memory_space<vmem>> -> memref<128xi32, #tpu.memory_space<vmem>>
    %dma_start3A_552 = tpu.memref_slice %arg2[%multiple_of3A_534] : memref<100000xi32, #tpu.memory_space<hbm>> -> memref<128xi32, #tpu.memory_space<hbm>>
    tpu.enqueue_dma source(%dma_start3A_552 : memref<128xi32, #tpu.memory_space<hbm>>) target(%dma_start3A_551 : memref<128xi32, #tpu.memory_space<vmem>>) target_semaphore(%arg12 : memref<!tpu.dma_semaphore, #tpu.memory_space<semaphore_mem>>)
    %slice3A_553 = vector.extract_strided_slice %min3A_453 {offsets = [4], sizes = [1], strides = [1]} : vector<16xi32> to vector<1xi32>
    %squeeze3A_554 = vector.extract %slice3A_553[0] : i32 from vector<1xi32>
    %multiple_of3A_555 = tpu.assume_multiple %squeeze3A_554, 8 : i32
    %slice3A_556 = vector.extract_strided_slice %min3A_459 {offsets = [4], sizes = [1], strides = [1]} : vector<16xi32> to vector<1xi32>
    %squeeze3A_557 = vector.extract %slice3A_556[0] : i32 from vector<1xi32>
    %multiple_of3A_558 = tpu.assume_multiple %squeeze3A_557, 8 : i32
    %dma_start3A_559 = arith.constant 4 : i32
    %dma_start3A_560 = arith.constant 0 : i32
    %dma_start3A_561 = tpu.memref_slice %arg6[%dma_start3A_559, %dma_start3A_560] : memref<16x128xi32, #tpu.memory_space<vmem>> -> memref<1x128xi32, #tpu.memory_space<vmem>>
    %dma_start3A_562 = tpu.memref_squeeze %dma_start3A_561 : memref<1x128xi32, #tpu.memory_space<vmem>> -> memref<128xi32, #tpu.memory_space<vmem>>
    %dma_start3A_563 = tpu.memref_slice %arg2[%multiple_of3A_555] : memref<100000xi32, #tpu.memory_space<hbm>> -> memref<128xi32, #tpu.memory_space<hbm>>
    %dma_start3A_564 = arith.constant 0 : i32
    %dma_start3A_565 = tpu.memref_slice %arg6[%dma_start3A_559, %dma_start3A_564] : memref<16x128xi32, #tpu.memory_space<vmem>> -> memref<1x128xi32, #tpu.memory_space<vmem>>
    %dma_start3A_566 = tpu.memref_squeeze %dma_start3A_565 : memref<1x128xi32, #tpu.memory_space<vmem>> -> memref<128xi32, #tpu.memory_space<vmem>>
    %dma_start3A_567 = tpu.memref_slice %arg2[%multiple_of3A_555] : memref<100000xi32, #tpu.memory_space<hbm>> -> memref<128xi32, #tpu.memory_space<hbm>>
    tpu.enqueue_dma source(%dma_start3A_567 : memref<128xi32, #tpu.memory_space<hbm>>) target(%dma_start3A_566 : memref<128xi32, #tpu.memory_space<vmem>>) target_semaphore(%arg11 : memref<!tpu.dma_semaphore, #tpu.memory_space<semaphore_mem>>)
    %dma_start3A_568 = arith.constant 4 : i32
    %dma_start3A_569 = arith.constant 0 : i32
    %dma_start3A_570 = tpu.memref_slice %arg7[%dma_start3A_568, %dma_start3A_569] : memref<16x128xi32, #tpu.memory_space<vmem>> -> memref<1x128xi32, #tpu.memory_space<vmem>>
    %dma_start3A_571 = tpu.memref_squeeze %dma_start3A_570 : memref<1x128xi32, #tpu.memory_space<vmem>> -> memref<128xi32, #tpu.memory_space<vmem>>
    %dma_start3A_572 = tpu.memref_slice %arg2[%multiple_of3A_558] : memref<100000xi32, #tpu.memory_space<hbm>> -> memref<128xi32, #tpu.memory_space<hbm>>
    %dma_start3A_573 = arith.constant 0 : i32
    %dma_start3A_574 = tpu.memref_slice %arg7[%dma_start3A_568, %dma_start3A_573] : memref<16x128xi32, #tpu.memory_space<vmem>> -> memref<1x128xi32, #tpu.memory_space<vmem>>
    %dma_start3A_575 = tpu.memref_squeeze %dma_start3A_574 : memref<1x128xi32, #tpu.memory_space<vmem>> -> memref<128xi32, #tpu.memory_space<vmem>>
    %dma_start3A_576 = tpu.memref_slice %arg2[%multiple_of3A_558] : memref<100000xi32, #tpu.memory_space<hbm>> -> memref<128xi32, #tpu.memory_space<hbm>>
    tpu.enqueue_dma source(%dma_start3A_576 : memref<128xi32, #tpu.memory_space<hbm>>) target(%dma_start3A_575 : memref<128xi32, #tpu.memory_space<vmem>>) target_semaphore(%arg12 : memref<!tpu.dma_semaphore, #tpu.memory_space<semaphore_mem>>)
    %slice3A_577 = vector.extract_strided_slice %min3A_453 {offsets = [5], sizes = [1], strides = [1]} : vector<16xi32> to vector<1xi32>
    %squeeze3A_578 = vector.extract %slice3A_577[0] : i32 from vector<1xi32>
    %multiple_of3A_579 = tpu.assume_multiple %squeeze3A_578, 8 : i32
    %slice3A_580 = vector.extract_strided_slice %min3A_459 {offsets = [5], sizes = [1], strides = [1]} : vector<16xi32> to vector<1xi32>
    %squeeze3A_581 = vector.extract %slice3A_580[0] : i32 from vector<1xi32>
    %multiple_of3A_582 = tpu.assume_multiple %squeeze3A_581, 8 : i32
    %dma_start3A_583 = arith.constant 5 : i32
    %dma_start3A_584 = arith.constant 0 : i32
    %dma_start3A_585 = tpu.memref_slice %arg6[%dma_start3A_583, %dma_start3A_584] : memref<16x128xi32, #tpu.memory_space<vmem>> -> memref<1x128xi32, #tpu.memory_space<vmem>>
    %dma_start3A_586 = tpu.memref_squeeze %dma_start3A_585 : memref<1x128xi32, #tpu.memory_space<vmem>> -> memref<128xi32, #tpu.memory_space<vmem>>
    %dma_start3A_587 = tpu.memref_slice %arg2[%multiple_of3A_579] : memref<100000xi32, #tpu.memory_space<hbm>> -> memref<128xi32, #tpu.memory_space<hbm>>
    %dma_start3A_588 = arith.constant 0 : i32
    %dma_start3A_589 = tpu.memref_slice %arg6[%dma_start3A_583, %dma_start3A_588] : memref<16x128xi32, #tpu.memory_space<vmem>> -> memref<1x128xi32, #tpu.memory_space<vmem>>
    %dma_start3A_590 = tpu.memref_squeeze %dma_start3A_589 : memref<1x128xi32, #tpu.memory_space<vmem>> -> memref<128xi32, #tpu.memory_space<vmem>>
    %dma_start3A_591 = tpu.memref_slice %arg2[%multiple_of3A_579] : memref<100000xi32, #tpu.memory_space<hbm>> -> memref<128xi32, #tpu.memory_space<hbm>>
    tpu.enqueue_dma source(%dma_start3A_591 : memref<128xi32, #tpu.memory_space<hbm>>) target(%dma_start3A_590 : memref<128xi32, #tpu.memory_space<vmem>>) target_semaphore(%arg11 : memref<!tpu.dma_semaphore, #tpu.memory_space<semaphore_mem>>)
    %dma_start3A_592 = arith.constant 5 : i32
    %dma_start3A_593 = arith.constant 0 : i32
    %dma_start3A_594 = tpu.memref_slice %arg7[%dma_start3A_592, %dma_start3A_593] : memref<16x128xi32, #tpu.memory_space<vmem>> -> memref<1x128xi32, #tpu.memory_space<vmem>>
    %dma_start3A_595 = tpu.memref_squeeze %dma_start3A_594 : memref<1x128xi32, #tpu.memory_space<vmem>> -> memref<128xi32, #tpu.memory_space<vmem>>
    %dma_start3A_596 = tpu.memref_slice %arg2[%multiple_of3A_582] : memref<100000xi32, #tpu.memory_space<hbm>> -> memref<128xi32, #tpu.memory_space<hbm>>
    %dma_start3A_597 = arith.constant 0 : i32
    %dma_start3A_598 = tpu.memref_slice %arg7[%dma_start3A_592, %dma_start3A_597] : memref<16x128xi32, #tpu.memory_space<vmem>> -> memref<1x128xi32, #tpu.memory_space<vmem>>
    %dma_start3A_599 = tpu.memref_squeeze %dma_start3A_598 : memref<1x128xi32, #tpu.memory_space<vmem>> -> memref<128xi32, #tpu.memory_space<vmem>>
    %dma_start3A_600 = tpu.memref_slice %arg2[%multiple_of3A_582] : memref<100000xi32, #tpu.memory_space<hbm>> -> memref<128xi32, #tpu.memory_space<hbm>>
    tpu.enqueue_dma source(%dma_start3A_600 : memref<128xi32, #tpu.memory_space<hbm>>) target(%dma_start3A_599 : memref<128xi32, #tpu.memory_space<vmem>>) target_semaphore(%arg12 : memref<!tpu.dma_semaphore, #tpu.memory_space<semaphore_mem>>)
    %slice3A_601 = vector.extract_strided_slice %min3A_453 {offsets = [6], sizes = [1], strides = [1]} : vector<16xi32> to vector<1xi32>
    %squeeze3A_602 = vector.extract %slice3A_601[0] : i32 from vector<1xi32>
    %multiple_of3A_603 = tpu.assume_multiple %squeeze3A_602, 8 : i32
    %slice3A_604 = vector.extract_strided_slice %min3A_459 {offsets = [6], sizes = [1], strides = [1]} : vector<16xi32> to vector<1xi32>
    %squeeze3A_605 = vector.extract %slice3A_604[0] : i32 from vector<1xi32>
    %multiple_of3A_606 = tpu.assume_multiple %squeeze3A_605, 8 : i32
    %dma_start3A_607 = arith.constant 6 : i32
    %dma_start3A_608 = arith.constant 0 : i32
    %dma_start3A_609 = tpu.memref_slice %arg6[%dma_start3A_607, %dma_start3A_608] : memref<16x128xi32, #tpu.memory_space<vmem>> -> memref<1x128xi32, #tpu.memory_space<vmem>>
    %dma_start3A_610 = tpu.memref_squeeze %dma_start3A_609 : memref<1x128xi32, #tpu.memory_space<vmem>> -> memref<128xi32, #tpu.memory_space<vmem>>
    %dma_start3A_611 = tpu.memref_slice %arg2[%multiple_of3A_603] : memref<100000xi32, #tpu.memory_space<hbm>> -> memref<128xi32, #tpu.memory_space<hbm>>
    %dma_start3A_612 = arith.constant 0 : i32
    %dma_start3A_613 = tpu.memref_slice %arg6[%dma_start3A_607, %dma_start3A_612] : memref<16x128xi32, #tpu.memory_space<vmem>> -> memref<1x128xi32, #tpu.memory_space<vmem>>
    %dma_start3A_614 = tpu.memref_squeeze %dma_start3A_613 : memref<1x128xi32, #tpu.memory_space<vmem>> -> memref<128xi32, #tpu.memory_space<vmem>>
    %dma_start3A_615 = tpu.memref_slice %arg2[%multiple_of3A_603] : memref<100000xi32, #tpu.memory_space<hbm>> -> memref<128xi32, #tpu.memory_space<hbm>>
    tpu.enqueue_dma source(%dma_start3A_615 : memref<128xi32, #tpu.memory_space<hbm>>) target(%dma_start3A_614 : memref<128xi32, #tpu.memory_space<vmem>>) target_semaphore(%arg11 : memref<!tpu.dma_semaphore, #tpu.memory_space<semaphore_mem>>)
    %dma_start3A_616 = arith.constant 6 : i32
    %dma_start3A_617 = arith.constant 0 : i32
    %dma_start3A_618 = tpu.memref_slice %arg7[%dma_start3A_616, %dma_start3A_617] : memref<16x128xi32, #tpu.memory_space<vmem>> -> memref<1x128xi32, #tpu.memory_space<vmem>>
    %dma_start3A_619 = tpu.memref_squeeze %dma_start3A_618 : memref<1x128xi32, #tpu.memory_space<vmem>> -> memref<128xi32, #tpu.memory_space<vmem>>
    %dma_start3A_620 = tpu.memref_slice %arg2[%multiple_of3A_606] : memref<100000xi32, #tpu.memory_space<hbm>> -> memref<128xi32, #tpu.memory_space<hbm>>
    %dma_start3A_621 = arith.constant 0 : i32
    %dma_start3A_622 = tpu.memref_slice %arg7[%dma_start3A_616, %dma_start3A_621] : memref<16x128xi32, #tpu.memory_space<vmem>> -> memref<1x128xi32, #tpu.memory_space<vmem>>
    %dma_start3A_623 = tpu.memref_squeeze %dma_start3A_622 : memref<1x128xi32, #tpu.memory_space<vmem>> -> memref<128xi32, #tpu.memory_space<vmem>>
    %dma_start3A_624 = tpu.memref_slice %arg2[%multiple_of3A_606] : memref<100000xi32, #tpu.memory_space<hbm>> -> memref<128xi32, #tpu.memory_space<hbm>>
    tpu.enqueue_dma source(%dma_start3A_624 : memref<128xi32, #tpu.memory_space<hbm>>) target(%dma_start3A_623 : memref<128xi32, #tpu.memory_space<vmem>>) target_semaphore(%arg12 : memref<!tpu.dma_semaphore, #tpu.memory_space<semaphore_mem>>)
    %slice3A_625 = vector.extract_strided_slice %min3A_453 {offsets = [7], sizes = [1], strides = [1]} : vector<16xi32> to vector<1xi32>
    %squeeze3A_626 = vector.extract %slice3A_625[0] : i32 from vector<1xi32>
    %multiple_of3A_627 = tpu.assume_multiple %squeeze3A_626, 8 : i32
    %slice3A_628 = vector.extract_strided_slice %min3A_459 {offsets = [7], sizes = [1], strides = [1]} : vector<16xi32> to vector<1xi32>
    %squeeze3A_629 = vector.extract %slice3A_628[0] : i32 from vector<1xi32>
    %multiple_of3A_630 = tpu.assume_multiple %squeeze3A_629, 8 : i32
    %dma_start3A_631 = arith.constant 7 : i32
    %dma_start3A_632 = arith.constant 0 : i32
    %dma_start3A_633 = tpu.memref_slice %arg6[%dma_start3A_631, %dma_start3A_632] : memref<16x128xi32, #tpu.memory_space<vmem>> -> memref<1x128xi32, #tpu.memory_space<vmem>>
    %dma_start3A_634 = tpu.memref_squeeze %dma_start3A_633 : memref<1x128xi32, #tpu.memory_space<vmem>> -> memref<128xi32, #tpu.memory_space<vmem>>
    %dma_start3A_635 = tpu.memref_slice %arg2[%multiple_of3A_627] : memref<100000xi32, #tpu.memory_space<hbm>> -> memref<128xi32, #tpu.memory_space<hbm>>
    %dma_start3A_636 = arith.constant 0 : i32
    %dma_start3A_637 = tpu.memref_slice %arg6[%dma_start3A_631, %dma_start3A_636] : memref<16x128xi32, #tpu.memory_space<vmem>> -> memref<1x128xi32, #tpu.memory_space<vmem>>
    %dma_start3A_638 = tpu.memref_squeeze %dma_start3A_637 : memref<1x128xi32, #tpu.memory_space<vmem>> -> memref<128xi32, #tpu.memory_space<vmem>>
    %dma_start3A_639 = tpu.memref_slice %arg2[%multiple_of3A_627] : memref<100000xi32, #tpu.memory_space<hbm>> -> memref<128xi32, #tpu.memory_space<hbm>>
    tpu.enqueue_dma source(%dma_start3A_639 : memref<128xi32, #tpu.memory_space<hbm>>) target(%dma_start3A_638 : memref<128xi32, #tpu.memory_space<vmem>>) target_semaphore(%arg11 : memref<!tpu.dma_semaphore, #tpu.memory_space<semaphore_mem>>)
    %dma_start3A_640 = arith.constant 7 : i32
    %dma_start3A_641 = arith.constant 0 : i32
    %dma_start3A_642 = tpu.memref_slice %arg7[%dma_start3A_640, %dma_start3A_641] : memref<16x128xi32, #tpu.memory_space<vmem>> -> memref<1x128xi32, #tpu.memory_space<vmem>>
    %dma_start3A_643 = tpu.memref_squeeze %dma_start3A_642 : memref<1x128xi32, #tpu.memory_space<vmem>> -> memref<128xi32, #tpu.memory_space<vmem>>
    %dma_start3A_644 = tpu.memref_slice %arg2[%multiple_of3A_630] : memref<100000xi32, #tpu.memory_space<hbm>> -> memref<128xi32, #tpu.memory_space<hbm>>
    %dma_start3A_645 = arith.constant 0 : i32
    %dma_start3A_646 = tpu.memref_slice %arg7[%dma_start3A_640, %dma_start3A_645] : memref<16x128xi32, #tpu.memory_space<vmem>> -> memref<1x128xi32, #tpu.memory_space<vmem>>
    %dma_start3A_647 = tpu.memref_squeeze %dma_start3A_646 : memref<1x128xi32, #tpu.memory_space<vmem>> -> memref<128xi32, #tpu.memory_space<vmem>>
    %dma_start3A_648 = tpu.memref_slice %arg2[%multiple_of3A_630] : memref<100000xi32, #tpu.memory_space<hbm>> -> memref<128xi32, #tpu.memory_space<hbm>>
    tpu.enqueue_dma source(%dma_start3A_648 : memref<128xi32, #tpu.memory_space<hbm>>) target(%dma_start3A_647 : memref<128xi32, #tpu.memory_space<vmem>>) target_semaphore(%arg12 : memref<!tpu.dma_semaphore, #tpu.memory_space<semaphore_mem>>)
    %slice3A_649 = vector.extract_strided_slice %min3A_453 {offsets = [8], sizes = [1], strides = [1]} : vector<16xi32> to vector<1xi32>
    %squeeze3A_650 = vector.extract %slice3A_649[0] : i32 from vector<1xi32>
    %multiple_of3A_651 = tpu.assume_multiple %squeeze3A_650, 8 : i32
    %slice3A_652 = vector.extract_strided_slice %min3A_459 {offsets = [8], sizes = [1], strides = [1]} : vector<16xi32> to vector<1xi32>
    %squeeze3A_653 = vector.extract %slice3A_652[0] : i32 from vector<1xi32>
    %multiple_of3A_654 = tpu.assume_multiple %squeeze3A_653, 8 : i32
    %dma_start3A_655 = arith.constant 8 : i32
    %dma_start3A_656 = arith.constant 0 : i32
    %dma_start3A_657 = tpu.memref_slice %arg6[%dma_start3A_655, %dma_start3A_656] : memref<16x128xi32, #tpu.memory_space<vmem>> -> memref<1x128xi32, #tpu.memory_space<vmem>>
    %dma_start3A_658 = tpu.memref_squeeze %dma_start3A_657 : memref<1x128xi32, #tpu.memory_space<vmem>> -> memref<128xi32, #tpu.memory_space<vmem>>
    %dma_start3A_659 = tpu.memref_slice %arg2[%multiple_of3A_651] : memref<100000xi32, #tpu.memory_space<hbm>> -> memref<128xi32, #tpu.memory_space<hbm>>
    %dma_start3A_660 = arith.constant 0 : i32
    %dma_start3A_661 = tpu.memref_slice %arg6[%dma_start3A_655, %dma_start3A_660] : memref<16x128xi32, #tpu.memory_space<vmem>> -> memref<1x128xi32, #tpu.memory_space<vmem>>
    %dma_start3A_662 = tpu.memref_squeeze %dma_start3A_661 : memref<1x128xi32, #tpu.memory_space<vmem>> -> memref<128xi32, #tpu.memory_space<vmem>>
    %dma_start3A_663 = tpu.memref_slice %arg2[%multiple_of3A_651] : memref<100000xi32, #tpu.memory_space<hbm>> -> memref<128xi32, #tpu.memory_space<hbm>>
    tpu.enqueue_dma source(%dma_start3A_663 : memref<128xi32, #tpu.memory_space<hbm>>) target(%dma_start3A_662 : memref<128xi32, #tpu.memory_space<vmem>>) target_semaphore(%arg11 : memref<!tpu.dma_semaphore, #tpu.memory_space<semaphore_mem>>)
    %dma_start3A_664 = arith.constant 8 : i32
    %dma_start3A_665 = arith.constant 0 : i32
    %dma_start3A_666 = tpu.memref_slice %arg7[%dma_start3A_664, %dma_start3A_665] : memref<16x128xi32, #tpu.memory_space<vmem>> -> memref<1x128xi32, #tpu.memory_space<vmem>>
    %dma_start3A_667 = tpu.memref_squeeze %dma_start3A_666 : memref<1x128xi32, #tpu.memory_space<vmem>> -> memref<128xi32, #tpu.memory_space<vmem>>
    %dma_start3A_668 = tpu.memref_slice %arg2[%multiple_of3A_654] : memref<100000xi32, #tpu.memory_space<hbm>> -> memref<128xi32, #tpu.memory_space<hbm>>
    %dma_start3A_669 = arith.constant 0 : i32
    %dma_start3A_670 = tpu.memref_slice %arg7[%dma_start3A_664, %dma_start3A_669] : memref<16x128xi32, #tpu.memory_space<vmem>> -> memref<1x128xi32, #tpu.memory_space<vmem>>
    %dma_start3A_671 = tpu.memref_squeeze %dma_start3A_670 : memref<1x128xi32, #tpu.memory_space<vmem>> -> memref<128xi32, #tpu.memory_space<vmem>>
    %dma_start3A_672 = tpu.memref_slice %arg2[%multiple_of3A_654] : memref<100000xi32, #tpu.memory_space<hbm>> -> memref<128xi32, #tpu.memory_space<hbm>>
    tpu.enqueue_dma source(%dma_start3A_672 : memref<128xi32, #tpu.memory_space<hbm>>) target(%dma_start3A_671 : memref<128xi32, #tpu.memory_space<vmem>>) target_semaphore(%arg12 : memref<!tpu.dma_semaphore, #tpu.memory_space<semaphore_mem>>)
    %slice3A_673 = vector.extract_strided_slice %min3A_453 {offsets = [9], sizes = [1], strides = [1]} : vector<16xi32> to vector<1xi32>
    %squeeze3A_674 = vector.extract %slice3A_673[0] : i32 from vector<1xi32>
    %multiple_of3A_675 = tpu.assume_multiple %squeeze3A_674, 8 : i32
    %slice3A_676 = vector.extract_strided_slice %min3A_459 {offsets = [9], sizes = [1], strides = [1]} : vector<16xi32> to vector<1xi32>
    %squeeze3A_677 = vector.extract %slice3A_676[0] : i32 from vector<1xi32>
    %multiple_of3A_678 = tpu.assume_multiple %squeeze3A_677, 8 : i32
    %dma_start3A_679 = arith.constant 9 : i32
    %dma_start3A_680 = arith.constant 0 : i32
    %dma_start3A_681 = tpu.memref_slice %arg6[%dma_start3A_679, %dma_start3A_680] : memref<16x128xi32, #tpu.memory_space<vmem>> -> memref<1x128xi32, #tpu.memory_space<vmem>>
    %dma_start3A_682 = tpu.memref_squeeze %dma_start3A_681 : memref<1x128xi32, #tpu.memory_space<vmem>> -> memref<128xi32, #tpu.memory_space<vmem>>
    %dma_start3A_683 = tpu.memref_slice %arg2[%multiple_of3A_675] : memref<100000xi32, #tpu.memory_space<hbm>> -> memref<128xi32, #tpu.memory_space<hbm>>
    %dma_start3A_684 = arith.constant 0 : i32
    %dma_start3A_685 = tpu.memref_slice %arg6[%dma_start3A_679, %dma_start3A_684] : memref<16x128xi32, #tpu.memory_space<vmem>> -> memref<1x128xi32, #tpu.memory_space<vmem>>
    %dma_start3A_686 = tpu.memref_squeeze %dma_start3A_685 : memref<1x128xi32, #tpu.memory_space<vmem>> -> memref<128xi32, #tpu.memory_space<vmem>>
    %dma_start3A_687 = tpu.memref_slice %arg2[%multiple_of3A_675] : memref<100000xi32, #tpu.memory_space<hbm>> -> memref<128xi32, #tpu.memory_space<hbm>>
    tpu.enqueue_dma source(%dma_start3A_687 : memref<128xi32, #tpu.memory_space<hbm>>) target(%dma_start3A_686 : memref<128xi32, #tpu.memory_space<vmem>>) target_semaphore(%arg11 : memref<!tpu.dma_semaphore, #tpu.memory_space<semaphore_mem>>)
    %dma_start3A_688 = arith.constant 9 : i32
    %dma_start3A_689 = arith.constant 0 : i32
    %dma_start3A_690 = tpu.memref_slice %arg7[%dma_start3A_688, %dma_start3A_689] : memref<16x128xi32, #tpu.memory_space<vmem>> -> memref<1x128xi32, #tpu.memory_space<vmem>>
    %dma_start3A_691 = tpu.memref_squeeze %dma_start3A_690 : memref<1x128xi32, #tpu.memory_space<vmem>> -> memref<128xi32, #tpu.memory_space<vmem>>
    %dma_start3A_692 = tpu.memref_slice %arg2[%multiple_of3A_678] : memref<100000xi32, #tpu.memory_space<hbm>> -> memref<128xi32, #tpu.memory_space<hbm>>
    %dma_start3A_693 = arith.constant 0 : i32
    %dma_start3A_694 = tpu.memref_slice %arg7[%dma_start3A_688, %dma_start3A_693] : memref<16x128xi32, #tpu.memory_space<vmem>> -> memref<1x128xi32, #tpu.memory_space<vmem>>
    %dma_start3A_695 = tpu.memref_squeeze %dma_start3A_694 : memref<1x128xi32, #tpu.memory_space<vmem>> -> memref<128xi32, #tpu.memory_space<vmem>>
    %dma_start3A_696 = tpu.memref_slice %arg2[%multiple_of3A_678] : memref<100000xi32, #tpu.memory_space<hbm>> -> memref<128xi32, #tpu.memory_space<hbm>>
    tpu.enqueue_dma source(%dma_start3A_696 : memref<128xi32, #tpu.memory_space<hbm>>) target(%dma_start3A_695 : memref<128xi32, #tpu.memory_space<vmem>>) target_semaphore(%arg12 : memref<!tpu.dma_semaphore, #tpu.memory_space<semaphore_mem>>)
    %slice3A_697 = vector.extract_strided_slice %min3A_453 {offsets = [10], sizes = [1], strides = [1]} : vector<16xi32> to vector<1xi32>
    %squeeze3A_698 = vector.extract %slice3A_697[0] : i32 from vector<1xi32>
    %multiple_of3A_699 = tpu.assume_multiple %squeeze3A_698, 8 : i32
    %slice3A_700 = vector.extract_strided_slice %min3A_459 {offsets = [10], sizes = [1], strides = [1]} : vector<16xi32> to vector<1xi32>
    %squeeze3A_701 = vector.extract %slice3A_700[0] : i32 from vector<1xi32>
    %multiple_of3A_702 = tpu.assume_multiple %squeeze3A_701, 8 : i32
    %dma_start3A_703 = arith.constant 10 : i32
    %dma_start3A_704 = arith.constant 0 : i32
    %dma_start3A_705 = tpu.memref_slice %arg6[%dma_start3A_703, %dma_start3A_704] : memref<16x128xi32, #tpu.memory_space<vmem>> -> memref<1x128xi32, #tpu.memory_space<vmem>>
    %dma_start3A_706 = tpu.memref_squeeze %dma_start3A_705 : memref<1x128xi32, #tpu.memory_space<vmem>> -> memref<128xi32, #tpu.memory_space<vmem>>
    %dma_start3A_707 = tpu.memref_slice %arg2[%multiple_of3A_699] : memref<100000xi32, #tpu.memory_space<hbm>> -> memref<128xi32, #tpu.memory_space<hbm>>
    %dma_start3A_708 = arith.constant 0 : i32
    %dma_start3A_709 = tpu.memref_slice %arg6[%dma_start3A_703, %dma_start3A_708] : memref<16x128xi32, #tpu.memory_space<vmem>> -> memref<1x128xi32, #tpu.memory_space<vmem>>
    %dma_start3A_710 = tpu.memref_squeeze %dma_start3A_709 : memref<1x128xi32, #tpu.memory_space<vmem>> -> memref<128xi32, #tpu.memory_space<vmem>>
    %dma_start3A_711 = tpu.memref_slice %arg2[%multiple_of3A_699] : memref<100000xi32, #tpu.memory_space<hbm>> -> memref<128xi32, #tpu.memory_space<hbm>>
    tpu.enqueue_dma source(%dma_start3A_711 : memref<128xi32, #tpu.memory_space<hbm>>) target(%dma_start3A_710 : memref<128xi32, #tpu.memory_space<vmem>>) target_semaphore(%arg11 : memref<!tpu.dma_semaphore, #tpu.memory_space<semaphore_mem>>)
    %dma_start3A_712 = arith.constant 10 : i32
    %dma_start3A_713 = arith.constant 0 : i32
    %dma_start3A_714 = tpu.memref_slice %arg7[%dma_start3A_712, %dma_start3A_713] : memref<16x128xi32, #tpu.memory_space<vmem>> -> memref<1x128xi32, #tpu.memory_space<vmem>>
    %dma_start3A_715 = tpu.memref_squeeze %dma_start3A_714 : memref<1x128xi32, #tpu.memory_space<vmem>> -> memref<128xi32, #tpu.memory_space<vmem>>
    %dma_start3A_716 = tpu.memref_slice %arg2[%multiple_of3A_702] : memref<100000xi32, #tpu.memory_space<hbm>> -> memref<128xi32, #tpu.memory_space<hbm>>
    %dma_start3A_717 = arith.constant 0 : i32
    %dma_start3A_718 = tpu.memref_slice %arg7[%dma_start3A_712, %dma_start3A_717] : memref<16x128xi32, #tpu.memory_space<vmem>> -> memref<1x128xi32, #tpu.memory_space<vmem>>
    %dma_start3A_719 = tpu.memref_squeeze %dma_start3A_718 : memref<1x128xi32, #tpu.memory_space<vmem>> -> memref<128xi32, #tpu.memory_space<vmem>>
    %dma_start3A_720 = tpu.memref_slice %arg2[%multiple_of3A_702] : memref<100000xi32, #tpu.memory_space<hbm>> -> memref<128xi32, #tpu.memory_space<hbm>>
    tpu.enqueue_dma source(%dma_start3A_720 : memref<128xi32, #tpu.memory_space<hbm>>) target(%dma_start3A_719 : memref<128xi32, #tpu.memory_space<vmem>>) target_semaphore(%arg12 : memref<!tpu.dma_semaphore, #tpu.memory_space<semaphore_mem>>)
    %slice3A_721 = vector.extract_strided_slice %min3A_453 {offsets = [11], sizes = [1], strides = [1]} : vector<16xi32> to vector<1xi32>
    %squeeze3A_722 = vector.extract %slice3A_721[0] : i32 from vector<1xi32>
    %multiple_of3A_723 = tpu.assume_multiple %squeeze3A_722, 8 : i32
    %slice3A_724 = vector.extract_strided_slice %min3A_459 {offsets = [11], sizes = [1], strides = [1]} : vector<16xi32> to vector<1xi32>
    %squeeze3A_725 = vector.extract %slice3A_724[0] : i32 from vector<1xi32>
    %multiple_of3A_726 = tpu.assume_multiple %squeeze3A_725, 8 : i32
    %dma_start3A_727 = arith.constant 11 : i32
    %dma_start3A_728 = arith.constant 0 : i32
    %dma_start3A_729 = tpu.memref_slice %arg6[%dma_start3A_727, %dma_start3A_728] : memref<16x128xi32, #tpu.memory_space<vmem>> -> memref<1x128xi32, #tpu.memory_space<vmem>>
    %dma_start3A_730 = tpu.memref_squeeze %dma_start3A_729 : memref<1x128xi32, #tpu.memory_space<vmem>> -> memref<128xi32, #tpu.memory_space<vmem>>
    %dma_start3A_731 = tpu.memref_slice %arg2[%multiple_of3A_723] : memref<100000xi32, #tpu.memory_space<hbm>> -> memref<128xi32, #tpu.memory_space<hbm>>
    %dma_start3A_732 = arith.constant 0 : i32
    %dma_start3A_733 = tpu.memref_slice %arg6[%dma_start3A_727, %dma_start3A_732] : memref<16x128xi32, #tpu.memory_space<vmem>> -> memref<1x128xi32, #tpu.memory_space<vmem>>
    %dma_start3A_734 = tpu.memref_squeeze %dma_start3A_733 : memref<1x128xi32, #tpu.memory_space<vmem>> -> memref<128xi32, #tpu.memory_space<vmem>>
    %dma_start3A_735 = tpu.memref_slice %arg2[%multiple_of3A_723] : memref<100000xi32, #tpu.memory_space<hbm>> -> memref<128xi32, #tpu.memory_space<hbm>>
    tpu.enqueue_dma source(%dma_start3A_735 : memref<128xi32, #tpu.memory_space<hbm>>) target(%dma_start3A_734 : memref<128xi32, #tpu.memory_space<vmem>>) target_semaphore(%arg11 : memref<!tpu.dma_semaphore, #tpu.memory_space<semaphore_mem>>)
    %dma_start3A_736 = arith.constant 11 : i32
    %dma_start3A_737 = arith.constant 0 : i32
    %dma_start3A_738 = tpu.memref_slice %arg7[%dma_start3A_736, %dma_start3A_737] : memref<16x128xi32, #tpu.memory_space<vmem>> -> memref<1x128xi32, #tpu.memory_space<vmem>>
    %dma_start3A_739 = tpu.memref_squeeze %dma_start3A_738 : memref<1x128xi32, #tpu.memory_space<vmem>> -> memref<128xi32, #tpu.memory_space<vmem>>
    %dma_start3A_740 = tpu.memref_slice %arg2[%multiple_of3A_726] : memref<100000xi32, #tpu.memory_space<hbm>> -> memref<128xi32, #tpu.memory_space<hbm>>
    %dma_start3A_741 = arith.constant 0 : i32
    %dma_start3A_742 = tpu.memref_slice %arg7[%dma_start3A_736, %dma_start3A_741] : memref<16x128xi32, #tpu.memory_space<vmem>> -> memref<1x128xi32, #tpu.memory_space<vmem>>
    %dma_start3A_743 = tpu.memref_squeeze %dma_start3A_742 : memref<1x128xi32, #tpu.memory_space<vmem>> -> memref<128xi32, #tpu.memory_space<vmem>>
    %dma_start3A_744 = tpu.memref_slice %arg2[%multiple_of3A_726] : memref<100000xi32, #tpu.memory_space<hbm>> -> memref<128xi32, #tpu.memory_space<hbm>>
    tpu.enqueue_dma source(%dma_start3A_744 : memref<128xi32, #tpu.memory_space<hbm>>) target(%dma_start3A_743 : memref<128xi32, #tpu.memory_space<vmem>>) target_semaphore(%arg12 : memref<!tpu.dma_semaphore, #tpu.memory_space<semaphore_mem>>)
    %slice3A_745 = vector.extract_strided_slice %min3A_453 {offsets = [12], sizes = [1], strides = [1]} : vector<16xi32> to vector<1xi32>
    %squeeze3A_746 = vector.extract %slice3A_745[0] : i32 from vector<1xi32>
    %multiple_of3A_747 = tpu.assume_multiple %squeeze3A_746, 8 : i32
    %slice3A_748 = vector.extract_strided_slice %min3A_459 {offsets = [12], sizes = [1], strides = [1]} : vector<16xi32> to vector<1xi32>
    %squeeze3A_749 = vector.extract %slice3A_748[0] : i32 from vector<1xi32>
    %multiple_of3A_750 = tpu.assume_multiple %squeeze3A_749, 8 : i32
    %dma_start3A_751 = arith.constant 12 : i32
    %dma_start3A_752 = arith.constant 0 : i32
    %dma_start3A_753 = tpu.memref_slice %arg6[%dma_start3A_751, %dma_start3A_752] : memref<16x128xi32, #tpu.memory_space<vmem>> -> memref<1x128xi32, #tpu.memory_space<vmem>>
    %dma_start3A_754 = tpu.memref_squeeze %dma_start3A_753 : memref<1x128xi32, #tpu.memory_space<vmem>> -> memref<128xi32, #tpu.memory_space<vmem>>
    %dma_start3A_755 = tpu.memref_slice %arg2[%multiple_of3A_747] : memref<100000xi32, #tpu.memory_space<hbm>> -> memref<128xi32, #tpu.memory_space<hbm>>
    %dma_start3A_756 = arith.constant 0 : i32
    %dma_start3A_757 = tpu.memref_slice %arg6[%dma_start3A_751, %dma_start3A_756] : memref<16x128xi32, #tpu.memory_space<vmem>> -> memref<1x128xi32, #tpu.memory_space<vmem>>
    %dma_start3A_758 = tpu.memref_squeeze %dma_start3A_757 : memref<1x128xi32, #tpu.memory_space<vmem>> -> memref<128xi32, #tpu.memory_space<vmem>>
    %dma_start3A_759 = tpu.memref_slice %arg2[%multiple_of3A_747] : memref<100000xi32, #tpu.memory_space<hbm>> -> memref<128xi32, #tpu.memory_space<hbm>>
    tpu.enqueue_dma source(%dma_start3A_759 : memref<128xi32, #tpu.memory_space<hbm>>) target(%dma_start3A_758 : memref<128xi32, #tpu.memory_space<vmem>>) target_semaphore(%arg11 : memref<!tpu.dma_semaphore, #tpu.memory_space<semaphore_mem>>)
    %dma_start3A_760 = arith.constant 12 : i32
    %dma_start3A_761 = arith.constant 0 : i32
    %dma_start3A_762 = tpu.memref_slice %arg7[%dma_start3A_760, %dma_start3A_761] : memref<16x128xi32, #tpu.memory_space<vmem>> -> memref<1x128xi32, #tpu.memory_space<vmem>>
    %dma_start3A_763 = tpu.memref_squeeze %dma_start3A_762 : memref<1x128xi32, #tpu.memory_space<vmem>> -> memref<128xi32, #tpu.memory_space<vmem>>
    %dma_start3A_764 = tpu.memref_slice %arg2[%multiple_of3A_750] : memref<100000xi32, #tpu.memory_space<hbm>> -> memref<128xi32, #tpu.memory_space<hbm>>
    %dma_start3A_765 = arith.constant 0 : i32
    %dma_start3A_766 = tpu.memref_slice %arg7[%dma_start3A_760, %dma_start3A_765] : memref<16x128xi32, #tpu.memory_space<vmem>> -> memref<1x128xi32, #tpu.memory_space<vmem>>
    %dma_start3A_767 = tpu.memref_squeeze %dma_start3A_766 : memref<1x128xi32, #tpu.memory_space<vmem>> -> memref<128xi32, #tpu.memory_space<vmem>>
    %dma_start3A_768 = tpu.memref_slice %arg2[%multiple_of3A_750] : memref<100000xi32, #tpu.memory_space<hbm>> -> memref<128xi32, #tpu.memory_space<hbm>>
    tpu.enqueue_dma source(%dma_start3A_768 : memref<128xi32, #tpu.memory_space<hbm>>) target(%dma_start3A_767 : memref<128xi32, #tpu.memory_space<vmem>>) target_semaphore(%arg12 : memref<!tpu.dma_semaphore, #tpu.memory_space<semaphore_mem>>)
    %slice3A_769 = vector.extract_strided_slice %min3A_453 {offsets = [13], sizes = [1], strides = [1]} : vector<16xi32> to vector<1xi32>
    %squeeze3A_770 = vector.extract %slice3A_769[0] : i32 from vector<1xi32>
    %multiple_of3A_771 = tpu.assume_multiple %squeeze3A_770, 8 : i32
    %slice3A_772 = vector.extract_strided_slice %min3A_459 {offsets = [13], sizes = [1], strides = [1]} : vector<16xi32> to vector<1xi32>
    %squeeze3A_773 = vector.extract %slice3A_772[0] : i32 from vector<1xi32>
    %multiple_of3A_774 = tpu.assume_multiple %squeeze3A_773, 8 : i32
    %dma_start3A_775 = arith.constant 13 : i32
    %dma_start3A_776 = arith.constant 0 : i32
    %dma_start3A_777 = tpu.memref_slice %arg6[%dma_start3A_775, %dma_start3A_776] : memref<16x128xi32, #tpu.memory_space<vmem>> -> memref<1x128xi32, #tpu.memory_space<vmem>>
    %dma_start3A_778 = tpu.memref_squeeze %dma_start3A_777 : memref<1x128xi32, #tpu.memory_space<vmem>> -> memref<128xi32, #tpu.memory_space<vmem>>
    %dma_start3A_779 = tpu.memref_slice %arg2[%multiple_of3A_771] : memref<100000xi32, #tpu.memory_space<hbm>> -> memref<128xi32, #tpu.memory_space<hbm>>
    %dma_start3A_780 = arith.constant 0 : i32
    %dma_start3A_781 = tpu.memref_slice %arg6[%dma_start3A_775, %dma_start3A_780] : memref<16x128xi32, #tpu.memory_space<vmem>> -> memref<1x128xi32, #tpu.memory_space<vmem>>
    %dma_start3A_782 = tpu.memref_squeeze %dma_start3A_781 : memref<1x128xi32, #tpu.memory_space<vmem>> -> memref<128xi32, #tpu.memory_space<vmem>>
    %dma_start3A_783 = tpu.memref_slice %arg2[%multiple_of3A_771] : memref<100000xi32, #tpu.memory_space<hbm>> -> memref<128xi32, #tpu.memory_space<hbm>>
    tpu.enqueue_dma source(%dma_start3A_783 : memref<128xi32, #tpu.memory_space<hbm>>) target(%dma_start3A_782 : memref<128xi32, #tpu.memory_space<vmem>>) target_semaphore(%arg11 : memref<!tpu.dma_semaphore, #tpu.memory_space<semaphore_mem>>)
    %dma_start3A_784 = arith.constant 13 : i32
    %dma_start3A_785 = arith.constant 0 : i32
    %dma_start3A_786 = tpu.memref_slice %arg7[%dma_start3A_784, %dma_start3A_785] : memref<16x128xi32, #tpu.memory_space<vmem>> -> memref<1x128xi32, #tpu.memory_space<vmem>>
    %dma_start3A_787 = tpu.memref_squeeze %dma_start3A_786 : memref<1x128xi32, #tpu.memory_space<vmem>> -> memref<128xi32, #tpu.memory_space<vmem>>
    %dma_start3A_788 = tpu.memref_slice %arg2[%multiple_of3A_774] : memref<100000xi32, #tpu.memory_space<hbm>> -> memref<128xi32, #tpu.memory_space<hbm>>
    %dma_start3A_789 = arith.constant 0 : i32
    %dma_start3A_790 = tpu.memref_slice %arg7[%dma_start3A_784, %dma_start3A_789] : memref<16x128xi32, #tpu.memory_space<vmem>> -> memref<1x128xi32, #tpu.memory_space<vmem>>
    %dma_start3A_791 = tpu.memref_squeeze %dma_start3A_790 : memref<1x128xi32, #tpu.memory_space<vmem>> -> memref<128xi32, #tpu.memory_space<vmem>>
    %dma_start3A_792 = tpu.memref_slice %arg2[%multiple_of3A_774] : memref<100000xi32, #tpu.memory_space<hbm>> -> memref<128xi32, #tpu.memory_space<hbm>>
    tpu.enqueue_dma source(%dma_start3A_792 : memref<128xi32, #tpu.memory_space<hbm>>) target(%dma_start3A_791 : memref<128xi32, #tpu.memory_space<vmem>>) target_semaphore(%arg12 : memref<!tpu.dma_semaphore, #tpu.memory_space<semaphore_mem>>)
    %slice3A_793 = vector.extract_strided_slice %min3A_453 {offsets = [14], sizes = [1], strides = [1]} : vector<16xi32> to vector<1xi32>
    %squeeze3A_794 = vector.extract %slice3A_793[0] : i32 from vector<1xi32>
    %multiple_of3A_795 = tpu.assume_multiple %squeeze3A_794, 8 : i32
    %slice3A_796 = vector.extract_strided_slice %min3A_459 {offsets = [14], sizes = [1], strides = [1]} : vector<16xi32> to vector<1xi32>
    %squeeze3A_797 = vector.extract %slice3A_796[0] : i32 from vector<1xi32>
    %multiple_of3A_798 = tpu.assume_multiple %squeeze3A_797, 8 : i32
    %dma_start3A_799 = arith.constant 14 : i32
    %dma_start3A_800 = arith.constant 0 : i32
    %dma_start3A_801 = tpu.memref_slice %arg6[%dma_start3A_799, %dma_start3A_800] : memref<16x128xi32, #tpu.memory_space<vmem>> -> memref<1x128xi32, #tpu.memory_space<vmem>>
    %dma_start3A_802 = tpu.memref_squeeze %dma_start3A_801 : memref<1x128xi32, #tpu.memory_space<vmem>> -> memref<128xi32, #tpu.memory_space<vmem>>
    %dma_start3A_803 = tpu.memref_slice %arg2[%multiple_of3A_795] : memref<100000xi32, #tpu.memory_space<hbm>> -> memref<128xi32, #tpu.memory_space<hbm>>
    %dma_start3A_804 = arith.constant 0 : i32
    %dma_start3A_805 = tpu.memref_slice %arg6[%dma_start3A_799, %dma_start3A_804] : memref<16x128xi32, #tpu.memory_space<vmem>> -> memref<1x128xi32, #tpu.memory_space<vmem>>
    %dma_start3A_806 = tpu.memref_squeeze %dma_start3A_805 : memref<1x128xi32, #tpu.memory_space<vmem>> -> memref<128xi32, #tpu.memory_space<vmem>>
    %dma_start3A_807 = tpu.memref_slice %arg2[%multiple_of3A_795] : memref<100000xi32, #tpu.memory_space<hbm>> -> memref<128xi32, #tpu.memory_space<hbm>>
    tpu.enqueue_dma source(%dma_start3A_807 : memref<128xi32, #tpu.memory_space<hbm>>) target(%dma_start3A_806 : memref<128xi32, #tpu.memory_space<vmem>>) target_semaphore(%arg11 : memref<!tpu.dma_semaphore, #tpu.memory_space<semaphore_mem>>)
    %dma_start3A_808 = arith.constant 14 : i32
    %dma_start3A_809 = arith.constant 0 : i32
    %dma_start3A_810 = tpu.memref_slice %arg7[%dma_start3A_808, %dma_start3A_809] : memref<16x128xi32, #tpu.memory_space<vmem>> -> memref<1x128xi32, #tpu.memory_space<vmem>>
    %dma_start3A_811 = tpu.memref_squeeze %dma_start3A_810 : memref<1x128xi32, #tpu.memory_space<vmem>> -> memref<128xi32, #tpu.memory_space<vmem>>
    %dma_start3A_812 = tpu.memref_slice %arg2[%multiple_of3A_798] : memref<100000xi32, #tpu.memory_space<hbm>> -> memref<128xi32, #tpu.memory_space<hbm>>
    %dma_start3A_813 = arith.constant 0 : i32
    %dma_start3A_814 = tpu.memref_slice %arg7[%dma_start3A_808, %dma_start3A_813] : memref<16x128xi32, #tpu.memory_space<vmem>> -> memref<1x128xi32, #tpu.memory_space<vmem>>
    %dma_start3A_815 = tpu.memref_squeeze %dma_start3A_814 : memref<1x128xi32, #tpu.memory_space<vmem>> -> memref<128xi32, #tpu.memory_space<vmem>>
    %dma_start3A_816 = tpu.memref_slice %arg2[%multiple_of3A_798] : memref<100000xi32, #tpu.memory_space<hbm>> -> memref<128xi32, #tpu.memory_space<hbm>>
    tpu.enqueue_dma source(%dma_start3A_816 : memref<128xi32, #tpu.memory_space<hbm>>) target(%dma_start3A_815 : memref<128xi32, #tpu.memory_space<vmem>>) target_semaphore(%arg12 : memref<!tpu.dma_semaphore, #tpu.memory_space<semaphore_mem>>)
    %slice3A_817 = vector.extract_strided_slice %min3A_453 {offsets = [15], sizes = [1], strides = [1]} : vector<16xi32> to vector<1xi32>
    %squeeze3A_818 = vector.extract %slice3A_817[0] : i32 from vector<1xi32>
    %multiple_of3A_819 = tpu.assume_multiple %squeeze3A_818, 8 : i32
    %slice3A_820 = vector.extract_strided_slice %min3A_459 {offsets = [15], sizes = [1], strides = [1]} : vector<16xi32> to vector<1xi32>
    %squeeze3A_821 = vector.extract %slice3A_820[0] : i32 from vector<1xi32>
    %multiple_of3A_822 = tpu.assume_multiple %squeeze3A_821, 8 : i32
    %dma_start3A_823 = arith.constant 15 : i32
    %dma_start3A_824 = arith.constant 0 : i32
    %dma_start3A_825 = tpu.memref_slice %arg6[%dma_start3A_823, %dma_start3A_824] : memref<16x128xi32, #tpu.memory_space<vmem>> -> memref<1x128xi32, #tpu.memory_space<vmem>>
    %dma_start3A_826 = tpu.memref_squeeze %dma_start3A_825 : memref<1x128xi32, #tpu.memory_space<vmem>> -> memref<128xi32, #tpu.memory_space<vmem>>
    %dma_start3A_827 = tpu.memref_slice %arg2[%multiple_of3A_819] : memref<100000xi32, #tpu.memory_space<hbm>> -> memref<128xi32, #tpu.memory_space<hbm>>
    %dma_start3A_828 = arith.constant 0 : i32
    %dma_start3A_829 = tpu.memref_slice %arg6[%dma_start3A_823, %dma_start3A_828] : memref<16x128xi32, #tpu.memory_space<vmem>> -> memref<1x128xi32, #tpu.memory_space<vmem>>
    %dma_start3A_830 = tpu.memref_squeeze %dma_start3A_829 : memref<1x128xi32, #tpu.memory_space<vmem>> -> memref<128xi32, #tpu.memory_space<vmem>>
    %dma_start3A_831 = tpu.memref_slice %arg2[%multiple_of3A_819] : memref<100000xi32, #tpu.memory_space<hbm>> -> memref<128xi32, #tpu.memory_space<hbm>>
    tpu.enqueue_dma source(%dma_start3A_831 : memref<128xi32, #tpu.memory_space<hbm>>) target(%dma_start3A_830 : memref<128xi32, #tpu.memory_space<vmem>>) target_semaphore(%arg11 : memref<!tpu.dma_semaphore, #tpu.memory_space<semaphore_mem>>)
    %dma_start3A_832 = arith.constant 15 : i32
    %dma_start3A_833 = arith.constant 0 : i32
    %dma_start3A_834 = tpu.memref_slice %arg7[%dma_start3A_832, %dma_start3A_833] : memref<16x128xi32, #tpu.memory_space<vmem>> -> memref<1x128xi32, #tpu.memory_space<vmem>>
    %dma_start3A_835 = tpu.memref_squeeze %dma_start3A_834 : memref<1x128xi32, #tpu.memory_space<vmem>> -> memref<128xi32, #tpu.memory_space<vmem>>
    %dma_start3A_836 = tpu.memref_slice %arg2[%multiple_of3A_822] : memref<100000xi32, #tpu.memory_space<hbm>> -> memref<128xi32, #tpu.memory_space<hbm>>
    %dma_start3A_837 = arith.constant 0 : i32
    %dma_start3A_838 = tpu.memref_slice %arg7[%dma_start3A_832, %dma_start3A_837] : memref<16x128xi32, #tpu.memory_space<vmem>> -> memref<1x128xi32, #tpu.memory_space<vmem>>
    %dma_start3A_839 = tpu.memref_squeeze %dma_start3A_838 : memref<1x128xi32, #tpu.memory_space<vmem>> -> memref<128xi32, #tpu.memory_space<vmem>>
    %dma_start3A_840 = tpu.memref_slice %arg2[%multiple_of3A_822] : memref<100000xi32, #tpu.memory_space<hbm>> -> memref<128xi32, #tpu.memory_space<hbm>>
    tpu.enqueue_dma source(%dma_start3A_840 : memref<128xi32, #tpu.memory_space<hbm>>) target(%dma_start3A_839 : memref<128xi32, #tpu.memory_space<vmem>>) target_semaphore(%arg12 : memref<!tpu.dma_semaphore, #tpu.memory_space<semaphore_mem>>)
    %dma_wait3A = arith.constant 800 : i32
    %dma_wait3A_841 = tpu.memref_slice %arg5[%dma_wait3A] : memref<1712xi32, #tpu.memory_space<vmem>> -> memref<912xi32, #tpu.memory_space<vmem>>
    %dma_wait3A_842 = arith.constant 800 : i32
    %dma_wait3A_843 = tpu.memref_slice %arg3[%dma_wait3A_842] : memref<1712xi32, #tpu.memory_space<hbm>> -> memref<912xi32, #tpu.memory_space<hbm>>
    %dma_wait3A_844 = arith.constant 800 : i32
    %dma_wait3A_845 = tpu.memref_slice %arg5[%dma_wait3A_844] : memref<1712xi32, #tpu.memory_space<vmem>> -> memref<912xi32, #tpu.memory_space<vmem>>
    %dma_wait3A_846 = arith.constant 800 : i32
    %dma_wait3A_847 = tpu.memref_slice %arg3[%dma_wait3A_846] : memref<1712xi32, #tpu.memory_space<hbm>> -> memref<912xi32, #tpu.memory_space<hbm>>
    tpu.wait_dma2 semaphore(%arg13 : memref<!tpu.dma_semaphore, #tpu.memory_space<semaphore_mem>>) src(%dma_wait3A_847 : memref<912xi32, #tpu.memory_space<hbm>>) dst(%dma_wait3A_845 : memref<912xi32, #tpu.memory_space<vmem>>)
    %broadcast_in_dim3A_848 = arith.constant 0.000000e+00 : f32
    %broadcast_in_dim3A_849 = vector.broadcast %broadcast_in_dim3A_848 : f32 to vector<16xf32>
    %broadcast_in_dim3A_850 = arith.constant 0.000000e+00 : f32
    %broadcast_in_dim3A_851 = vector.broadcast %broadcast_in_dim3A_850 : f32 to vector<16xf32>
    %broadcast_in_dim3A_852 = arith.constant 0.000000e+00 : f32
    %broadcast_in_dim3A_853 = vector.broadcast %broadcast_in_dim3A_852 : f32 to vector<16xf32>
    %broadcast_in_dim3A_854 = arith.constant 0.000000e+00 : f32
    %broadcast_in_dim3A_855 = vector.broadcast %broadcast_in_dim3A_854 : f32 to vector<16xf32>
    %broadcast_in_dim3A_856 = arith.constant 0.000000e+00 : f32
    %broadcast_in_dim3A_857 = vector.broadcast %broadcast_in_dim3A_856 : f32 to vector<16xf32>
    %broadcast_in_dim3A_858 = arith.constant 0.000000e+00 : f32
    %broadcast_in_dim3A_859 = vector.broadcast %broadcast_in_dim3A_858 : f32 to vector<16xf32>
    %get3A = arith.constant 800 : index
    %get3A_860 = tpu.vector_load %arg5[%get3A] {strides = array<i32>} : memref<1712xi32, #tpu.memory_space<vmem>>, vector<16xi32>,
    %bitcast3A = vector.bitcast %get3A_860 : vector<16xi32> to vector<16xf32>
    %neg3A = arith.constant 0.000000e+00 : f32
    %neg3A_861 = vector.broadcast %neg3A : f32 to vector<16xf32>
    %neg3A_862 = arith.subf %neg3A_861, %bitcast3A : vector<16xf32>
    %exp3A = math.exp %neg3A_862 : vector<16xf32>
    %add3A_863 = arith.constant 1.000000e+00 : f32
    %add3A_864 = vector.broadcast %add3A_863 : f32 to vector<16xf32>
    %add3A_865 = arith.addf %add3A_864, %exp3A : vector<16xf32>
    %div3A = arith.divf %bitcast3A, %add3A_865 : vector<16xf32>
    %add3A_866 = arith.constant 0 : i32
    %add3A_867 = vector.broadcast %add3A_866 : i32 to vector<16xi32>
    %add3A_868 = arith.addi %add3A_867, %iota3A : vector<16xi32>
    %mul3A_869 = arith.constant 6 : i32
    %mul3A_870 = vector.broadcast %mul3A_869 : i32 to vector<16xi32>
    %mul3A_871 = arith.muli %add3A_868, %mul3A_870 : vector<16xi32>
    %add3A_872 = arith.constant 928 : i32
    %add3A_873 = vector.broadcast %add3A_872 : i32 to vector<16xi32>
    %add3A_874 = arith.addi %add3A_873, %mul3A_871 : vector<16xi32>
    %add3A_875 = arith.constant 0 : i32
    %add3A_876 = vector.broadcast %add3A_875 : i32 to vector<16xi32>
    %add3A_877 = arith.addi %add3A_874, %add3A_876 : vector<16xi32>
    %gather3A_878 = tpu.vector_load_idx %arg5[%add3A_877] : memref<1712xi32, #tpu.memory_space<vmem>>[vector<16xi32>], vector<16xi32>,
    %bitcast3A_879 = vector.bitcast %gather3A_878 : vector<16xi32> to vector<16xf32>
    %mul3A_880 = arith.mulf %div3A, %bitcast3A_879 : vector<16xf32>
    %add3A_881 = arith.addf %broadcast_in_dim3A_849, %mul3A_880 : vector<16xf32>
    %add3A_882 = arith.constant 1 : i32
    %add3A_883 = vector.broadcast %add3A_882 : i32 to vector<16xi32>
    %add3A_884 = arith.addi %add3A_874, %add3A_883 : vector<16xi32>
    %gather3A_885 = tpu.vector_load_idx %arg5[%add3A_884] : memref<1712xi32, #tpu.memory_space<vmem>>[vector<16xi32>], vector<16xi32>,
    %bitcast3A_886 = vector.bitcast %gather3A_885 : vector<16xi32> to vector<16xf32>
    %mul3A_887 = arith.mulf %div3A, %bitcast3A_886 : vector<16xf32>
    %add3A_888 = arith.addf %broadcast_in_dim3A_851, %mul3A_887 : vector<16xf32>
    %add3A_889 = arith.constant 2 : i32
    %add3A_890 = vector.broadcast %add3A_889 : i32 to vector<16xi32>
    %add3A_891 = arith.addi %add3A_874, %add3A_890 : vector<16xi32>
    %gather3A_892 = tpu.vector_load_idx %arg5[%add3A_891] : memref<1712xi32, #tpu.memory_space<vmem>>[vector<16xi32>], vector<16xi32>,
    %bitcast3A_893 = vector.bitcast %gather3A_892 : vector<16xi32> to vector<16xf32>
    %mul3A_894 = arith.mulf %div3A, %bitcast3A_893 : vector<16xf32>
    %add3A_895 = arith.addf %broadcast_in_dim3A_853, %mul3A_894 : vector<16xf32>
    %add3A_896 = arith.constant 3 : i32
    %add3A_897 = vector.broadcast %add3A_896 : i32 to vector<16xi32>
    %add3A_898 = arith.addi %add3A_874, %add3A_897 : vector<16xi32>
    %gather3A_899 = tpu.vector_load_idx %arg5[%add3A_898] : memref<1712xi32, #tpu.memory_space<vmem>>[vector<16xi32>], vector<16xi32>,
    %bitcast3A_900 = vector.bitcast %gather3A_899 : vector<16xi32> to vector<16xf32>
    %mul3A_901 = arith.mulf %div3A, %bitcast3A_900 : vector<16xf32>
    %add3A_902 = arith.addf %broadcast_in_dim3A_855, %mul3A_901 : vector<16xf32>
    %add3A_903 = arith.constant 4 : i32
    %add3A_904 = vector.broadcast %add3A_903 : i32 to vector<16xi32>
    %add3A_905 = arith.addi %add3A_874, %add3A_904 : vector<16xi32>
    %gather3A_906 = tpu.vector_load_idx %arg5[%add3A_905] : memref<1712xi32, #tpu.memory_space<vmem>>[vector<16xi32>], vector<16xi32>,
    %bitcast3A_907 = vector.bitcast %gather3A_906 : vector<16xi32> to vector<16xf32>
    %mul3A_908 = arith.mulf %div3A, %bitcast3A_907 : vector<16xf32>
    %add3A_909 = arith.addf %broadcast_in_dim3A_857, %mul3A_908 : vector<16xf32>
    %add3A_910 = arith.constant 5 : i32
    %add3A_911 = vector.broadcast %add3A_910 : i32 to vector<16xi32>
    %add3A_912 = arith.addi %add3A_874, %add3A_911 : vector<16xi32>
    %gather3A_913 = tpu.vector_load_idx %arg5[%add3A_912] : memref<1712xi32, #tpu.memory_space<vmem>>[vector<16xi32>], vector<16xi32>,
    %bitcast3A_914 = vector.bitcast %gather3A_913 : vector<16xi32> to vector<16xf32>
    %mul3A_915 = arith.mulf %div3A, %bitcast3A_914 : vector<16xf32>
    %add3A_916 = arith.addf %broadcast_in_dim3A_859, %mul3A_915 : vector<16xf32>
    %get3A_917 = arith.constant 816 : index
    %get3A_918 = tpu.vector_load %arg5[%get3A_917] {strides = array<i32>} : memref<1712xi32, #tpu.memory_space<vmem>>, vector<16xi32>,
    %bitcast3A_919 = vector.bitcast %get3A_918 : vector<16xi32> to vector<16xf32>
    %neg3A_920 = arith.constant 0.000000e+00 : f32
    %neg3A_921 = vector.broadcast %neg3A_920 : f32 to vector<16xf32>
    %neg3A_922 = arith.subf %neg3A_921, %bitcast3A_919 : vector<16xf32>
    %exp3A_923 = math.exp %neg3A_922 : vector<16xf32>
    %add3A_924 = arith.constant 1.000000e+00 : f32
    %add3A_925 = vector.broadcast %add3A_924 : f32 to vector<16xf32>
    %add3A_926 = arith.addf %add3A_925, %exp3A_923 : vector<16xf32>
    %div3A_927 = arith.divf %bitcast3A_919, %add3A_926 : vector<16xf32>
    %add3A_928 = arith.constant 16 : i32
    %add3A_929 = vector.broadcast %add3A_928 : i32 to vector<16xi32>
    %add3A_930 = arith.addi %add3A_929, %iota3A : vector<16xi32>
    %mul3A_931 = arith.constant 6 : i32
    %mul3A_932 = vector.broadcast %mul3A_931 : i32 to vector<16xi32>
    %mul3A_933 = arith.muli %add3A_930, %mul3A_932 : vector<16xi32>
    %add3A_934 = arith.constant 928 : i32
    %add3A_935 = vector.broadcast %add3A_934 : i32 to vector<16xi32>
    %add3A_936 = arith.addi %add3A_935, %mul3A_933 : vector<16xi32>
    %add3A_937 = arith.constant 0 : i32
    %add3A_938 = vector.broadcast %add3A_937 : i32 to vector<16xi32>
    %add3A_939 = arith.addi %add3A_936, %add3A_938 : vector<16xi32>
    %gather3A_940 = tpu.vector_load_idx %arg5[%add3A_939] : memref<1712xi32, #tpu.memory_space<vmem>>[vector<16xi32>], vector<16xi32>,
    %bitcast3A_941 = vector.bitcast %gather3A_940 : vector<16xi32> to vector<16xf32>
    %mul3A_942 = arith.mulf %div3A_927, %bitcast3A_941 : vector<16xf32>
    %add3A_943 = arith.addf %add3A_881, %mul3A_942 : vector<16xf32>
    %add3A_944 = arith.constant 1 : i32
    %add3A_945 = vector.broadcast %add3A_944 : i32 to vector<16xi32>
    %add3A_946 = arith.addi %add3A_936, %add3A_945 : vector<16xi32>
    %gather3A_947 = tpu.vector_load_idx %arg5[%add3A_946] : memref<1712xi32, #tpu.memory_space<vmem>>[vector<16xi32>], vector<16xi32>,
    %bitcast3A_948 = vector.bitcast %gather3A_947 : vector<16xi32> to vector<16xf32>
    %mul3A_949 = arith.mulf %div3A_927, %bitcast3A_948 : vector<16xf32>
    %add3A_950 = arith.addf %add3A_888, %mul3A_949 : vector<16xf32>
    %add3A_951 = arith.constant 2 : i32
    %add3A_952 = vector.broadcast %add3A_951 : i32 to vector<16xi32>
    %add3A_953 = arith.addi %add3A_936, %add3A_952 : vector<16xi32>
    %gather3A_954 = tpu.vector_load_idx %arg5[%add3A_953] : memref<1712xi32, #tpu.memory_space<vmem>>[vector<16xi32>], vector<16xi32>,
    %bitcast3A_955 = vector.bitcast %gather3A_954 : vector<16xi32> to vector<16xf32>
    %mul3A_956 = arith.mulf %div3A_927, %bitcast3A_955 : vector<16xf32>
    %add3A_957 = arith.addf %add3A_895, %mul3A_956 : vector<16xf32>
    %add3A_958 = arith.constant 3 : i32
    %add3A_959 = vector.broadcast %add3A_958 : i32 to vector<16xi32>
    %add3A_960 = arith.addi %add3A_936, %add3A_959 : vector<16xi32>
    %gather3A_961 = tpu.vector_load_idx %arg5[%add3A_960] : memref<1712xi32, #tpu.memory_space<vmem>>[vector<16xi32>], vector<16xi32>,
    %bitcast3A_962 = vector.bitcast %gather3A_961 : vector<16xi32> to vector<16xf32>
    %mul3A_963 = arith.mulf %div3A_927, %bitcast3A_962 : vector<16xf32>
    %add3A_964 = arith.addf %add3A_902, %mul3A_963 : vector<16xf32>
    %add3A_965 = arith.constant 4 : i32
    %add3A_966 = vector.broadcast %add3A_965 : i32 to vector<16xi32>
    %add3A_967 = arith.addi %add3A_936, %add3A_966 : vector<16xi32>
    %gather3A_968 = tpu.vector_load_idx %arg5[%add3A_967] : memref<1712xi32, #tpu.memory_space<vmem>>[vector<16xi32>], vector<16xi32>,
    %bitcast3A_969 = vector.bitcast %gather3A_968 : vector<16xi32> to vector<16xf32>
    %mul3A_970 = arith.mulf %div3A_927, %bitcast3A_969 : vector<16xf32>
    %add3A_971 = arith.addf %add3A_909, %mul3A_970 : vector<16xf32>
    %add3A_972 = arith.constant 5 : i32
    %add3A_973 = vector.broadcast %add3A_972 : i32 to vector<16xi32>
    %add3A_974 = arith.addi %add3A_936, %add3A_973 : vector<16xi32>
    %gather3A_975 = tpu.vector_load_idx %arg5[%add3A_974] : memref<1712xi32, #tpu.memory_space<vmem>>[vector<16xi32>], vector<16xi32>,
    %bitcast3A_976 = vector.bitcast %gather3A_975 : vector<16xi32> to vector<16xf32>
    %mul3A_977 = arith.mulf %div3A_927, %bitcast3A_976 : vector<16xf32>
    %add3A_978 = arith.addf %add3A_916, %mul3A_977 : vector<16xf32>
    %get3A_979 = arith.constant 832 : index
    %get3A_980 = tpu.vector_load %arg5[%get3A_979] {strides = array<i32>} : memref<1712xi32, #tpu.memory_space<vmem>>, vector<16xi32>,
    %bitcast3A_981 = vector.bitcast %get3A_980 : vector<16xi32> to vector<16xf32>
    %neg3A_982 = arith.constant 0.000000e+00 : f32
    %neg3A_983 = vector.broadcast %neg3A_982 : f32 to vector<16xf32>
    %neg3A_984 = arith.subf %neg3A_983, %bitcast3A_981 : vector<16xf32>
    %exp3A_985 = math.exp %neg3A_984 : vector<16xf32>
    %add3A_986 = arith.constant 1.000000e+00 : f32
    %add3A_987 = vector.broadcast %add3A_986 : f32 to vector<16xf32>
    %add3A_988 = arith.addf %add3A_987, %exp3A_985 : vector<16xf32>
    %div3A_989 = arith.divf %bitcast3A_981, %add3A_988 : vector<16xf32>
    %add3A_990 = arith.constant 32 : i32
    %add3A_991 = vector.broadcast %add3A_990 : i32 to vector<16xi32>
    %add3A_992 = arith.addi %add3A_991, %iota3A : vector<16xi32>
    %mul3A_993 = arith.constant 6 : i32
    %mul3A_994 = vector.broadcast %mul3A_993 : i32 to vector<16xi32>
    %mul3A_995 = arith.muli %add3A_992, %mul3A_994 : vector<16xi32>
    %add3A_996 = arith.constant 928 : i32
    %add3A_997 = vector.broadcast %add3A_996 : i32 to vector<16xi32>
    %add3A_998 = arith.addi %add3A_997, %mul3A_995 : vector<16xi32>
    %add3A_999 = arith.constant 0 : i32
    %add3A_1000 = vector.broadcast %add3A_999 : i32 to vector<16xi32>
    %add3A_1001 = arith.addi %add3A_998, %add3A_1000 : vector<16xi32>
    %gather3A_1002 = tpu.vector_load_idx %arg5[%add3A_1001] : memref<1712xi32, #tpu.memory_space<vmem>>[vector<16xi32>], vector<16xi32>,
    %bitcast3A_1003 = vector.bitcast %gather3A_1002 : vector<16xi32> to vector<16xf32>
    %mul3A_1004 = arith.mulf %div3A_989, %bitcast3A_1003 : vector<16xf32>
    %add3A_1005 = arith.addf %add3A_943, %mul3A_1004 : vector<16xf32>
    %add3A_1006 = arith.constant 1 : i32
    %add3A_1007 = vector.broadcast %add3A_1006 : i32 to vector<16xi32>
    %add3A_1008 = arith.addi %add3A_998, %add3A_1007 : vector<16xi32>
    %gather3A_1009 = tpu.vector_load_idx %arg5[%add3A_1008] : memref<1712xi32, #tpu.memory_space<vmem>>[vector<16xi32>], vector<16xi32>,
    %bitcast3A_1010 = vector.bitcast %gather3A_1009 : vector<16xi32> to vector<16xf32>
    %mul3A_1011 = arith.mulf %div3A_989, %bitcast3A_1010 : vector<16xf32>
    %add3A_1012 = arith.addf %add3A_950, %mul3A_1011 : vector<16xf32>
    %add3A_1013 = arith.constant 2 : i32
    %add3A_1014 = vector.broadcast %add3A_1013 : i32 to vector<16xi32>
    %add3A_1015 = arith.addi %add3A_998, %add3A_1014 : vector<16xi32>
    %gather3A_1016 = tpu.vector_load_idx %arg5[%add3A_1015] : memref<1712xi32, #tpu.memory_space<vmem>>[vector<16xi32>], vector<16xi32>,
    %bitcast3A_1017 = vector.bitcast %gather3A_1016 : vector<16xi32> to vector<16xf32>
    %mul3A_1018 = arith.mulf %div3A_989, %bitcast3A_1017 : vector<16xf32>
    %add3A_1019 = arith.addf %add3A_957, %mul3A_1018 : vector<16xf32>
    %add3A_1020 = arith.constant 3 : i32
    %add3A_1021 = vector.broadcast %add3A_1020 : i32 to vector<16xi32>
    %add3A_1022 = arith.addi %add3A_998, %add3A_1021 : vector<16xi32>
    %gather3A_1023 = tpu.vector_load_idx %arg5[%add3A_1022] : memref<1712xi32, #tpu.memory_space<vmem>>[vector<16xi32>], vector<16xi32>,
    %bitcast3A_1024 = vector.bitcast %gather3A_1023 : vector<16xi32> to vector<16xf32>
    %mul3A_1025 = arith.mulf %div3A_989, %bitcast3A_1024 : vector<16xf32>
    %add3A_1026 = arith.addf %add3A_964, %mul3A_1025 : vector<16xf32>
    %add3A_1027 = arith.constant 4 : i32
    %add3A_1028 = vector.broadcast %add3A_1027 : i32 to vector<16xi32>
    %add3A_1029 = arith.addi %add3A_998, %add3A_1028 : vector<16xi32>
    %gather3A_1030 = tpu.vector_load_idx %arg5[%add3A_1029] : memref<1712xi32, #tpu.memory_space<vmem>>[vector<16xi32>], vector<16xi32>,
    %bitcast3A_1031 = vector.bitcast %gather3A_1030 : vector<16xi32> to vector<16xf32>
    %mul3A_1032 = arith.mulf %div3A_989, %bitcast3A_1031 : vector<16xf32>
    %add3A_1033 = arith.addf %add3A_971, %mul3A_1032 : vector<16xf32>
    %add3A_1034 = arith.constant 5 : i32
    %add3A_1035 = vector.broadcast %add3A_1034 : i32 to vector<16xi32>
    %add3A_1036 = arith.addi %add3A_998, %add3A_1035 : vector<16xi32>
    %gather3A_1037 = tpu.vector_load_idx %arg5[%add3A_1036] : memref<1712xi32, #tpu.memory_space<vmem>>[vector<16xi32>], vector<16xi32>,
    %bitcast3A_1038 = vector.bitcast %gather3A_1037 : vector<16xi32> to vector<16xf32>
    %mul3A_1039 = arith.mulf %div3A_989, %bitcast3A_1038 : vector<16xf32>
    %add3A_1040 = arith.addf %add3A_978, %mul3A_1039 : vector<16xf32>
    %get3A_1041 = arith.constant 848 : index
    %get3A_1042 = tpu.vector_load %arg5[%get3A_1041] {strides = array<i32>} : memref<1712xi32, #tpu.memory_space<vmem>>, vector<16xi32>,
    %bitcast3A_1043 = vector.bitcast %get3A_1042 : vector<16xi32> to vector<16xf32>
    %neg3A_1044 = arith.constant 0.000000e+00 : f32
    %neg3A_1045 = vector.broadcast %neg3A_1044 : f32 to vector<16xf32>
    %neg3A_1046 = arith.subf %neg3A_1045, %bitcast3A_1043 : vector<16xf32>
    %exp3A_1047 = math.exp %neg3A_1046 : vector<16xf32>
    %add3A_1048 = arith.constant 1.000000e+00 : f32
    %add3A_1049 = vector.broadcast %add3A_1048 : f32 to vector<16xf32>
    %add3A_1050 = arith.addf %add3A_1049, %exp3A_1047 : vector<16xf32>
    %div3A_1051 = arith.divf %bitcast3A_1043, %add3A_1050 : vector<16xf32>
    %add3A_1052 = arith.constant 48 : i32
    %add3A_1053 = vector.broadcast %add3A_1052 : i32 to vector<16xi32>
    %add3A_1054 = arith.addi %add3A_1053, %iota3A : vector<16xi32>
    %mul3A_1055 = arith.constant 6 : i32
    %mul3A_1056 = vector.broadcast %mul3A_1055 : i32 to vector<16xi32>
    %mul3A_1057 = arith.muli %add3A_1054, %mul3A_1056 : vector<16xi32>
    %add3A_1058 = arith.constant 928 : i32
    %add3A_1059 = vector.broadcast %add3A_1058 : i32 to vector<16xi32>
    %add3A_1060 = arith.addi %add3A_1059, %mul3A_1057 : vector<16xi32>
    %add3A_1061 = arith.constant 0 : i32
    %add3A_1062 = vector.broadcast %add3A_1061 : i32 to vector<16xi32>
    %add3A_1063 = arith.addi %add3A_1060, %add3A_1062 : vector<16xi32>
    %gather3A_1064 = tpu.vector_load_idx %arg5[%add3A_1063] : memref<1712xi32, #tpu.memory_space<vmem>>[vector<16xi32>], vector<16xi32>,
    %bitcast3A_1065 = vector.bitcast %gather3A_1064 : vector<16xi32> to vector<16xf32>
    %mul3A_1066 = arith.mulf %div3A_1051, %bitcast3A_1065 : vector<16xf32>
    %add3A_1067 = arith.addf %add3A_1005, %mul3A_1066 : vector<16xf32>
    %add3A_1068 = arith.constant 1 : i32
    %add3A_1069 = vector.broadcast %add3A_1068 : i32 to vector<16xi32>
    %add3A_1070 = arith.addi %add3A_1060, %add3A_1069 : vector<16xi32>
    %gather3A_1071 = tpu.vector_load_idx %arg5[%add3A_1070] : memref<1712xi32, #tpu.memory_space<vmem>>[vector<16xi32>], vector<16xi32>,
    %bitcast3A_1072 = vector.bitcast %gather3A_1071 : vector<16xi32> to vector<16xf32>
    %mul3A_1073 = arith.mulf %div3A_1051, %bitcast3A_1072 : vector<16xf32>
    %add3A_1074 = arith.addf %add3A_1012, %mul3A_1073 : vector<16xf32>
    %add3A_1075 = arith.constant 2 : i32
    %add3A_1076 = vector.broadcast %add3A_1075 : i32 to vector<16xi32>
    %add3A_1077 = arith.addi %add3A_1060, %add3A_1076 : vector<16xi32>
    %gather3A_1078 = tpu.vector_load_idx %arg5[%add3A_1077] : memref<1712xi32, #tpu.memory_space<vmem>>[vector<16xi32>], vector<16xi32>,
    %bitcast3A_1079 = vector.bitcast %gather3A_1078 : vector<16xi32> to vector<16xf32>
    %mul3A_1080 = arith.mulf %div3A_1051, %bitcast3A_1079 : vector<16xf32>
    %add3A_1081 = arith.addf %add3A_1019, %mul3A_1080 : vector<16xf32>
    %add3A_1082 = arith.constant 3 : i32
    %add3A_1083 = vector.broadcast %add3A_1082 : i32 to vector<16xi32>
    %add3A_1084 = arith.addi %add3A_1060, %add3A_1083 : vector<16xi32>
    %gather3A_1085 = tpu.vector_load_idx %arg5[%add3A_1084] : memref<1712xi32, #tpu.memory_space<vmem>>[vector<16xi32>], vector<16xi32>,
    %bitcast3A_1086 = vector.bitcast %gather3A_1085 : vector<16xi32> to vector<16xf32>
    %mul3A_1087 = arith.mulf %div3A_1051, %bitcast3A_1086 : vector<16xf32>
    %add3A_1088 = arith.addf %add3A_1026, %mul3A_1087 : vector<16xf32>
    %add3A_1089 = arith.constant 4 : i32
    %add3A_1090 = vector.broadcast %add3A_1089 : i32 to vector<16xi32>
    %add3A_1091 = arith.addi %add3A_1060, %add3A_1090 : vector<16xi32>
    %gather3A_1092 = tpu.vector_load_idx %arg5[%add3A_1091] : memref<1712xi32, #tpu.memory_space<vmem>>[vector<16xi32>], vector<16xi32>,
    %bitcast3A_1093 = vector.bitcast %gather3A_1092 : vector<16xi32> to vector<16xf32>
    %mul3A_1094 = arith.mulf %div3A_1051, %bitcast3A_1093 : vector<16xf32>
    %add3A_1095 = arith.addf %add3A_1033, %mul3A_1094 : vector<16xf32>
    %add3A_1096 = arith.constant 5 : i32
    %add3A_1097 = vector.broadcast %add3A_1096 : i32 to vector<16xi32>
    %add3A_1098 = arith.addi %add3A_1060, %add3A_1097 : vector<16xi32>
    %gather3A_1099 = tpu.vector_load_idx %arg5[%add3A_1098] : memref<1712xi32, #tpu.memory_space<vmem>>[vector<16xi32>], vector<16xi32>,
    %bitcast3A_1100 = vector.bitcast %gather3A_1099 : vector<16xi32> to vector<16xf32>
    %mul3A_1101 = arith.mulf %div3A_1051, %bitcast3A_1100 : vector<16xf32>
    %add3A_1102 = arith.addf %add3A_1040, %mul3A_1101 : vector<16xf32>
    %get3A_1103 = arith.constant 864 : index
    %get3A_1104 = tpu.vector_load %arg5[%get3A_1103] {strides = array<i32>} : memref<1712xi32, #tpu.memory_space<vmem>>, vector<16xi32>,
    %bitcast3A_1105 = vector.bitcast %get3A_1104 : vector<16xi32> to vector<16xf32>
    %neg3A_1106 = arith.constant 0.000000e+00 : f32
    %neg3A_1107 = vector.broadcast %neg3A_1106 : f32 to vector<16xf32>
    %neg3A_1108 = arith.subf %neg3A_1107, %bitcast3A_1105 : vector<16xf32>
    %exp3A_1109 = math.exp %neg3A_1108 : vector<16xf32>
    %add3A_1110 = arith.constant 1.000000e+00 : f32
    %add3A_1111 = vector.broadcast %add3A_1110 : f32 to vector<16xf32>
    %add3A_1112 = arith.addf %add3A_1111, %exp3A_1109 : vector<16xf32>
    %div3A_1113 = arith.divf %bitcast3A_1105, %add3A_1112 : vector<16xf32>
    %add3A_1114 = arith.constant 64 : i32
    %add3A_1115 = vector.broadcast %add3A_1114 : i32 to vector<16xi32>
    %add3A_1116 = arith.addi %add3A_1115, %iota3A : vector<16xi32>
    %mul3A_1117 = arith.constant 6 : i32
    %mul3A_1118 = vector.broadcast %mul3A_1117 : i32 to vector<16xi32>
    %mul3A_1119 = arith.muli %add3A_1116, %mul3A_1118 : vector<16xi32>
    %add3A_1120 = arith.constant 928 : i32
    %add3A_1121 = vector.broadcast %add3A_1120 : i32 to vector<16xi32>
    %add3A_1122 = arith.addi %add3A_1121, %mul3A_1119 : vector<16xi32>
    %add3A_1123 = arith.constant 0 : i32
    %add3A_1124 = vector.broadcast %add3A_1123 : i32 to vector<16xi32>
    %add3A_1125 = arith.addi %add3A_1122, %add3A_1124 : vector<16xi32>
    %gather3A_1126 = tpu.vector_load_idx %arg5[%add3A_1125] : memref<1712xi32, #tpu.memory_space<vmem>>[vector<16xi32>], vector<16xi32>,
    %bitcast3A_1127 = vector.bitcast %gather3A_1126 : vector<16xi32> to vector<16xf32>
    %mul3A_1128 = arith.mulf %div3A_1113, %bitcast3A_1127 : vector<16xf32>
    %add3A_1129 = arith.addf %add3A_1067, %mul3A_1128 : vector<16xf32>
    %add3A_1130 = arith.constant 1 : i32
    %add3A_1131 = vector.broadcast %add3A_1130 : i32 to vector<16xi32>
    %add3A_1132 = arith.addi %add3A_1122, %add3A_1131 : vector<16xi32>
    %gather3A_1133 = tpu.vector_load_idx %arg5[%add3A_1132] : memref<1712xi32, #tpu.memory_space<vmem>>[vector<16xi32>], vector<16xi32>,
    %bitcast3A_1134 = vector.bitcast %gather3A_1133 : vector<16xi32> to vector<16xf32>
    %mul3A_1135 = arith.mulf %div3A_1113, %bitcast3A_1134 : vector<16xf32>
    %add3A_1136 = arith.addf %add3A_1074, %mul3A_1135 : vector<16xf32>
    %add3A_1137 = arith.constant 2 : i32
    %add3A_1138 = vector.broadcast %add3A_1137 : i32 to vector<16xi32>
    %add3A_1139 = arith.addi %add3A_1122, %add3A_1138 : vector<16xi32>
    %gather3A_1140 = tpu.vector_load_idx %arg5[%add3A_1139] : memref<1712xi32, #tpu.memory_space<vmem>>[vector<16xi32>], vector<16xi32>,
    %bitcast3A_1141 = vector.bitcast %gather3A_1140 : vector<16xi32> to vector<16xf32>
    %mul3A_1142 = arith.mulf %div3A_1113, %bitcast3A_1141 : vector<16xf32>
    %add3A_1143 = arith.addf %add3A_1081, %mul3A_1142 : vector<16xf32>
    %add3A_1144 = arith.constant 3 : i32
    %add3A_1145 = vector.broadcast %add3A_1144 : i32 to vector<16xi32>
    %add3A_1146 = arith.addi %add3A_1122, %add3A_1145 : vector<16xi32>
    %gather3A_1147 = tpu.vector_load_idx %arg5[%add3A_1146] : memref<1712xi32, #tpu.memory_space<vmem>>[vector<16xi32>], vector<16xi32>,
    %bitcast3A_1148 = vector.bitcast %gather3A_1147 : vector<16xi32> to vector<16xf32>
    %mul3A_1149 = arith.mulf %div3A_1113, %bitcast3A_1148 : vector<16xf32>
    %add3A_1150 = arith.addf %add3A_1088, %mul3A_1149 : vector<16xf32>
    %add3A_1151 = arith.constant 4 : i32
    %add3A_1152 = vector.broadcast %add3A_1151 : i32 to vector<16xi32>
    %add3A_1153 = arith.addi %add3A_1122, %add3A_1152 : vector<16xi32>
    %gather3A_1154 = tpu.vector_load_idx %arg5[%add3A_1153] : memref<1712xi32, #tpu.memory_space<vmem>>[vector<16xi32>], vector<16xi32>,
    %bitcast3A_1155 = vector.bitcast %gather3A_1154 : vector<16xi32> to vector<16xf32>
    %mul3A_1156 = arith.mulf %div3A_1113, %bitcast3A_1155 : vector<16xf32>
    %add3A_1157 = arith.addf %add3A_1095, %mul3A_1156 : vector<16xf32>
    %add3A_1158 = arith.constant 5 : i32
    %add3A_1159 = vector.broadcast %add3A_1158 : i32 to vector<16xi32>
    %add3A_1160 = arith.addi %add3A_1122, %add3A_1159 : vector<16xi32>
    %gather3A_1161 = tpu.vector_load_idx %arg5[%add3A_1160] : memref<1712xi32, #tpu.memory_space<vmem>>[vector<16xi32>], vector<16xi32>,
    %bitcast3A_1162 = vector.bitcast %gather3A_1161 : vector<16xi32> to vector<16xf32>
    %mul3A_1163 = arith.mulf %div3A_1113, %bitcast3A_1162 : vector<16xf32>
    %add3A_1164 = arith.addf %add3A_1102, %mul3A_1163 : vector<16xf32>
    %get3A_1165 = arith.constant 880 : index
    %get3A_1166 = tpu.vector_load %arg5[%get3A_1165] {strides = array<i32>} : memref<1712xi32, #tpu.memory_space<vmem>>, vector<16xi32>,
    %bitcast3A_1167 = vector.bitcast %get3A_1166 : vector<16xi32> to vector<16xf32>
    %neg3A_1168 = arith.constant 0.000000e+00 : f32
    %neg3A_1169 = vector.broadcast %neg3A_1168 : f32 to vector<16xf32>
    %neg3A_1170 = arith.subf %neg3A_1169, %bitcast3A_1167 : vector<16xf32>
    %exp3A_1171 = math.exp %neg3A_1170 : vector<16xf32>
    %add3A_1172 = arith.constant 1.000000e+00 : f32
    %add3A_1173 = vector.broadcast %add3A_1172 : f32 to vector<16xf32>
    %add3A_1174 = arith.addf %add3A_1173, %exp3A_1171 : vector<16xf32>
    %div3A_1175 = arith.divf %bitcast3A_1167, %add3A_1174 : vector<16xf32>
    %add3A_1176 = arith.constant 80 : i32
    %add3A_1177 = vector.broadcast %add3A_1176 : i32 to vector<16xi32>
    %add3A_1178 = arith.addi %add3A_1177, %iota3A : vector<16xi32>
    %mul3A_1179 = arith.constant 6 : i32
    %mul3A_1180 = vector.broadcast %mul3A_1179 : i32 to vector<16xi32>
    %mul3A_1181 = arith.muli %add3A_1178, %mul3A_1180 : vector<16xi32>
    %add3A_1182 = arith.constant 928 : i32
    %add3A_1183 = vector.broadcast %add3A_1182 : i32 to vector<16xi32>
    %add3A_1184 = arith.addi %add3A_1183, %mul3A_1181 : vector<16xi32>
    %add3A_1185 = arith.constant 0 : i32
    %add3A_1186 = vector.broadcast %add3A_1185 : i32 to vector<16xi32>
    %add3A_1187 = arith.addi %add3A_1184, %add3A_1186 : vector<16xi32>
    %gather3A_1188 = tpu.vector_load_idx %arg5[%add3A_1187] : memref<1712xi32, #tpu.memory_space<vmem>>[vector<16xi32>], vector<16xi32>,
    %bitcast3A_1189 = vector.bitcast %gather3A_1188 : vector<16xi32> to vector<16xf32>
    %mul3A_1190 = arith.mulf %div3A_1175, %bitcast3A_1189 : vector<16xf32>
    %add3A_1191 = arith.addf %add3A_1129, %mul3A_1190 : vector<16xf32>
    %add3A_1192 = arith.constant 1 : i32
    %add3A_1193 = vector.broadcast %add3A_1192 : i32 to vector<16xi32>
    %add3A_1194 = arith.addi %add3A_1184, %add3A_1193 : vector<16xi32>
    %gather3A_1195 = tpu.vector_load_idx %arg5[%add3A_1194] : memref<1712xi32, #tpu.memory_space<vmem>>[vector<16xi32>], vector<16xi32>,
    %bitcast3A_1196 = vector.bitcast %gather3A_1195 : vector<16xi32> to vector<16xf32>
    %mul3A_1197 = arith.mulf %div3A_1175, %bitcast3A_1196 : vector<16xf32>
    %add3A_1198 = arith.addf %add3A_1136, %mul3A_1197 : vector<16xf32>
    %add3A_1199 = arith.constant 2 : i32
    %add3A_1200 = vector.broadcast %add3A_1199 : i32 to vector<16xi32>
    %add3A_1201 = arith.addi %add3A_1184, %add3A_1200 : vector<16xi32>
    %gather3A_1202 = tpu.vector_load_idx %arg5[%add3A_1201] : memref<1712xi32, #tpu.memory_space<vmem>>[vector<16xi32>], vector<16xi32>,
    %bitcast3A_1203 = vector.bitcast %gather3A_1202 : vector<16xi32> to vector<16xf32>
    %mul3A_1204 = arith.mulf %div3A_1175, %bitcast3A_1203 : vector<16xf32>
    %add3A_1205 = arith.addf %add3A_1143, %mul3A_1204 : vector<16xf32>
    %add3A_1206 = arith.constant 3 : i32
    %add3A_1207 = vector.broadcast %add3A_1206 : i32 to vector<16xi32>
    %add3A_1208 = arith.addi %add3A_1184, %add3A_1207 : vector<16xi32>
    %gather3A_1209 = tpu.vector_load_idx %arg5[%add3A_1208] : memref<1712xi32, #tpu.memory_space<vmem>>[vector<16xi32>], vector<16xi32>,
    %bitcast3A_1210 = vector.bitcast %gather3A_1209 : vector<16xi32> to vector<16xf32>
    %mul3A_1211 = arith.mulf %div3A_1175, %bitcast3A_1210 : vector<16xf32>
    %add3A_1212 = arith.addf %add3A_1150, %mul3A_1211 : vector<16xf32>
    %add3A_1213 = arith.constant 4 : i32
    %add3A_1214 = vector.broadcast %add3A_1213 : i32 to vector<16xi32>
    %add3A_1215 = arith.addi %add3A_1184, %add3A_1214 : vector<16xi32>
    %gather3A_1216 = tpu.vector_load_idx %arg5[%add3A_1215] : memref<1712xi32, #tpu.memory_space<vmem>>[vector<16xi32>], vector<16xi32>,
    %bitcast3A_1217 = vector.bitcast %gather3A_1216 : vector<16xi32> to vector<16xf32>
    %mul3A_1218 = arith.mulf %div3A_1175, %bitcast3A_1217 : vector<16xf32>
    %add3A_1219 = arith.addf %add3A_1157, %mul3A_1218 : vector<16xf32>
    %add3A_1220 = arith.constant 5 : i32
    %add3A_1221 = vector.broadcast %add3A_1220 : i32 to vector<16xi32>
    %add3A_1222 = arith.addi %add3A_1184, %add3A_1221 : vector<16xi32>
    %gather3A_1223 = tpu.vector_load_idx %arg5[%add3A_1222] : memref<1712xi32, #tpu.memory_space<vmem>>[vector<16xi32>], vector<16xi32>,
    %bitcast3A_1224 = vector.bitcast %gather3A_1223 : vector<16xi32> to vector<16xf32>
    %mul3A_1225 = arith.mulf %div3A_1175, %bitcast3A_1224 : vector<16xf32>
    %add3A_1226 = arith.addf %add3A_1164, %mul3A_1225 : vector<16xf32>
    %get3A_1227 = arith.constant 896 : index
    %get3A_1228 = tpu.vector_load %arg5[%get3A_1227] {strides = array<i32>} : memref<1712xi32, #tpu.memory_space<vmem>>, vector<16xi32>,
    %bitcast3A_1229 = vector.bitcast %get3A_1228 : vector<16xi32> to vector<16xf32>
    %neg3A_1230 = arith.constant 0.000000e+00 : f32
    %neg3A_1231 = vector.broadcast %neg3A_1230 : f32 to vector<16xf32>
    %neg3A_1232 = arith.subf %neg3A_1231, %bitcast3A_1229 : vector<16xf32>
    %exp3A_1233 = math.exp %neg3A_1232 : vector<16xf32>
    %add3A_1234 = arith.constant 1.000000e+00 : f32
    %add3A_1235 = vector.broadcast %add3A_1234 : f32 to vector<16xf32>
    %add3A_1236 = arith.addf %add3A_1235, %exp3A_1233 : vector<16xf32>
    %div3A_1237 = arith.divf %bitcast3A_1229, %add3A_1236 : vector<16xf32>
    %add3A_1238 = arith.constant 96 : i32
    %add3A_1239 = vector.broadcast %add3A_1238 : i32 to vector<16xi32>
    %add3A_1240 = arith.addi %add3A_1239, %iota3A : vector<16xi32>
    %mul3A_1241 = arith.constant 6 : i32
    %mul3A_1242 = vector.broadcast %mul3A_1241 : i32 to vector<16xi32>
    %mul3A_1243 = arith.muli %add3A_1240, %mul3A_1242 : vector<16xi32>
    %add3A_1244 = arith.constant 928 : i32
    %add3A_1245 = vector.broadcast %add3A_1244 : i32 to vector<16xi32>
    %add3A_1246 = arith.addi %add3A_1245, %mul3A_1243 : vector<16xi32>
    %add3A_1247 = arith.constant 0 : i32
    %add3A_1248 = vector.broadcast %add3A_1247 : i32 to vector<16xi32>
    %add3A_1249 = arith.addi %add3A_1246, %add3A_1248 : vector<16xi32>
    %gather3A_1250 = tpu.vector_load_idx %arg5[%add3A_1249] : memref<1712xi32, #tpu.memory_space<vmem>>[vector<16xi32>], vector<16xi32>,
    %bitcast3A_1251 = vector.bitcast %gather3A_1250 : vector<16xi32> to vector<16xf32>
    %mul3A_1252 = arith.mulf %div3A_1237, %bitcast3A_1251 : vector<16xf32>
    %add3A_1253 = arith.addf %add3A_1191, %mul3A_1252 : vector<16xf32>
    %add3A_1254 = arith.constant 1 : i32
    %add3A_1255 = vector.broadcast %add3A_1254 : i32 to vector<16xi32>
    %add3A_1256 = arith.addi %add3A_1246, %add3A_1255 : vector<16xi32>
    %gather3A_1257 = tpu.vector_load_idx %arg5[%add3A_1256] : memref<1712xi32, #tpu.memory_space<vmem>>[vector<16xi32>], vector<16xi32>,
    %bitcast3A_1258 = vector.bitcast %gather3A_1257 : vector<16xi32> to vector<16xf32>
    %mul3A_1259 = arith.mulf %div3A_1237, %bitcast3A_1258 : vector<16xf32>
    %add3A_1260 = arith.addf %add3A_1198, %mul3A_1259 : vector<16xf32>
    %add3A_1261 = arith.constant 2 : i32
    %add3A_1262 = vector.broadcast %add3A_1261 : i32 to vector<16xi32>
    %add3A_1263 = arith.addi %add3A_1246, %add3A_1262 : vector<16xi32>
    %gather3A_1264 = tpu.vector_load_idx %arg5[%add3A_1263] : memref<1712xi32, #tpu.memory_space<vmem>>[vector<16xi32>], vector<16xi32>,
    %bitcast3A_1265 = vector.bitcast %gather3A_1264 : vector<16xi32> to vector<16xf32>
    %mul3A_1266 = arith.mulf %div3A_1237, %bitcast3A_1265 : vector<16xf32>
    %add3A_1267 = arith.addf %add3A_1205, %mul3A_1266 : vector<16xf32>
    %add3A_1268 = arith.constant 3 : i32
    %add3A_1269 = vector.broadcast %add3A_1268 : i32 to vector<16xi32>
    %add3A_1270 = arith.addi %add3A_1246, %add3A_1269 : vector<16xi32>
    %gather3A_1271 = tpu.vector_load_idx %arg5[%add3A_1270] : memref<1712xi32, #tpu.memory_space<vmem>>[vector<16xi32>], vector<16xi32>,
    %bitcast3A_1272 = vector.bitcast %gather3A_1271 : vector<16xi32> to vector<16xf32>
    %mul3A_1273 = arith.mulf %div3A_1237, %bitcast3A_1272 : vector<16xf32>
    %add3A_1274 = arith.addf %add3A_1212, %mul3A_1273 : vector<16xf32>
    %add3A_1275 = arith.constant 4 : i32
    %add3A_1276 = vector.broadcast %add3A_1275 : i32 to vector<16xi32>
    %add3A_1277 = arith.addi %add3A_1246, %add3A_1276 : vector<16xi32>
    %gather3A_1278 = tpu.vector_load_idx %arg5[%add3A_1277] : memref<1712xi32, #tpu.memory_space<vmem>>[vector<16xi32>], vector<16xi32>,
    %bitcast3A_1279 = vector.bitcast %gather3A_1278 : vector<16xi32> to vector<16xf32>
    %mul3A_1280 = arith.mulf %div3A_1237, %bitcast3A_1279 : vector<16xf32>
    %add3A_1281 = arith.addf %add3A_1219, %mul3A_1280 : vector<16xf32>
    %add3A_1282 = arith.constant 5 : i32
    %add3A_1283 = vector.broadcast %add3A_1282 : i32 to vector<16xi32>
    %add3A_1284 = arith.addi %add3A_1246, %add3A_1283 : vector<16xi32>
    %gather3A_1285 = tpu.vector_load_idx %arg5[%add3A_1284] : memref<1712xi32, #tpu.memory_space<vmem>>[vector<16xi32>], vector<16xi32>,
    %bitcast3A_1286 = vector.bitcast %gather3A_1285 : vector<16xi32> to vector<16xf32>
    %mul3A_1287 = arith.mulf %div3A_1237, %bitcast3A_1286 : vector<16xf32>
    %add3A_1288 = arith.addf %add3A_1226, %mul3A_1287 : vector<16xf32>
    %get3A_1289 = arith.constant 912 : index
    %get3A_1290 = tpu.vector_load %arg5[%get3A_1289] {strides = array<i32>} : memref<1712xi32, #tpu.memory_space<vmem>>, vector<16xi32>,
    %bitcast3A_1291 = vector.bitcast %get3A_1290 : vector<16xi32> to vector<16xf32>
    %neg3A_1292 = arith.constant 0.000000e+00 : f32
    %neg3A_1293 = vector.broadcast %neg3A_1292 : f32 to vector<16xf32>
    %neg3A_1294 = arith.subf %neg3A_1293, %bitcast3A_1291 : vector<16xf32>
    %exp3A_1295 = math.exp %neg3A_1294 : vector<16xf32>
    %add3A_1296 = arith.constant 1.000000e+00 : f32
    %add3A_1297 = vector.broadcast %add3A_1296 : f32 to vector<16xf32>
    %add3A_1298 = arith.addf %add3A_1297, %exp3A_1295 : vector<16xf32>
    %div3A_1299 = arith.divf %bitcast3A_1291, %add3A_1298 : vector<16xf32>
    %add3A_1300 = arith.constant 112 : i32
    %add3A_1301 = vector.broadcast %add3A_1300 : i32 to vector<16xi32>
    %add3A_1302 = arith.addi %add3A_1301, %iota3A : vector<16xi32>
    %mul3A_1303 = arith.constant 6 : i32
    %mul3A_1304 = vector.broadcast %mul3A_1303 : i32 to vector<16xi32>
    %mul3A_1305 = arith.muli %add3A_1302, %mul3A_1304 : vector<16xi32>
    %add3A_1306 = arith.constant 928 : i32
    %add3A_1307 = vector.broadcast %add3A_1306 : i32 to vector<16xi32>
    %add3A_1308 = arith.addi %add3A_1307, %mul3A_1305 : vector<16xi32>
    %add3A_1309 = arith.constant 0 : i32
    %add3A_1310 = vector.broadcast %add3A_1309 : i32 to vector<16xi32>
    %add3A_1311 = arith.addi %add3A_1308, %add3A_1310 : vector<16xi32>
    %gather3A_1312 = tpu.vector_load_idx %arg5[%add3A_1311] : memref<1712xi32, #tpu.memory_space<vmem>>[vector<16xi32>], vector<16xi32>,
    %bitcast3A_1313 = vector.bitcast %gather3A_1312 : vector<16xi32> to vector<16xf32>
    %mul3A_1314 = arith.mulf %div3A_1299, %bitcast3A_1313 : vector<16xf32>
    %add3A_1315 = arith.addf %add3A_1253, %mul3A_1314 : vector<16xf32>
    %add3A_1316 = arith.constant 1 : i32
    %add3A_1317 = vector.broadcast %add3A_1316 : i32 to vector<16xi32>
    %add3A_1318 = arith.addi %add3A_1308, %add3A_1317 : vector<16xi32>
    %gather3A_1319 = tpu.vector_load_idx %arg5[%add3A_1318] : memref<1712xi32, #tpu.memory_space<vmem>>[vector<16xi32>], vector<16xi32>,
    %bitcast3A_1320 = vector.bitcast %gather3A_1319 : vector<16xi32> to vector<16xf32>
    %mul3A_1321 = arith.mulf %div3A_1299, %bitcast3A_1320 : vector<16xf32>
    %add3A_1322 = arith.addf %add3A_1260, %mul3A_1321 : vector<16xf32>
    %add3A_1323 = arith.constant 2 : i32
    %add3A_1324 = vector.broadcast %add3A_1323 : i32 to vector<16xi32>
    %add3A_1325 = arith.addi %add3A_1308, %add3A_1324 : vector<16xi32>
    %gather3A_1326 = tpu.vector_load_idx %arg5[%add3A_1325] : memref<1712xi32, #tpu.memory_space<vmem>>[vector<16xi32>], vector<16xi32>,
    %bitcast3A_1327 = vector.bitcast %gather3A_1326 : vector<16xi32> to vector<16xf32>
    %mul3A_1328 = arith.mulf %div3A_1299, %bitcast3A_1327 : vector<16xf32>
    %add3A_1329 = arith.addf %add3A_1267, %mul3A_1328 : vector<16xf32>
    %add3A_1330 = arith.constant 3 : i32
    %add3A_1331 = vector.broadcast %add3A_1330 : i32 to vector<16xi32>
    %add3A_1332 = arith.addi %add3A_1308, %add3A_1331 : vector<16xi32>
    %gather3A_1333 = tpu.vector_load_idx %arg5[%add3A_1332] : memref<1712xi32, #tpu.memory_space<vmem>>[vector<16xi32>], vector<16xi32>,
    %bitcast3A_1334 = vector.bitcast %gather3A_1333 : vector<16xi32> to vector<16xf32>
    %mul3A_1335 = arith.mulf %div3A_1299, %bitcast3A_1334 : vector<16xf32>
    %add3A_1336 = arith.addf %add3A_1274, %mul3A_1335 : vector<16xf32>
    %add3A_1337 = arith.constant 4 : i32
    %add3A_1338 = vector.broadcast %add3A_1337 : i32 to vector<16xi32>
    %add3A_1339 = arith.addi %add3A_1308, %add3A_1338 : vector<16xi32>
    %gather3A_1340 = tpu.vector_load_idx %arg5[%add3A_1339] : memref<1712xi32, #tpu.memory_space<vmem>>[vector<16xi32>], vector<16xi32>,
    %bitcast3A_1341 = vector.bitcast %gather3A_1340 : vector<16xi32> to vector<16xf32>
    %mul3A_1342 = arith.mulf %div3A_1299, %bitcast3A_1341 : vector<16xf32>
    %add3A_1343 = arith.addf %add3A_1281, %mul3A_1342 : vector<16xf32>
    %add3A_1344 = arith.constant 5 : i32
    %add3A_1345 = vector.broadcast %add3A_1344 : i32 to vector<16xi32>
    %add3A_1346 = arith.addi %add3A_1308, %add3A_1345 : vector<16xi32>
    %gather3A_1347 = tpu.vector_load_idx %arg5[%add3A_1346] : memref<1712xi32, #tpu.memory_space<vmem>>[vector<16xi32>], vector<16xi32>,
    %bitcast3A_1348 = vector.bitcast %gather3A_1347 : vector<16xi32> to vector<16xf32>
    %mul3A_1349 = arith.mulf %div3A_1299, %bitcast3A_1348 : vector<16xf32>
    %add3A_1350 = arith.addf %add3A_1288, %mul3A_1349 : vector<16xf32>
    %min3A_1351 = arith.constant 5 : i32
    %min3A_1352 = vector.broadcast %min3A_1351 : i32 to vector<16xi32>
    %min3A_1353 = arith.minsi %iota3A, %min3A_1352 : vector<16xi32>
    %add3A_1354 = arith.constant 1696 : i32
    %add3A_1355 = vector.broadcast %add3A_1354 : i32 to vector<16xi32>
    %add3A_1356 = arith.addi %add3A_1355, %min3A_1353 : vector<16xi32>
    %gather3A_1357 = tpu.vector_load_idx %arg5[%add3A_1356] : memref<1712xi32, #tpu.memory_space<vmem>>[vector<16xi32>], vector<16xi32>,
    %bitcast3A_1358 = vector.bitcast %gather3A_1357 : vector<16xi32> to vector<16xf32>
    %lt3A_1359 = arith.constant 6 : i32
    %lt3A_1360 = vector.broadcast %lt3A_1359 : i32 to vector<16xi32>
    %lt3A_1361 = arith.cmpi slt, %iota3A, %lt3A_1360 : vector<16xi32>
    %jit3A_1362 = arith.constant 0.000000e+00 : f32
    %broadcast_in_dim3A_1363 = vector.broadcast %jit3A_1362 : f32 to vector<16xf32>
    %select_n3A_1364 = arith.select %lt3A_1361, %bitcast3A_1358, %broadcast_in_dim3A_1363 : vector<16xi1>, vector<16xf32>
    %eq3A = arith.constant 0 : i32
    %eq3A_1365 = vector.broadcast %eq3A : i32 to vector<16xi32>
    %eq3A_1366 = arith.cmpi eq, %iota3A, %eq3A_1365 : vector<16xi32>
    %reduce_sum3A = arith.constant true
    %reduce_sum3A_1367 = vector.broadcast %reduce_sum3A : i1 to vector<16xi1>
    %reduce_sum3A_1368 = tpu.scan <sum>, %add3A_1315 masked %reduce_sum3A_1367 : vector<16xf32>, vector<16xi1> -> vector<16xf32>
    %reduce_sum3A_1369 = vector.extract %reduce_sum3A_1368[15] : f32 from vector<16xf32>
    %add3A_1370 = vector.broadcast %reduce_sum3A_1369 : f32 to vector<16xf32>
    %add3A_1371 = arith.addf %select_n3A_1364, %add3A_1370 : vector<16xf32>
    %select_n3A_1372 = arith.select %eq3A_1366, %add3A_1371, %select_n3A_1364 : vector<16xi1>, vector<16xf32>
    %eq3A_1373 = arith.constant 1 : i32
    %eq3A_1374 = vector.broadcast %eq3A_1373 : i32 to vector<16xi32>
    %eq3A_1375 = arith.cmpi eq, %iota3A, %eq3A_1374 : vector<16xi32>
    %reduce_sum3A_1376 = arith.constant true
    %reduce_sum3A_1377 = vector.broadcast %reduce_sum3A_1376 : i1 to vector<16xi1>
    %reduce_sum3A_1378 = tpu.scan <sum>, %add3A_1322 masked %reduce_sum3A_1377 : vector<16xf32>, vector<16xi1> -> vector<16xf32>
    %reduce_sum3A_1379 = vector.extract %reduce_sum3A_1378[15] : f32 from vector<16xf32>
    %add3A_1380 = vector.broadcast %reduce_sum3A_1379 : f32 to vector<16xf32>
    %add3A_1381 = arith.addf %select_n3A_1372, %add3A_1380 : vector<16xf32>
    %select_n3A_1382 = arith.select %eq3A_1375, %add3A_1381, %select_n3A_1372 : vector<16xi1>, vector<16xf32>
    %eq3A_1383 = arith.constant 2 : i32
    %eq3A_1384 = vector.broadcast %eq3A_1383 : i32 to vector<16xi32>
    %eq3A_1385 = arith.cmpi eq, %iota3A, %eq3A_1384 : vector<16xi32>
    %reduce_sum3A_1386 = arith.constant true
    %reduce_sum3A_1387 = vector.broadcast %reduce_sum3A_1386 : i1 to vector<16xi1>
    %reduce_sum3A_1388 = tpu.scan <sum>, %add3A_1329 masked %reduce_sum3A_1387 : vector<16xf32>, vector<16xi1> -> vector<16xf32>
    %reduce_sum3A_1389 = vector.extract %reduce_sum3A_1388[15] : f32 from vector<16xf32>
    %add3A_1390 = vector.broadcast %reduce_sum3A_1389 : f32 to vector<16xf32>
    %add3A_1391 = arith.addf %select_n3A_1382, %add3A_1390 : vector<16xf32>
    %select_n3A_1392 = arith.select %eq3A_1385, %add3A_1391, %select_n3A_1382 : vector<16xi1>, vector<16xf32>
    %eq3A_1393 = arith.constant 3 : i32
    %eq3A_1394 = vector.broadcast %eq3A_1393 : i32 to vector<16xi32>
    %eq3A_1395 = arith.cmpi eq, %iota3A, %eq3A_1394 : vector<16xi32>
    %reduce_sum3A_1396 = arith.constant true
    %reduce_sum3A_1397 = vector.broadcast %reduce_sum3A_1396 : i1 to vector<16xi1>
    %reduce_sum3A_1398 = tpu.scan <sum>, %add3A_1336 masked %reduce_sum3A_1397 : vector<16xf32>, vector<16xi1> -> vector<16xf32>
    %reduce_sum3A_1399 = vector.extract %reduce_sum3A_1398[15] : f32 from vector<16xf32>
    %add3A_1400 = vector.broadcast %reduce_sum3A_1399 : f32 to vector<16xf32>
    %add3A_1401 = arith.addf %select_n3A_1392, %add3A_1400 : vector<16xf32>
    %select_n3A_1402 = arith.select %eq3A_1395, %add3A_1401, %select_n3A_1392 : vector<16xi1>, vector<16xf32>
    %eq3A_1403 = arith.constant 4 : i32
    %eq3A_1404 = vector.broadcast %eq3A_1403 : i32 to vector<16xi32>
    %eq3A_1405 = arith.cmpi eq, %iota3A, %eq3A_1404 : vector<16xi32>
    %reduce_sum3A_1406 = arith.constant true
    %reduce_sum3A_1407 = vector.broadcast %reduce_sum3A_1406 : i1 to vector<16xi1>
    %reduce_sum3A_1408 = tpu.scan <sum>, %add3A_1343 masked %reduce_sum3A_1407 : vector<16xf32>, vector<16xi1> -> vector<16xf32>
    %reduce_sum3A_1409 = vector.extract %reduce_sum3A_1408[15] : f32 from vector<16xf32>
    %add3A_1410 = vector.broadcast %reduce_sum3A_1409 : f32 to vector<16xf32>
    %add3A_1411 = arith.addf %select_n3A_1402, %add3A_1410 : vector<16xf32>
    %select_n3A_1412 = arith.select %eq3A_1405, %add3A_1411, %select_n3A_1402 : vector<16xi1>, vector<16xf32>
    %eq3A_1413 = arith.constant 5 : i32
    %eq3A_1414 = vector.broadcast %eq3A_1413 : i32 to vector<16xi32>
    %eq3A_1415 = arith.cmpi eq, %iota3A, %eq3A_1414 : vector<16xi32>
    %reduce_sum3A_1416 = arith.constant true
    %reduce_sum3A_1417 = vector.broadcast %reduce_sum3A_1416 : i1 to vector<16xi1>
    %reduce_sum3A_1418 = tpu.scan <sum>, %add3A_1350 masked %reduce_sum3A_1417 : vector<16xf32>, vector<16xi1> -> vector<16xf32>
    %reduce_sum3A_1419 = vector.extract %reduce_sum3A_1418[15] : f32 from vector<16xf32>
    %add3A_1420 = vector.broadcast %reduce_sum3A_1419 : f32 to vector<16xf32>
    %add3A_1421 = arith.addf %select_n3A_1412, %add3A_1420 : vector<16xf32>
    %select_n3A_1422 = arith.select %eq3A_1415, %add3A_1421, %select_n3A_1412 : vector<16xi1>, vector<16xf32>
    %swap3A = arith.constant 0 : index
    %swap3A_1423 = tpu.vector_load %arg9[%swap3A] {strides = array<i32>} : memref<16xf32, #tpu.memory_space<vmem>>, vector<16xf32>,
    tpu.vector_store %arg9[%swap3A], %select_n3A_1422 {strides = array<i32>} : memref<16xf32, #tpu.memory_space<vmem>>, vector<16xf32>,
    %dma_wait3A_1424 = arith.constant 0 : i32
    %dma_wait3A_1425 = arith.constant 0 : i32
    %dma_wait3A_1426 = tpu.memref_slice %arg6[%dma_wait3A_1424, %dma_wait3A_1425] : memref<16x128xi32, #tpu.memory_space<vmem>> -> memref<1x128xi32, #tpu.memory_space<vmem>>
    %dma_wait3A_1427 = tpu.memref_squeeze %dma_wait3A_1426 : memref<1x128xi32, #tpu.memory_space<vmem>> -> memref<128xi32, #tpu.memory_space<vmem>>
    %dma_wait3A_1428 = tpu.memref_slice %arg2[%multiple_of3A] : memref<100000xi32, #tpu.memory_space<hbm>> -> memref<128xi32, #tpu.memory_space<hbm>>
    %dma_wait3A_1429 = arith.constant 0 : i32
    %dma_wait3A_1430 = tpu.memref_slice %arg6[%dma_wait3A_1424, %dma_wait3A_1429] : memref<16x128xi32, #tpu.memory_space<vmem>> -> memref<1x128xi32, #tpu.memory_space<vmem>>
    %dma_wait3A_1431 = tpu.memref_squeeze %dma_wait3A_1430 : memref<1x128xi32, #tpu.memory_space<vmem>> -> memref<128xi32, #tpu.memory_space<vmem>>
    %dma_wait3A_1432 = tpu.memref_slice %arg2[%multiple_of3A] : memref<100000xi32, #tpu.memory_space<hbm>> -> memref<128xi32, #tpu.memory_space<hbm>>
    tpu.wait_dma2 semaphore(%arg11 : memref<!tpu.dma_semaphore, #tpu.memory_space<semaphore_mem>>) src(%dma_wait3A_1432 : memref<128xi32, #tpu.memory_space<hbm>>) dst(%dma_wait3A_1431 : memref<128xi32, #tpu.memory_space<vmem>>)
    %dma_wait3A_1433 = arith.constant 0 : i32
    %dma_wait3A_1434 = arith.constant 0 : i32
    %dma_wait3A_1435 = tpu.memref_slice %arg7[%dma_wait3A_1433, %dma_wait3A_1434] : memref<16x128xi32, #tpu.memory_space<vmem>> -> memref<1x128xi32, #tpu.memory_space<vmem>>
    %dma_wait3A_1436 = tpu.memref_squeeze %dma_wait3A_1435 : memref<1x128xi32, #tpu.memory_space<vmem>> -> memref<128xi32, #tpu.memory_space<vmem>>
    %dma_wait3A_1437 = tpu.memref_slice %arg2[%multiple_of3A_462] : memref<100000xi32, #tpu.memory_space<hbm>> -> memref<128xi32, #tpu.memory_space<hbm>>
    %dma_wait3A_1438 = arith.constant 0 : i32
    %dma_wait3A_1439 = tpu.memref_slice %arg7[%dma_wait3A_1433, %dma_wait3A_1438] : memref<16x128xi32, #tpu.memory_space<vmem>> -> memref<1x128xi32, #tpu.memory_space<vmem>>
    %dma_wait3A_1440 = tpu.memref_squeeze %dma_wait3A_1439 : memref<1x128xi32, #tpu.memory_space<vmem>> -> memref<128xi32, #tpu.memory_space<vmem>>
    %dma_wait3A_1441 = tpu.memref_slice %arg2[%multiple_of3A_462] : memref<100000xi32, #tpu.memory_space<hbm>> -> memref<128xi32, #tpu.memory_space<hbm>>
    tpu.wait_dma2 semaphore(%arg12 : memref<!tpu.dma_semaphore, #tpu.memory_space<semaphore_mem>>) src(%dma_wait3A_1441 : memref<128xi32, #tpu.memory_space<hbm>>) dst(%dma_wait3A_1440 : memref<128xi32, #tpu.memory_space<vmem>>)
    %dma_wait3A_1442 = arith.constant 1 : i32
    %dma_wait3A_1443 = arith.constant 0 : i32
    %dma_wait3A_1444 = tpu.memref_slice %arg6[%dma_wait3A_1442, %dma_wait3A_1443] : memref<16x128xi32, #tpu.memory_space<vmem>> -> memref<1x128xi32, #tpu.memory_space<vmem>>
    %dma_wait3A_1445 = tpu.memref_squeeze %dma_wait3A_1444 : memref<1x128xi32, #tpu.memory_space<vmem>> -> memref<128xi32, #tpu.memory_space<vmem>>
    %dma_wait3A_1446 = tpu.memref_slice %arg2[%multiple_of3A_483] : memref<100000xi32, #tpu.memory_space<hbm>> -> memref<128xi32, #tpu.memory_space<hbm>>
    %dma_wait3A_1447 = arith.constant 0 : i32
    %dma_wait3A_1448 = tpu.memref_slice %arg6[%dma_wait3A_1442, %dma_wait3A_1447] : memref<16x128xi32, #tpu.memory_space<vmem>> -> memref<1x128xi32, #tpu.memory_space<vmem>>
    %dma_wait3A_1449 = tpu.memref_squeeze %dma_wait3A_1448 : memref<1x128xi32, #tpu.memory_space<vmem>> -> memref<128xi32, #tpu.memory_space<vmem>>
    %dma_wait3A_1450 = tpu.memref_slice %arg2[%multiple_of3A_483] : memref<100000xi32, #tpu.memory_space<hbm>> -> memref<128xi32, #tpu.memory_space<hbm>>
    tpu.wait_dma2 semaphore(%arg11 : memref<!tpu.dma_semaphore, #tpu.memory_space<semaphore_mem>>) src(%dma_wait3A_1450 : memref<128xi32, #tpu.memory_space<hbm>>) dst(%dma_wait3A_1449 : memref<128xi32, #tpu.memory_space<vmem>>)
    %dma_wait3A_1451 = arith.constant 1 : i32
    %dma_wait3A_1452 = arith.constant 0 : i32
    %dma_wait3A_1453 = tpu.memref_slice %arg7[%dma_wait3A_1451, %dma_wait3A_1452] : memref<16x128xi32, #tpu.memory_space<vmem>> -> memref<1x128xi32, #tpu.memory_space<vmem>>
    %dma_wait3A_1454 = tpu.memref_squeeze %dma_wait3A_1453 : memref<1x128xi32, #tpu.memory_space<vmem>> -> memref<128xi32, #tpu.memory_space<vmem>>
    %dma_wait3A_1455 = tpu.memref_slice %arg2[%multiple_of3A_486] : memref<100000xi32, #tpu.memory_space<hbm>> -> memref<128xi32, #tpu.memory_space<hbm>>
    %dma_wait3A_1456 = arith.constant 0 : i32
    %dma_wait3A_1457 = tpu.memref_slice %arg7[%dma_wait3A_1451, %dma_wait3A_1456] : memref<16x128xi32, #tpu.memory_space<vmem>> -> memref<1x128xi32, #tpu.memory_space<vmem>>
    %dma_wait3A_1458 = tpu.memref_squeeze %dma_wait3A_1457 : memref<1x128xi32, #tpu.memory_space<vmem>> -> memref<128xi32, #tpu.memory_space<vmem>>
    %dma_wait3A_1459 = tpu.memref_slice %arg2[%multiple_of3A_486] : memref<100000xi32, #tpu.memory_space<hbm>> -> memref<128xi32, #tpu.memory_space<hbm>>
    tpu.wait_dma2 semaphore(%arg12 : memref<!tpu.dma_semaphore, #tpu.memory_space<semaphore_mem>>) src(%dma_wait3A_1459 : memref<128xi32, #tpu.memory_space<hbm>>) dst(%dma_wait3A_1458 : memref<128xi32, #tpu.memory_space<vmem>>)
    %dma_wait3A_1460 = arith.constant 2 : i32
    %dma_wait3A_1461 = arith.constant 0 : i32
    %dma_wait3A_1462 = tpu.memref_slice %arg6[%dma_wait3A_1460, %dma_wait3A_1461] : memref<16x128xi32, #tpu.memory_space<vmem>> -> memref<1x128xi32, #tpu.memory_space<vmem>>
    %dma_wait3A_1463 = tpu.memref_squeeze %dma_wait3A_1462 : memref<1x128xi32, #tpu.memory_space<vmem>> -> memref<128xi32, #tpu.memory_space<vmem>>
    %dma_wait3A_1464 = tpu.memref_slice %arg2[%multiple_of3A_507] : memref<100000xi32, #tpu.memory_space<hbm>> -> memref<128xi32, #tpu.memory_space<hbm>>
    %dma_wait3A_1465 = arith.constant 0 : i32
    %dma_wait3A_1466 = tpu.memref_slice %arg6[%dma_wait3A_1460, %dma_wait3A_1465] : memref<16x128xi32, #tpu.memory_space<vmem>> -> memref<1x128xi32, #tpu.memory_space<vmem>>
    %dma_wait3A_1467 = tpu.memref_squeeze %dma_wait3A_1466 : memref<1x128xi32, #tpu.memory_space<vmem>> -> memref<128xi32, #tpu.memory_space<vmem>>
    %dma_wait3A_1468 = tpu.memref_slice %arg2[%multiple_of3A_507] : memref<100000xi32, #tpu.memory_space<hbm>> -> memref<128xi32, #tpu.memory_space<hbm>>
    tpu.wait_dma2 semaphore(%arg11 : memref<!tpu.dma_semaphore, #tpu.memory_space<semaphore_mem>>) src(%dma_wait3A_1468 : memref<128xi32, #tpu.memory_space<hbm>>) dst(%dma_wait3A_1467 : memref<128xi32, #tpu.memory_space<vmem>>)
    %dma_wait3A_1469 = arith.constant 2 : i32
    %dma_wait3A_1470 = arith.constant 0 : i32
    %dma_wait3A_1471 = tpu.memref_slice %arg7[%dma_wait3A_1469, %dma_wait3A_1470] : memref<16x128xi32, #tpu.memory_space<vmem>> -> memref<1x128xi32, #tpu.memory_space<vmem>>
    %dma_wait3A_1472 = tpu.memref_squeeze %dma_wait3A_1471 : memref<1x128xi32, #tpu.memory_space<vmem>> -> memref<128xi32, #tpu.memory_space<vmem>>
    %dma_wait3A_1473 = tpu.memref_slice %arg2[%multiple_of3A_510] : memref<100000xi32, #tpu.memory_space<hbm>> -> memref<128xi32, #tpu.memory_space<hbm>>
    %dma_wait3A_1474 = arith.constant 0 : i32
    %dma_wait3A_1475 = tpu.memref_slice %arg7[%dma_wait3A_1469, %dma_wait3A_1474] : memref<16x128xi32, #tpu.memory_space<vmem>> -> memref<1x128xi32, #tpu.memory_space<vmem>>
    %dma_wait3A_1476 = tpu.memref_squeeze %dma_wait3A_1475 : memref<1x128xi32, #tpu.memory_space<vmem>> -> memref<128xi32, #tpu.memory_space<vmem>>
    %dma_wait3A_1477 = tpu.memref_slice %arg2[%multiple_of3A_510] : memref<100000xi32, #tpu.memory_space<hbm>> -> memref<128xi32, #tpu.memory_space<hbm>>
    tpu.wait_dma2 semaphore(%arg12 : memref<!tpu.dma_semaphore, #tpu.memory_space<semaphore_mem>>) src(%dma_wait3A_1477 : memref<128xi32, #tpu.memory_space<hbm>>) dst(%dma_wait3A_1476 : memref<128xi32, #tpu.memory_space<vmem>>)
    %dma_wait3A_1478 = arith.constant 3 : i32
    %dma_wait3A_1479 = arith.constant 0 : i32
    %dma_wait3A_1480 = tpu.memref_slice %arg6[%dma_wait3A_1478, %dma_wait3A_1479] : memref<16x128xi32, #tpu.memory_space<vmem>> -> memref<1x128xi32, #tpu.memory_space<vmem>>
    %dma_wait3A_1481 = tpu.memref_squeeze %dma_wait3A_1480 : memref<1x128xi32, #tpu.memory_space<vmem>> -> memref<128xi32, #tpu.memory_space<vmem>>
    %dma_wait3A_1482 = tpu.memref_slice %arg2[%multiple_of3A_531] : memref<100000xi32, #tpu.memory_space<hbm>> -> memref<128xi32, #tpu.memory_space<hbm>>
    %dma_wait3A_1483 = arith.constant 0 : i32
    %dma_wait3A_1484 = tpu.memref_slice %arg6[%dma_wait3A_1478, %dma_wait3A_1483] : memref<16x128xi32, #tpu.memory_space<vmem>> -> memref<1x128xi32, #tpu.memory_space<vmem>>
    %dma_wait3A_1485 = tpu.memref_squeeze %dma_wait3A_1484 : memref<1x128xi32, #tpu.memory_space<vmem>> -> memref<128xi32, #tpu.memory_space<vmem>>
    %dma_wait3A_1486 = tpu.memref_slice %arg2[%multiple_of3A_531] : memref<100000xi32, #tpu.memory_space<hbm>> -> memref<128xi32, #tpu.memory_space<hbm>>
    tpu.wait_dma2 semaphore(%arg11 : memref<!tpu.dma_semaphore, #tpu.memory_space<semaphore_mem>>) src(%dma_wait3A_1486 : memref<128xi32, #tpu.memory_space<hbm>>) dst(%dma_wait3A_1485 : memref<128xi32, #tpu.memory_space<vmem>>)
    %dma_wait3A_1487 = arith.constant 3 : i32
    %dma_wait3A_1488 = arith.constant 0 : i32
    %dma_wait3A_1489 = tpu.memref_slice %arg7[%dma_wait3A_1487, %dma_wait3A_1488] : memref<16x128xi32, #tpu.memory_space<vmem>> -> memref<1x128xi32, #tpu.memory_space<vmem>>
    %dma_wait3A_1490 = tpu.memref_squeeze %dma_wait3A_1489 : memref<1x128xi32, #tpu.memory_space<vmem>> -> memref<128xi32, #tpu.memory_space<vmem>>
    %dma_wait3A_1491 = tpu.memref_slice %arg2[%multiple_of3A_534] : memref<100000xi32, #tpu.memory_space<hbm>> -> memref<128xi32, #tpu.memory_space<hbm>>
    %dma_wait3A_1492 = arith.constant 0 : i32
    %dma_wait3A_1493 = tpu.memref_slice %arg7[%dma_wait3A_1487, %dma_wait3A_1492] : memref<16x128xi32, #tpu.memory_space<vmem>> -> memref<1x128xi32, #tpu.memory_space<vmem>>
    %dma_wait3A_1494 = tpu.memref_squeeze %dma_wait3A_1493 : memref<1x128xi32, #tpu.memory_space<vmem>> -> memref<128xi32, #tpu.memory_space<vmem>>
    %dma_wait3A_1495 = tpu.memref_slice %arg2[%multiple_of3A_534] : memref<100000xi32, #tpu.memory_space<hbm>> -> memref<128xi32, #tpu.memory_space<hbm>>
    tpu.wait_dma2 semaphore(%arg12 : memref<!tpu.dma_semaphore, #tpu.memory_space<semaphore_mem>>) src(%dma_wait3A_1495 : memref<128xi32, #tpu.memory_space<hbm>>) dst(%dma_wait3A_1494 : memref<128xi32, #tpu.memory_space<vmem>>)
    %dma_wait3A_1496 = arith.constant 4 : i32
    %dma_wait3A_1497 = arith.constant 0 : i32
    %dma_wait3A_1498 = tpu.memref_slice %arg6[%dma_wait3A_1496, %dma_wait3A_1497] : memref<16x128xi32, #tpu.memory_space<vmem>> -> memref<1x128xi32, #tpu.memory_space<vmem>>
    %dma_wait3A_1499 = tpu.memref_squeeze %dma_wait3A_1498 : memref<1x128xi32, #tpu.memory_space<vmem>> -> memref<128xi32, #tpu.memory_space<vmem>>
    %dma_wait3A_1500 = tpu.memref_slice %arg2[%multiple_of3A_555] : memref<100000xi32, #tpu.memory_space<hbm>> -> memref<128xi32, #tpu.memory_space<hbm>>
    %dma_wait3A_1501 = arith.constant 0 : i32
    %dma_wait3A_1502 = tpu.memref_slice %arg6[%dma_wait3A_1496, %dma_wait3A_1501] : memref<16x128xi32, #tpu.memory_space<vmem>> -> memref<1x128xi32, #tpu.memory_space<vmem>>
    %dma_wait3A_1503 = tpu.memref_squeeze %dma_wait3A_1502 : memref<1x128xi32, #tpu.memory_space<vmem>> -> memref<128xi32, #tpu.memory_space<vmem>>
    %dma_wait3A_1504 = tpu.memref_slice %arg2[%multiple_of3A_555] : memref<100000xi32, #tpu.memory_space<hbm>> -> memref<128xi32, #tpu.memory_space<hbm>>
    tpu.wait_dma2 semaphore(%arg11 : memref<!tpu.dma_semaphore, #tpu.memory_space<semaphore_mem>>) src(%dma_wait3A_1504 : memref<128xi32, #tpu.memory_space<hbm>>) dst(%dma_wait3A_1503 : memref<128xi32, #tpu.memory_space<vmem>>)
    %dma_wait3A_1505 = arith.constant 4 : i32
    %dma_wait3A_1506 = arith.constant 0 : i32
    %dma_wait3A_1507 = tpu.memref_slice %arg7[%dma_wait3A_1505, %dma_wait3A_1506] : memref<16x128xi32, #tpu.memory_space<vmem>> -> memref<1x128xi32, #tpu.memory_space<vmem>>
    %dma_wait3A_1508 = tpu.memref_squeeze %dma_wait3A_1507 : memref<1x128xi32, #tpu.memory_space<vmem>> -> memref<128xi32, #tpu.memory_space<vmem>>
    %dma_wait3A_1509 = tpu.memref_slice %arg2[%multiple_of3A_558] : memref<100000xi32, #tpu.memory_space<hbm>> -> memref<128xi32, #tpu.memory_space<hbm>>
    %dma_wait3A_1510 = arith.constant 0 : i32
    %dma_wait3A_1511 = tpu.memref_slice %arg7[%dma_wait3A_1505, %dma_wait3A_1510] : memref<16x128xi32, #tpu.memory_space<vmem>> -> memref<1x128xi32, #tpu.memory_space<vmem>>
    %dma_wait3A_1512 = tpu.memref_squeeze %dma_wait3A_1511 : memref<1x128xi32, #tpu.memory_space<vmem>> -> memref<128xi32, #tpu.memory_space<vmem>>
    %dma_wait3A_1513 = tpu.memref_slice %arg2[%multiple_of3A_558] : memref<100000xi32, #tpu.memory_space<hbm>> -> memref<128xi32, #tpu.memory_space<hbm>>
    tpu.wait_dma2 semaphore(%arg12 : memref<!tpu.dma_semaphore, #tpu.memory_space<semaphore_mem>>) src(%dma_wait3A_1513 : memref<128xi32, #tpu.memory_space<hbm>>) dst(%dma_wait3A_1512 : memref<128xi32, #tpu.memory_space<vmem>>)
    %dma_wait3A_1514 = arith.constant 5 : i32
    %dma_wait3A_1515 = arith.constant 0 : i32
    %dma_wait3A_1516 = tpu.memref_slice %arg6[%dma_wait3A_1514, %dma_wait3A_1515] : memref<16x128xi32, #tpu.memory_space<vmem>> -> memref<1x128xi32, #tpu.memory_space<vmem>>
    %dma_wait3A_1517 = tpu.memref_squeeze %dma_wait3A_1516 : memref<1x128xi32, #tpu.memory_space<vmem>> -> memref<128xi32, #tpu.memory_space<vmem>>
    %dma_wait3A_1518 = tpu.memref_slice %arg2[%multiple_of3A_579] : memref<100000xi32, #tpu.memory_space<hbm>> -> memref<128xi32, #tpu.memory_space<hbm>>
    %dma_wait3A_1519 = arith.constant 0 : i32
    %dma_wait3A_1520 = tpu.memref_slice %arg6[%dma_wait3A_1514, %dma_wait3A_1519] : memref<16x128xi32, #tpu.memory_space<vmem>> -> memref<1x128xi32, #tpu.memory_space<vmem>>
    %dma_wait3A_1521 = tpu.memref_squeeze %dma_wait3A_1520 : memref<1x128xi32, #tpu.memory_space<vmem>> -> memref<128xi32, #tpu.memory_space<vmem>>
    %dma_wait3A_1522 = tpu.memref_slice %arg2[%multiple_of3A_579] : memref<100000xi32, #tpu.memory_space<hbm>> -> memref<128xi32, #tpu.memory_space<hbm>>
    tpu.wait_dma2 semaphore(%arg11 : memref<!tpu.dma_semaphore, #tpu.memory_space<semaphore_mem>>) src(%dma_wait3A_1522 : memref<128xi32, #tpu.memory_space<hbm>>) dst(%dma_wait3A_1521 : memref<128xi32, #tpu.memory_space<vmem>>)
    %dma_wait3A_1523 = arith.constant 5 : i32
    %dma_wait3A_1524 = arith.constant 0 : i32
    %dma_wait3A_1525 = tpu.memref_slice %arg7[%dma_wait3A_1523, %dma_wait3A_1524] : memref<16x128xi32, #tpu.memory_space<vmem>> -> memref<1x128xi32, #tpu.memory_space<vmem>>
    %dma_wait3A_1526 = tpu.memref_squeeze %dma_wait3A_1525 : memref<1x128xi32, #tpu.memory_space<vmem>> -> memref<128xi32, #tpu.memory_space<vmem>>
    %dma_wait3A_1527 = tpu.memref_slice %arg2[%multiple_of3A_582] : memref<100000xi32, #tpu.memory_space<hbm>> -> memref<128xi32, #tpu.memory_space<hbm>>
    %dma_wait3A_1528 = arith.constant 0 : i32
    %dma_wait3A_1529 = tpu.memref_slice %arg7[%dma_wait3A_1523, %dma_wait3A_1528] : memref<16x128xi32, #tpu.memory_space<vmem>> -> memref<1x128xi32, #tpu.memory_space<vmem>>
    %dma_wait3A_1530 = tpu.memref_squeeze %dma_wait3A_1529 : memref<1x128xi32, #tpu.memory_space<vmem>> -> memref<128xi32, #tpu.memory_space<vmem>>
    %dma_wait3A_1531 = tpu.memref_slice %arg2[%multiple_of3A_582] : memref<100000xi32, #tpu.memory_space<hbm>> -> memref<128xi32, #tpu.memory_space<hbm>>
    tpu.wait_dma2 semaphore(%arg12 : memref<!tpu.dma_semaphore, #tpu.memory_space<semaphore_mem>>) src(%dma_wait3A_1531 : memref<128xi32, #tpu.memory_space<hbm>>) dst(%dma_wait3A_1530 : memref<128xi32, #tpu.memory_space<vmem>>)
    %dma_wait3A_1532 = arith.constant 6 : i32
    %dma_wait3A_1533 = arith.constant 0 : i32
    %dma_wait3A_1534 = tpu.memref_slice %arg6[%dma_wait3A_1532, %dma_wait3A_1533] : memref<16x128xi32, #tpu.memory_space<vmem>> -> memref<1x128xi32, #tpu.memory_space<vmem>>
    %dma_wait3A_1535 = tpu.memref_squeeze %dma_wait3A_1534 : memref<1x128xi32, #tpu.memory_space<vmem>> -> memref<128xi32, #tpu.memory_space<vmem>>
    %dma_wait3A_1536 = tpu.memref_slice %arg2[%multiple_of3A_603] : memref<100000xi32, #tpu.memory_space<hbm>> -> memref<128xi32, #tpu.memory_space<hbm>>
    %dma_wait3A_1537 = arith.constant 0 : i32
    %dma_wait3A_1538 = tpu.memref_slice %arg6[%dma_wait3A_1532, %dma_wait3A_1537] : memref<16x128xi32, #tpu.memory_space<vmem>> -> memref<1x128xi32, #tpu.memory_space<vmem>>
    %dma_wait3A_1539 = tpu.memref_squeeze %dma_wait3A_1538 : memref<1x128xi32, #tpu.memory_space<vmem>> -> memref<128xi32, #tpu.memory_space<vmem>>
    %dma_wait3A_1540 = tpu.memref_slice %arg2[%multiple_of3A_603] : memref<100000xi32, #tpu.memory_space<hbm>> -> memref<128xi32, #tpu.memory_space<hbm>>
    tpu.wait_dma2 semaphore(%arg11 : memref<!tpu.dma_semaphore, #tpu.memory_space<semaphore_mem>>) src(%dma_wait3A_1540 : memref<128xi32, #tpu.memory_space<hbm>>) dst(%dma_wait3A_1539 : memref<128xi32, #tpu.memory_space<vmem>>)
    %dma_wait3A_1541 = arith.constant 6 : i32
    %dma_wait3A_1542 = arith.constant 0 : i32
    %dma_wait3A_1543 = tpu.memref_slice %arg7[%dma_wait3A_1541, %dma_wait3A_1542] : memref<16x128xi32, #tpu.memory_space<vmem>> -> memref<1x128xi32, #tpu.memory_space<vmem>>
    %dma_wait3A_1544 = tpu.memref_squeeze %dma_wait3A_1543 : memref<1x128xi32, #tpu.memory_space<vmem>> -> memref<128xi32, #tpu.memory_space<vmem>>
    %dma_wait3A_1545 = tpu.memref_slice %arg2[%multiple_of3A_606] : memref<100000xi32, #tpu.memory_space<hbm>> -> memref<128xi32, #tpu.memory_space<hbm>>
    %dma_wait3A_1546 = arith.constant 0 : i32
    %dma_wait3A_1547 = tpu.memref_slice %arg7[%dma_wait3A_1541, %dma_wait3A_1546] : memref<16x128xi32, #tpu.memory_space<vmem>> -> memref<1x128xi32, #tpu.memory_space<vmem>>
    %dma_wait3A_1548 = tpu.memref_squeeze %dma_wait3A_1547 : memref<1x128xi32, #tpu.memory_space<vmem>> -> memref<128xi32, #tpu.memory_space<vmem>>
    %dma_wait3A_1549 = tpu.memref_slice %arg2[%multiple_of3A_606] : memref<100000xi32, #tpu.memory_space<hbm>> -> memref<128xi32, #tpu.memory_space<hbm>>
    tpu.wait_dma2 semaphore(%arg12 : memref<!tpu.dma_semaphore, #tpu.memory_space<semaphore_mem>>) src(%dma_wait3A_1549 : memref<128xi32, #tpu.memory_space<hbm>>) dst(%dma_wait3A_1548 : memref<128xi32, #tpu.memory_space<vmem>>)
    %dma_wait3A_1550 = arith.constant 7 : i32
    %dma_wait3A_1551 = arith.constant 0 : i32
    %dma_wait3A_1552 = tpu.memref_slice %arg6[%dma_wait3A_1550, %dma_wait3A_1551] : memref<16x128xi32, #tpu.memory_space<vmem>> -> memref<1x128xi32, #tpu.memory_space<vmem>>
    %dma_wait3A_1553 = tpu.memref_squeeze %dma_wait3A_1552 : memref<1x128xi32, #tpu.memory_space<vmem>> -> memref<128xi32, #tpu.memory_space<vmem>>
    %dma_wait3A_1554 = tpu.memref_slice %arg2[%multiple_of3A_627] : memref<100000xi32, #tpu.memory_space<hbm>> -> memref<128xi32, #tpu.memory_space<hbm>>
    %dma_wait3A_1555 = arith.constant 0 : i32
    %dma_wait3A_1556 = tpu.memref_slice %arg6[%dma_wait3A_1550, %dma_wait3A_1555] : memref<16x128xi32, #tpu.memory_space<vmem>> -> memref<1x128xi32, #tpu.memory_space<vmem>>
    %dma_wait3A_1557 = tpu.memref_squeeze %dma_wait3A_1556 : memref<1x128xi32, #tpu.memory_space<vmem>> -> memref<128xi32, #tpu.memory_space<vmem>>
    %dma_wait3A_1558 = tpu.memref_slice %arg2[%multiple_of3A_627] : memref<100000xi32, #tpu.memory_space<hbm>> -> memref<128xi32, #tpu.memory_space<hbm>>
    tpu.wait_dma2 semaphore(%arg11 : memref<!tpu.dma_semaphore, #tpu.memory_space<semaphore_mem>>) src(%dma_wait3A_1558 : memref<128xi32, #tpu.memory_space<hbm>>) dst(%dma_wait3A_1557 : memref<128xi32, #tpu.memory_space<vmem>>)
    %dma_wait3A_1559 = arith.constant 7 : i32
    %dma_wait3A_1560 = arith.constant 0 : i32
    %dma_wait3A_1561 = tpu.memref_slice %arg7[%dma_wait3A_1559, %dma_wait3A_1560] : memref<16x128xi32, #tpu.memory_space<vmem>> -> memref<1x128xi32, #tpu.memory_space<vmem>>
    %dma_wait3A_1562 = tpu.memref_squeeze %dma_wait3A_1561 : memref<1x128xi32, #tpu.memory_space<vmem>> -> memref<128xi32, #tpu.memory_space<vmem>>
    %dma_wait3A_1563 = tpu.memref_slice %arg2[%multiple_of3A_630] : memref<100000xi32, #tpu.memory_space<hbm>> -> memref<128xi32, #tpu.memory_space<hbm>>
    %dma_wait3A_1564 = arith.constant 0 : i32
    %dma_wait3A_1565 = tpu.memref_slice %arg7[%dma_wait3A_1559, %dma_wait3A_1564] : memref<16x128xi32, #tpu.memory_space<vmem>> -> memref<1x128xi32, #tpu.memory_space<vmem>>
    %dma_wait3A_1566 = tpu.memref_squeeze %dma_wait3A_1565 : memref<1x128xi32, #tpu.memory_space<vmem>> -> memref<128xi32, #tpu.memory_space<vmem>>
    %dma_wait3A_1567 = tpu.memref_slice %arg2[%multiple_of3A_630] : memref<100000xi32, #tpu.memory_space<hbm>> -> memref<128xi32, #tpu.memory_space<hbm>>
    tpu.wait_dma2 semaphore(%arg12 : memref<!tpu.dma_semaphore, #tpu.memory_space<semaphore_mem>>) src(%dma_wait3A_1567 : memref<128xi32, #tpu.memory_space<hbm>>) dst(%dma_wait3A_1566 : memref<128xi32, #tpu.memory_space<vmem>>)
    %dma_wait3A_1568 = arith.constant 8 : i32
    %dma_wait3A_1569 = arith.constant 0 : i32
    %dma_wait3A_1570 = tpu.memref_slice %arg6[%dma_wait3A_1568, %dma_wait3A_1569] : memref<16x128xi32, #tpu.memory_space<vmem>> -> memref<1x128xi32, #tpu.memory_space<vmem>>
    %dma_wait3A_1571 = tpu.memref_squeeze %dma_wait3A_1570 : memref<1x128xi32, #tpu.memory_space<vmem>> -> memref<128xi32, #tpu.memory_space<vmem>>
    %dma_wait3A_1572 = tpu.memref_slice %arg2[%multiple_of3A_651] : memref<100000xi32, #tpu.memory_space<hbm>> -> memref<128xi32, #tpu.memory_space<hbm>>
    %dma_wait3A_1573 = arith.constant 0 : i32
    %dma_wait3A_1574 = tpu.memref_slice %arg6[%dma_wait3A_1568, %dma_wait3A_1573] : memref<16x128xi32, #tpu.memory_space<vmem>> -> memref<1x128xi32, #tpu.memory_space<vmem>>
    %dma_wait3A_1575 = tpu.memref_squeeze %dma_wait3A_1574 : memref<1x128xi32, #tpu.memory_space<vmem>> -> memref<128xi32, #tpu.memory_space<vmem>>
    %dma_wait3A_1576 = tpu.memref_slice %arg2[%multiple_of3A_651] : memref<100000xi32, #tpu.memory_space<hbm>> -> memref<128xi32, #tpu.memory_space<hbm>>
    tpu.wait_dma2 semaphore(%arg11 : memref<!tpu.dma_semaphore, #tpu.memory_space<semaphore_mem>>) src(%dma_wait3A_1576 : memref<128xi32, #tpu.memory_space<hbm>>) dst(%dma_wait3A_1575 : memref<128xi32, #tpu.memory_space<vmem>>)
    %dma_wait3A_1577 = arith.constant 8 : i32
    %dma_wait3A_1578 = arith.constant 0 : i32
    %dma_wait3A_1579 = tpu.memref_slice %arg7[%dma_wait3A_1577, %dma_wait3A_1578] : memref<16x128xi32, #tpu.memory_space<vmem>> -> memref<1x128xi32, #tpu.memory_space<vmem>>
    %dma_wait3A_1580 = tpu.memref_squeeze %dma_wait3A_1579 : memref<1x128xi32, #tpu.memory_space<vmem>> -> memref<128xi32, #tpu.memory_space<vmem>>
    %dma_wait3A_1581 = tpu.memref_slice %arg2[%multiple_of3A_654] : memref<100000xi32, #tpu.memory_space<hbm>> -> memref<128xi32, #tpu.memory_space<hbm>>
    %dma_wait3A_1582 = arith.constant 0 : i32
    %dma_wait3A_1583 = tpu.memref_slice %arg7[%dma_wait3A_1577, %dma_wait3A_1582] : memref<16x128xi32, #tpu.memory_space<vmem>> -> memref<1x128xi32, #tpu.memory_space<vmem>>
    %dma_wait3A_1584 = tpu.memref_squeeze %dma_wait3A_1583 : memref<1x128xi32, #tpu.memory_space<vmem>> -> memref<128xi32, #tpu.memory_space<vmem>>
    %dma_wait3A_1585 = tpu.memref_slice %arg2[%multiple_of3A_654] : memref<100000xi32, #tpu.memory_space<hbm>> -> memref<128xi32, #tpu.memory_space<hbm>>
    tpu.wait_dma2 semaphore(%arg12 : memref<!tpu.dma_semaphore, #tpu.memory_space<semaphore_mem>>) src(%dma_wait3A_1585 : memref<128xi32, #tpu.memory_space<hbm>>) dst(%dma_wait3A_1584 : memref<128xi32, #tpu.memory_space<vmem>>)
    %dma_wait3A_1586 = arith.constant 9 : i32
    %dma_wait3A_1587 = arith.constant 0 : i32
    %dma_wait3A_1588 = tpu.memref_slice %arg6[%dma_wait3A_1586, %dma_wait3A_1587] : memref<16x128xi32, #tpu.memory_space<vmem>> -> memref<1x128xi32, #tpu.memory_space<vmem>>
    %dma_wait3A_1589 = tpu.memref_squeeze %dma_wait3A_1588 : memref<1x128xi32, #tpu.memory_space<vmem>> -> memref<128xi32, #tpu.memory_space<vmem>>
    %dma_wait3A_1590 = tpu.memref_slice %arg2[%multiple_of3A_675] : memref<100000xi32, #tpu.memory_space<hbm>> -> memref<128xi32, #tpu.memory_space<hbm>>
    %dma_wait3A_1591 = arith.constant 0 : i32
    %dma_wait3A_1592 = tpu.memref_slice %arg6[%dma_wait3A_1586, %dma_wait3A_1591] : memref<16x128xi32, #tpu.memory_space<vmem>> -> memref<1x128xi32, #tpu.memory_space<vmem>>
    %dma_wait3A_1593 = tpu.memref_squeeze %dma_wait3A_1592 : memref<1x128xi32, #tpu.memory_space<vmem>> -> memref<128xi32, #tpu.memory_space<vmem>>
    %dma_wait3A_1594 = tpu.memref_slice %arg2[%multiple_of3A_675] : memref<100000xi32, #tpu.memory_space<hbm>> -> memref<128xi32, #tpu.memory_space<hbm>>
    tpu.wait_dma2 semaphore(%arg11 : memref<!tpu.dma_semaphore, #tpu.memory_space<semaphore_mem>>) src(%dma_wait3A_1594 : memref<128xi32, #tpu.memory_space<hbm>>) dst(%dma_wait3A_1593 : memref<128xi32, #tpu.memory_space<vmem>>)
    %dma_wait3A_1595 = arith.constant 9 : i32
    %dma_wait3A_1596 = arith.constant 0 : i32
    %dma_wait3A_1597 = tpu.memref_slice %arg7[%dma_wait3A_1595, %dma_wait3A_1596] : memref<16x128xi32, #tpu.memory_space<vmem>> -> memref<1x128xi32, #tpu.memory_space<vmem>>
    %dma_wait3A_1598 = tpu.memref_squeeze %dma_wait3A_1597 : memref<1x128xi32, #tpu.memory_space<vmem>> -> memref<128xi32, #tpu.memory_space<vmem>>
    %dma_wait3A_1599 = tpu.memref_slice %arg2[%multiple_of3A_678] : memref<100000xi32, #tpu.memory_space<hbm>> -> memref<128xi32, #tpu.memory_space<hbm>>
    %dma_wait3A_1600 = arith.constant 0 : i32
    %dma_wait3A_1601 = tpu.memref_slice %arg7[%dma_wait3A_1595, %dma_wait3A_1600] : memref<16x128xi32, #tpu.memory_space<vmem>> -> memref<1x128xi32, #tpu.memory_space<vmem>>
    %dma_wait3A_1602 = tpu.memref_squeeze %dma_wait3A_1601 : memref<1x128xi32, #tpu.memory_space<vmem>> -> memref<128xi32, #tpu.memory_space<vmem>>
    %dma_wait3A_1603 = tpu.memref_slice %arg2[%multiple_of3A_678] : memref<100000xi32, #tpu.memory_space<hbm>> -> memref<128xi32, #tpu.memory_space<hbm>>
    tpu.wait_dma2 semaphore(%arg12 : memref<!tpu.dma_semaphore, #tpu.memory_space<semaphore_mem>>) src(%dma_wait3A_1603 : memref<128xi32, #tpu.memory_space<hbm>>) dst(%dma_wait3A_1602 : memref<128xi32, #tpu.memory_space<vmem>>)
    %dma_wait3A_1604 = arith.constant 10 : i32
    %dma_wait3A_1605 = arith.constant 0 : i32
    %dma_wait3A_1606 = tpu.memref_slice %arg6[%dma_wait3A_1604, %dma_wait3A_1605] : memref<16x128xi32, #tpu.memory_space<vmem>> -> memref<1x128xi32, #tpu.memory_space<vmem>>
    %dma_wait3A_1607 = tpu.memref_squeeze %dma_wait3A_1606 : memref<1x128xi32, #tpu.memory_space<vmem>> -> memref<128xi32, #tpu.memory_space<vmem>>
    %dma_wait3A_1608 = tpu.memref_slice %arg2[%multiple_of3A_699] : memref<100000xi32, #tpu.memory_space<hbm>> -> memref<128xi32, #tpu.memory_space<hbm>>
    %dma_wait3A_1609 = arith.constant 0 : i32
    %dma_wait3A_1610 = tpu.memref_slice %arg6[%dma_wait3A_1604, %dma_wait3A_1609] : memref<16x128xi32, #tpu.memory_space<vmem>> -> memref<1x128xi32, #tpu.memory_space<vmem>>
    %dma_wait3A_1611 = tpu.memref_squeeze %dma_wait3A_1610 : memref<1x128xi32, #tpu.memory_space<vmem>> -> memref<128xi32, #tpu.memory_space<vmem>>
    %dma_wait3A_1612 = tpu.memref_slice %arg2[%multiple_of3A_699] : memref<100000xi32, #tpu.memory_space<hbm>> -> memref<128xi32, #tpu.memory_space<hbm>>
    tpu.wait_dma2 semaphore(%arg11 : memref<!tpu.dma_semaphore, #tpu.memory_space<semaphore_mem>>) src(%dma_wait3A_1612 : memref<128xi32, #tpu.memory_space<hbm>>) dst(%dma_wait3A_1611 : memref<128xi32, #tpu.memory_space<vmem>>)
    %dma_wait3A_1613 = arith.constant 10 : i32
    %dma_wait3A_1614 = arith.constant 0 : i32
    %dma_wait3A_1615 = tpu.memref_slice %arg7[%dma_wait3A_1613, %dma_wait3A_1614] : memref<16x128xi32, #tpu.memory_space<vmem>> -> memref<1x128xi32, #tpu.memory_space<vmem>>
    %dma_wait3A_1616 = tpu.memref_squeeze %dma_wait3A_1615 : memref<1x128xi32, #tpu.memory_space<vmem>> -> memref<128xi32, #tpu.memory_space<vmem>>
    %dma_wait3A_1617 = tpu.memref_slice %arg2[%multiple_of3A_702] : memref<100000xi32, #tpu.memory_space<hbm>> -> memref<128xi32, #tpu.memory_space<hbm>>
    %dma_wait3A_1618 = arith.constant 0 : i32
    %dma_wait3A_1619 = tpu.memref_slice %arg7[%dma_wait3A_1613, %dma_wait3A_1618] : memref<16x128xi32, #tpu.memory_space<vmem>> -> memref<1x128xi32, #tpu.memory_space<vmem>>
    %dma_wait3A_1620 = tpu.memref_squeeze %dma_wait3A_1619 : memref<1x128xi32, #tpu.memory_space<vmem>> -> memref<128xi32, #tpu.memory_space<vmem>>
    %dma_wait3A_1621 = tpu.memref_slice %arg2[%multiple_of3A_702] : memref<100000xi32, #tpu.memory_space<hbm>> -> memref<128xi32, #tpu.memory_space<hbm>>
    tpu.wait_dma2 semaphore(%arg12 : memref<!tpu.dma_semaphore, #tpu.memory_space<semaphore_mem>>) src(%dma_wait3A_1621 : memref<128xi32, #tpu.memory_space<hbm>>) dst(%dma_wait3A_1620 : memref<128xi32, #tpu.memory_space<vmem>>)
    %dma_wait3A_1622 = arith.constant 11 : i32
    %dma_wait3A_1623 = arith.constant 0 : i32
    %dma_wait3A_1624 = tpu.memref_slice %arg6[%dma_wait3A_1622, %dma_wait3A_1623] : memref<16x128xi32, #tpu.memory_space<vmem>> -> memref<1x128xi32, #tpu.memory_space<vmem>>
    %dma_wait3A_1625 = tpu.memref_squeeze %dma_wait3A_1624 : memref<1x128xi32, #tpu.memory_space<vmem>> -> memref<128xi32, #tpu.memory_space<vmem>>
    %dma_wait3A_1626 = tpu.memref_slice %arg2[%multiple_of3A_723] : memref<100000xi32, #tpu.memory_space<hbm>> -> memref<128xi32, #tpu.memory_space<hbm>>
    %dma_wait3A_1627 = arith.constant 0 : i32
    %dma_wait3A_1628 = tpu.memref_slice %arg6[%dma_wait3A_1622, %dma_wait3A_1627] : memref<16x128xi32, #tpu.memory_space<vmem>> -> memref<1x128xi32, #tpu.memory_space<vmem>>
    %dma_wait3A_1629 = tpu.memref_squeeze %dma_wait3A_1628 : memref<1x128xi32, #tpu.memory_space<vmem>> -> memref<128xi32, #tpu.memory_space<vmem>>
    %dma_wait3A_1630 = tpu.memref_slice %arg2[%multiple_of3A_723] : memref<100000xi32, #tpu.memory_space<hbm>> -> memref<128xi32, #tpu.memory_space<hbm>>
    tpu.wait_dma2 semaphore(%arg11 : memref<!tpu.dma_semaphore, #tpu.memory_space<semaphore_mem>>) src(%dma_wait3A_1630 : memref<128xi32, #tpu.memory_space<hbm>>) dst(%dma_wait3A_1629 : memref<128xi32, #tpu.memory_space<vmem>>)
    %dma_wait3A_1631 = arith.constant 11 : i32
    %dma_wait3A_1632 = arith.constant 0 : i32
    %dma_wait3A_1633 = tpu.memref_slice %arg7[%dma_wait3A_1631, %dma_wait3A_1632] : memref<16x128xi32, #tpu.memory_space<vmem>> -> memref<1x128xi32, #tpu.memory_space<vmem>>
    %dma_wait3A_1634 = tpu.memref_squeeze %dma_wait3A_1633 : memref<1x128xi32, #tpu.memory_space<vmem>> -> memref<128xi32, #tpu.memory_space<vmem>>
    %dma_wait3A_1635 = tpu.memref_slice %arg2[%multiple_of3A_726] : memref<100000xi32, #tpu.memory_space<hbm>> -> memref<128xi32, #tpu.memory_space<hbm>>
    %dma_wait3A_1636 = arith.constant 0 : i32
    %dma_wait3A_1637 = tpu.memref_slice %arg7[%dma_wait3A_1631, %dma_wait3A_1636] : memref<16x128xi32, #tpu.memory_space<vmem>> -> memref<1x128xi32, #tpu.memory_space<vmem>>
    %dma_wait3A_1638 = tpu.memref_squeeze %dma_wait3A_1637 : memref<1x128xi32, #tpu.memory_space<vmem>> -> memref<128xi32, #tpu.memory_space<vmem>>
    %dma_wait3A_1639 = tpu.memref_slice %arg2[%multiple_of3A_726] : memref<100000xi32, #tpu.memory_space<hbm>> -> memref<128xi32, #tpu.memory_space<hbm>>
    tpu.wait_dma2 semaphore(%arg12 : memref<!tpu.dma_semaphore, #tpu.memory_space<semaphore_mem>>) src(%dma_wait3A_1639 : memref<128xi32, #tpu.memory_space<hbm>>) dst(%dma_wait3A_1638 : memref<128xi32, #tpu.memory_space<vmem>>)
    %dma_wait3A_1640 = arith.constant 12 : i32
    %dma_wait3A_1641 = arith.constant 0 : i32
    %dma_wait3A_1642 = tpu.memref_slice %arg6[%dma_wait3A_1640, %dma_wait3A_1641] : memref<16x128xi32, #tpu.memory_space<vmem>> -> memref<1x128xi32, #tpu.memory_space<vmem>>
    %dma_wait3A_1643 = tpu.memref_squeeze %dma_wait3A_1642 : memref<1x128xi32, #tpu.memory_space<vmem>> -> memref<128xi32, #tpu.memory_space<vmem>>
    %dma_wait3A_1644 = tpu.memref_slice %arg2[%multiple_of3A_747] : memref<100000xi32, #tpu.memory_space<hbm>> -> memref<128xi32, #tpu.memory_space<hbm>>
    %dma_wait3A_1645 = arith.constant 0 : i32
    %dma_wait3A_1646 = tpu.memref_slice %arg6[%dma_wait3A_1640, %dma_wait3A_1645] : memref<16x128xi32, #tpu.memory_space<vmem>> -> memref<1x128xi32, #tpu.memory_space<vmem>>
    %dma_wait3A_1647 = tpu.memref_squeeze %dma_wait3A_1646 : memref<1x128xi32, #tpu.memory_space<vmem>> -> memref<128xi32, #tpu.memory_space<vmem>>
    %dma_wait3A_1648 = tpu.memref_slice %arg2[%multiple_of3A_747] : memref<100000xi32, #tpu.memory_space<hbm>> -> memref<128xi32, #tpu.memory_space<hbm>>
    tpu.wait_dma2 semaphore(%arg11 : memref<!tpu.dma_semaphore, #tpu.memory_space<semaphore_mem>>) src(%dma_wait3A_1648 : memref<128xi32, #tpu.memory_space<hbm>>) dst(%dma_wait3A_1647 : memref<128xi32, #tpu.memory_space<vmem>>)
    %dma_wait3A_1649 = arith.constant 12 : i32
    %dma_wait3A_1650 = arith.constant 0 : i32
    %dma_wait3A_1651 = tpu.memref_slice %arg7[%dma_wait3A_1649, %dma_wait3A_1650] : memref<16x128xi32, #tpu.memory_space<vmem>> -> memref<1x128xi32, #tpu.memory_space<vmem>>
    %dma_wait3A_1652 = tpu.memref_squeeze %dma_wait3A_1651 : memref<1x128xi32, #tpu.memory_space<vmem>> -> memref<128xi32, #tpu.memory_space<vmem>>
    %dma_wait3A_1653 = tpu.memref_slice %arg2[%multiple_of3A_750] : memref<100000xi32, #tpu.memory_space<hbm>> -> memref<128xi32, #tpu.memory_space<hbm>>
    %dma_wait3A_1654 = arith.constant 0 : i32
    %dma_wait3A_1655 = tpu.memref_slice %arg7[%dma_wait3A_1649, %dma_wait3A_1654] : memref<16x128xi32, #tpu.memory_space<vmem>> -> memref<1x128xi32, #tpu.memory_space<vmem>>
    %dma_wait3A_1656 = tpu.memref_squeeze %dma_wait3A_1655 : memref<1x128xi32, #tpu.memory_space<vmem>> -> memref<128xi32, #tpu.memory_space<vmem>>
    %dma_wait3A_1657 = tpu.memref_slice %arg2[%multiple_of3A_750] : memref<100000xi32, #tpu.memory_space<hbm>> -> memref<128xi32, #tpu.memory_space<hbm>>
    tpu.wait_dma2 semaphore(%arg12 : memref<!tpu.dma_semaphore, #tpu.memory_space<semaphore_mem>>) src(%dma_wait3A_1657 : memref<128xi32, #tpu.memory_space<hbm>>) dst(%dma_wait3A_1656 : memref<128xi32, #tpu.memory_space<vmem>>)
    %dma_wait3A_1658 = arith.constant 13 : i32
    %dma_wait3A_1659 = arith.constant 0 : i32
    %dma_wait3A_1660 = tpu.memref_slice %arg6[%dma_wait3A_1658, %dma_wait3A_1659] : memref<16x128xi32, #tpu.memory_space<vmem>> -> memref<1x128xi32, #tpu.memory_space<vmem>>
    %dma_wait3A_1661 = tpu.memref_squeeze %dma_wait3A_1660 : memref<1x128xi32, #tpu.memory_space<vmem>> -> memref<128xi32, #tpu.memory_space<vmem>>
    %dma_wait3A_1662 = tpu.memref_slice %arg2[%multiple_of3A_771] : memref<100000xi32, #tpu.memory_space<hbm>> -> memref<128xi32, #tpu.memory_space<hbm>>
    %dma_wait3A_1663 = arith.constant 0 : i32
    %dma_wait3A_1664 = tpu.memref_slice %arg6[%dma_wait3A_1658, %dma_wait3A_1663] : memref<16x128xi32, #tpu.memory_space<vmem>> -> memref<1x128xi32, #tpu.memory_space<vmem>>
    %dma_wait3A_1665 = tpu.memref_squeeze %dma_wait3A_1664 : memref<1x128xi32, #tpu.memory_space<vmem>> -> memref<128xi32, #tpu.memory_space<vmem>>
    %dma_wait3A_1666 = tpu.memref_slice %arg2[%multiple_of3A_771] : memref<100000xi32, #tpu.memory_space<hbm>> -> memref<128xi32, #tpu.memory_space<hbm>>
    tpu.wait_dma2 semaphore(%arg11 : memref<!tpu.dma_semaphore, #tpu.memory_space<semaphore_mem>>) src(%dma_wait3A_1666 : memref<128xi32, #tpu.memory_space<hbm>>) dst(%dma_wait3A_1665 : memref<128xi32, #tpu.memory_space<vmem>>)
    %dma_wait3A_1667 = arith.constant 13 : i32
    %dma_wait3A_1668 = arith.constant 0 : i32
    %dma_wait3A_1669 = tpu.memref_slice %arg7[%dma_wait3A_1667, %dma_wait3A_1668] : memref<16x128xi32, #tpu.memory_space<vmem>> -> memref<1x128xi32, #tpu.memory_space<vmem>>
    %dma_wait3A_1670 = tpu.memref_squeeze %dma_wait3A_1669 : memref<1x128xi32, #tpu.memory_space<vmem>> -> memref<128xi32, #tpu.memory_space<vmem>>
    %dma_wait3A_1671 = tpu.memref_slice %arg2[%multiple_of3A_774] : memref<100000xi32, #tpu.memory_space<hbm>> -> memref<128xi32, #tpu.memory_space<hbm>>
    %dma_wait3A_1672 = arith.constant 0 : i32
    %dma_wait3A_1673 = tpu.memref_slice %arg7[%dma_wait3A_1667, %dma_wait3A_1672] : memref<16x128xi32, #tpu.memory_space<vmem>> -> memref<1x128xi32, #tpu.memory_space<vmem>>
    %dma_wait3A_1674 = tpu.memref_squeeze %dma_wait3A_1673 : memref<1x128xi32, #tpu.memory_space<vmem>> -> memref<128xi32, #tpu.memory_space<vmem>>
    %dma_wait3A_1675 = tpu.memref_slice %arg2[%multiple_of3A_774] : memref<100000xi32, #tpu.memory_space<hbm>> -> memref<128xi32, #tpu.memory_space<hbm>>
    tpu.wait_dma2 semaphore(%arg12 : memref<!tpu.dma_semaphore, #tpu.memory_space<semaphore_mem>>) src(%dma_wait3A_1675 : memref<128xi32, #tpu.memory_space<hbm>>) dst(%dma_wait3A_1674 : memref<128xi32, #tpu.memory_space<vmem>>)
    %dma_wait3A_1676 = arith.constant 14 : i32
    %dma_wait3A_1677 = arith.constant 0 : i32
    %dma_wait3A_1678 = tpu.memref_slice %arg6[%dma_wait3A_1676, %dma_wait3A_1677] : memref<16x128xi32, #tpu.memory_space<vmem>> -> memref<1x128xi32, #tpu.memory_space<vmem>>
    %dma_wait3A_1679 = tpu.memref_squeeze %dma_wait3A_1678 : memref<1x128xi32, #tpu.memory_space<vmem>> -> memref<128xi32, #tpu.memory_space<vmem>>
    %dma_wait3A_1680 = tpu.memref_slice %arg2[%multiple_of3A_795] : memref<100000xi32, #tpu.memory_space<hbm>> -> memref<128xi32, #tpu.memory_space<hbm>>
    %dma_wait3A_1681 = arith.constant 0 : i32
    %dma_wait3A_1682 = tpu.memref_slice %arg6[%dma_wait3A_1676, %dma_wait3A_1681] : memref<16x128xi32, #tpu.memory_space<vmem>> -> memref<1x128xi32, #tpu.memory_space<vmem>>
    %dma_wait3A_1683 = tpu.memref_squeeze %dma_wait3A_1682 : memref<1x128xi32, #tpu.memory_space<vmem>> -> memref<128xi32, #tpu.memory_space<vmem>>
    %dma_wait3A_1684 = tpu.memref_slice %arg2[%multiple_of3A_795] : memref<100000xi32, #tpu.memory_space<hbm>> -> memref<128xi32, #tpu.memory_space<hbm>>
    tpu.wait_dma2 semaphore(%arg11 : memref<!tpu.dma_semaphore, #tpu.memory_space<semaphore_mem>>) src(%dma_wait3A_1684 : memref<128xi32, #tpu.memory_space<hbm>>) dst(%dma_wait3A_1683 : memref<128xi32, #tpu.memory_space<vmem>>)
    %dma_wait3A_1685 = arith.constant 14 : i32
    %dma_wait3A_1686 = arith.constant 0 : i32
    %dma_wait3A_1687 = tpu.memref_slice %arg7[%dma_wait3A_1685, %dma_wait3A_1686] : memref<16x128xi32, #tpu.memory_space<vmem>> -> memref<1x128xi32, #tpu.memory_space<vmem>>
    %dma_wait3A_1688 = tpu.memref_squeeze %dma_wait3A_1687 : memref<1x128xi32, #tpu.memory_space<vmem>> -> memref<128xi32, #tpu.memory_space<vmem>>
    %dma_wait3A_1689 = tpu.memref_slice %arg2[%multiple_of3A_798] : memref<100000xi32, #tpu.memory_space<hbm>> -> memref<128xi32, #tpu.memory_space<hbm>>
    %dma_wait3A_1690 = arith.constant 0 : i32
    %dma_wait3A_1691 = tpu.memref_slice %arg7[%dma_wait3A_1685, %dma_wait3A_1690] : memref<16x128xi32, #tpu.memory_space<vmem>> -> memref<1x128xi32, #tpu.memory_space<vmem>>
    %dma_wait3A_1692 = tpu.memref_squeeze %dma_wait3A_1691 : memref<1x128xi32, #tpu.memory_space<vmem>> -> memref<128xi32, #tpu.memory_space<vmem>>
    %dma_wait3A_1693 = tpu.memref_slice %arg2[%multiple_of3A_798] : memref<100000xi32, #tpu.memory_space<hbm>> -> memref<128xi32, #tpu.memory_space<hbm>>
    tpu.wait_dma2 semaphore(%arg12 : memref<!tpu.dma_semaphore, #tpu.memory_space<semaphore_mem>>) src(%dma_wait3A_1693 : memref<128xi32, #tpu.memory_space<hbm>>) dst(%dma_wait3A_1692 : memref<128xi32, #tpu.memory_space<vmem>>)
    %dma_wait3A_1694 = arith.constant 15 : i32
    %dma_wait3A_1695 = arith.constant 0 : i32
    %dma_wait3A_1696 = tpu.memref_slice %arg6[%dma_wait3A_1694, %dma_wait3A_1695] : memref<16x128xi32, #tpu.memory_space<vmem>> -> memref<1x128xi32, #tpu.memory_space<vmem>>
    %dma_wait3A_1697 = tpu.memref_squeeze %dma_wait3A_1696 : memref<1x128xi32, #tpu.memory_space<vmem>> -> memref<128xi32, #tpu.memory_space<vmem>>
    %dma_wait3A_1698 = tpu.memref_slice %arg2[%multiple_of3A_819] : memref<100000xi32, #tpu.memory_space<hbm>> -> memref<128xi32, #tpu.memory_space<hbm>>
    %dma_wait3A_1699 = arith.constant 0 : i32
    %dma_wait3A_1700 = tpu.memref_slice %arg6[%dma_wait3A_1694, %dma_wait3A_1699] : memref<16x128xi32, #tpu.memory_space<vmem>> -> memref<1x128xi32, #tpu.memory_space<vmem>>
    %dma_wait3A_1701 = tpu.memref_squeeze %dma_wait3A_1700 : memref<1x128xi32, #tpu.memory_space<vmem>> -> memref<128xi32, #tpu.memory_space<vmem>>
    %dma_wait3A_1702 = tpu.memref_slice %arg2[%multiple_of3A_819] : memref<100000xi32, #tpu.memory_space<hbm>> -> memref<128xi32, #tpu.memory_space<hbm>>
    tpu.wait_dma2 semaphore(%arg11 : memref<!tpu.dma_semaphore, #tpu.memory_space<semaphore_mem>>) src(%dma_wait3A_1702 : memref<128xi32, #tpu.memory_space<hbm>>) dst(%dma_wait3A_1701 : memref<128xi32, #tpu.memory_space<vmem>>)
    %dma_wait3A_1703 = arith.constant 15 : i32
    %dma_wait3A_1704 = arith.constant 0 : i32
    %dma_wait3A_1705 = tpu.memref_slice %arg7[%dma_wait3A_1703, %dma_wait3A_1704] : memref<16x128xi32, #tpu.memory_space<vmem>> -> memref<1x128xi32, #tpu.memory_space<vmem>>
    %dma_wait3A_1706 = tpu.memref_squeeze %dma_wait3A_1705 : memref<1x128xi32, #tpu.memory_space<vmem>> -> memref<128xi32, #tpu.memory_space<vmem>>
    %dma_wait3A_1707 = tpu.memref_slice %arg2[%multiple_of3A_822] : memref<100000xi32, #tpu.memory_space<hbm>> -> memref<128xi32, #tpu.memory_space<hbm>>
    %dma_wait3A_1708 = arith.constant 0 : i32
    %dma_wait3A_1709 = tpu.memref_slice %arg7[%dma_wait3A_1703, %dma_wait3A_1708] : memref<16x128xi32, #tpu.memory_space<vmem>> -> memref<1x128xi32, #tpu.memory_space<vmem>>
    %dma_wait3A_1710 = tpu.memref_squeeze %dma_wait3A_1709 : memref<1x128xi32, #tpu.memory_space<vmem>> -> memref<128xi32, #tpu.memory_space<vmem>>
    %dma_wait3A_1711 = tpu.memref_slice %arg2[%multiple_of3A_822] : memref<100000xi32, #tpu.memory_space<hbm>> -> memref<128xi32, #tpu.memory_space<hbm>>
    tpu.wait_dma2 semaphore(%arg12 : memref<!tpu.dma_semaphore, #tpu.memory_space<semaphore_mem>>) src(%dma_wait3A_1711 : memref<128xi32, #tpu.memory_space<hbm>>) dst(%dma_wait3A_1710 : memref<128xi32, #tpu.memory_space<vmem>>)
    %broadcast_in_dim3A_1712 = arith.constant 0 : i32
    %broadcast_in_dim3A_1713 = vector.broadcast %broadcast_in_dim3A_1712 : i32 to vector<16xi32>
    %broadcast_in_dim3A_1714 = arith.constant 128 : i32
    %broadcast_in_dim3A_1715 = vector.broadcast %broadcast_in_dim3A_1714 : i32 to vector<16xi32>
    %lt3A_1716 = arith.cmpi slt, %broadcast_in_dim3A_1713, %broadcast_in_dim3A_1715 : vector<16xi32>
    %add3A_1717 = arith.addi %broadcast_in_dim3A_1713, %broadcast_in_dim3A_1715 : vector<16xi32>
    %shift_right_arithmetic3A_1718 = arith.constant 1 : i32
    %shift_right_arithmetic3A_1719 = vector.broadcast %shift_right_arithmetic3A_1718 : i32 to vector<16xi32>
    %shift_right_arithmetic3A_1720 = arith.shrsi %add3A_1717, %shift_right_arithmetic3A_1719 : vector<16xi32>
    %min3A_1721 = arith.constant 127 : i32
    %min3A_1722 = vector.broadcast %min3A_1721 : i32 to vector<16xi32>
    %min3A_1723 = arith.minsi %shift_right_arithmetic3A_1720, %min3A_1722 : vector<16xi32>
    %gather3A_1724 = tpu.vector_load_idx %arg6[%iota3A, %min3A_1723] : memref<16x128xi32, #tpu.memory_space<vmem>>[vector<16xi32>, vector<16xi32>], vector<16xi32>,
    %lt3A_1725 = arith.cmpi slt, %gather3A_1724, %add3A_11 : vector<16xi32>
    %and3A_1726 = arith.andi %lt3A_1716, %lt3A_1725 : vector<16xi1>
    %add3A_1727 = arith.constant 1 : i32
    %add3A_1728 = vector.broadcast %add3A_1727 : i32 to vector<16xi32>
    %add3A_1729 = arith.addi %shift_right_arithmetic3A_1720, %add3A_1728 : vector<16xi32>
    %select_n3A_1730 = arith.select %and3A_1726, %add3A_1729, %broadcast_in_dim3A_1713 : vector<16xi1>, vector<16xi32>
    %not3A_1731 = arith.constant dense<true> : vector<16xi1>
    %not3A_1732 = arith.xori %lt3A_1725, %not3A_1731 : vector<16xi1>
    %and3A_1733 = arith.andi %lt3A_1716, %not3A_1732 : vector<16xi1>
    %select_n3A_1734 = arith.select %and3A_1733, %shift_right_arithmetic3A_1720, %broadcast_in_dim3A_1715 : vector<16xi1>, vector<16xi32>
    %lt3A_1735 = arith.cmpi slt, %select_n3A_1730, %select_n3A_1734 : vector<16xi32>
    %add3A_1736 = arith.addi %select_n3A_1730, %select_n3A_1734 : vector<16xi32>
    %shift_right_arithmetic3A_1737 = arith.constant 1 : i32
    %shift_right_arithmetic3A_1738 = vector.broadcast %shift_right_arithmetic3A_1737 : i32 to vector<16xi32>
    %shift_right_arithmetic3A_1739 = arith.shrsi %add3A_1736, %shift_right_arithmetic3A_1738 : vector<16xi32>
    %min3A_1740 = arith.constant 127 : i32
    %min3A_1741 = vector.broadcast %min3A_1740 : i32 to vector<16xi32>
    %min3A_1742 = arith.minsi %shift_right_arithmetic3A_1739, %min3A_1741 : vector<16xi32>
    %gather3A_1743 = tpu.vector_load_idx %arg6[%iota3A, %min3A_1742] : memref<16x128xi32, #tpu.memory_space<vmem>>[vector<16xi32>, vector<16xi32>], vector<16xi32>,
    %lt3A_1744 = arith.cmpi slt, %gather3A_1743, %add3A_11 : vector<16xi32>
    %and3A_1745 = arith.andi %lt3A_1735, %lt3A_1744 : vector<16xi1>
    %add3A_1746 = arith.constant 1 : i32
    %add3A_1747 = vector.broadcast %add3A_1746 : i32 to vector<16xi32>
    %add3A_1748 = arith.addi %shift_right_arithmetic3A_1739, %add3A_1747 : vector<16xi32>
    %select_n3A_1749 = arith.select %and3A_1745, %add3A_1748, %select_n3A_1730 : vector<16xi1>, vector<16xi32>
    %not3A_1750 = arith.constant dense<true> : vector<16xi1>
    %not3A_1751 = arith.xori %lt3A_1744, %not3A_1750 : vector<16xi1>
    %and3A_1752 = arith.andi %lt3A_1735, %not3A_1751 : vector<16xi1>
    %select_n3A_1753 = arith.select %and3A_1752, %shift_right_arithmetic3A_1739, %select_n3A_1734 : vector<16xi1>, vector<16xi32>
    %lt3A_1754 = arith.cmpi slt, %select_n3A_1749, %select_n3A_1753 : vector<16xi32>
    %add3A_1755 = arith.addi %select_n3A_1749, %select_n3A_1753 : vector<16xi32>
    %shift_right_arithmetic3A_1756 = arith.constant 1 : i32
    %shift_right_arithmetic3A_1757 = vector.broadcast %shift_right_arithmetic3A_1756 : i32 to vector<16xi32>
    %shift_right_arithmetic3A_1758 = arith.shrsi %add3A_1755, %shift_right_arithmetic3A_1757 : vector<16xi32>
    %min3A_1759 = arith.constant 127 : i32
    %min3A_1760 = vector.broadcast %min3A_1759 : i32 to vector<16xi32>
    %min3A_1761 = arith.minsi %shift_right_arithmetic3A_1758, %min3A_1760 : vector<16xi32>
    %gather3A_1762 = tpu.vector_load_idx %arg6[%iota3A, %min3A_1761] : memref<16x128xi32, #tpu.memory_space<vmem>>[vector<16xi32>, vector<16xi32>], vector<16xi32>,
    %lt3A_1763 = arith.cmpi slt, %gather3A_1762, %add3A_11 : vector<16xi32>
    %and3A_1764 = arith.andi %lt3A_1754, %lt3A_1763 : vector<16xi1>
    %add3A_1765 = arith.constant 1 : i32
    %add3A_1766 = vector.broadcast %add3A_1765 : i32 to vector<16xi32>
    %add3A_1767 = arith.addi %shift_right_arithmetic3A_1758, %add3A_1766 : vector<16xi32>
    %select_n3A_1768 = arith.select %and3A_1764, %add3A_1767, %select_n3A_1749 : vector<16xi1>, vector<16xi32>
    %not3A_1769 = arith.constant dense<true> : vector<16xi1>
    %not3A_1770 = arith.xori %lt3A_1763, %not3A_1769 : vector<16xi1>
    %and3A_1771 = arith.andi %lt3A_1754, %not3A_1770 : vector<16xi1>
    %select_n3A_1772 = arith.select %and3A_1771, %shift_right_arithmetic3A_1758, %select_n3A_1753 : vector<16xi1>, vector<16xi32>
    %lt3A_1773 = arith.cmpi slt, %select_n3A_1768, %select_n3A_1772 : vector<16xi32>
    %add3A_1774 = arith.addi %select_n3A_1768, %select_n3A_1772 : vector<16xi32>
    %shift_right_arithmetic3A_1775 = arith.constant 1 : i32
    %shift_right_arithmetic3A_1776 = vector.broadcast %shift_right_arithmetic3A_1775 : i32 to vector<16xi32>
    %shift_right_arithmetic3A_1777 = arith.shrsi %add3A_1774, %shift_right_arithmetic3A_1776 : vector<16xi32>
    %min3A_1778 = arith.constant 127 : i32
    %min3A_1779 = vector.broadcast %min3A_1778 : i32 to vector<16xi32>
    %min3A_1780 = arith.minsi %shift_right_arithmetic3A_1777, %min3A_1779 : vector<16xi32>
    %gather3A_1781 = tpu.vector_load_idx %arg6[%iota3A, %min3A_1780] : memref<16x128xi32, #tpu.memory_space<vmem>>[vector<16xi32>, vector<16xi32>], vector<16xi32>,
    %lt3A_1782 = arith.cmpi slt, %gather3A_1781, %add3A_11 : vector<16xi32>
    %and3A_1783 = arith.andi %lt3A_1773, %lt3A_1782 : vector<16xi1>
    %add3A_1784 = arith.constant 1 : i32
    %add3A_1785 = vector.broadcast %add3A_1784 : i32 to vector<16xi32>
    %add3A_1786 = arith.addi %shift_right_arithmetic3A_1777, %add3A_1785 : vector<16xi32>
    %select_n3A_1787 = arith.select %and3A_1783, %add3A_1786, %select_n3A_1768 : vector<16xi1>, vector<16xi32>
    %not3A_1788 = arith.constant dense<true> : vector<16xi1>
    %not3A_1789 = arith.xori %lt3A_1782, %not3A_1788 : vector<16xi1>
    %and3A_1790 = arith.andi %lt3A_1773, %not3A_1789 : vector<16xi1>
    %select_n3A_1791 = arith.select %and3A_1790, %shift_right_arithmetic3A_1777, %select_n3A_1772 : vector<16xi1>, vector<16xi32>
    %lt3A_1792 = arith.cmpi slt, %select_n3A_1787, %select_n3A_1791 : vector<16xi32>
    %add3A_1793 = arith.addi %select_n3A_1787, %select_n3A_1791 : vector<16xi32>
    %shift_right_arithmetic3A_1794 = arith.constant 1 : i32
    %shift_right_arithmetic3A_1795 = vector.broadcast %shift_right_arithmetic3A_1794 : i32 to vector<16xi32>
    %shift_right_arithmetic3A_1796 = arith.shrsi %add3A_1793, %shift_right_arithmetic3A_1795 : vector<16xi32>
    %min3A_1797 = arith.constant 127 : i32
    %min3A_1798 = vector.broadcast %min3A_1797 : i32 to vector<16xi32>
    %min3A_1799 = arith.minsi %shift_right_arithmetic3A_1796, %min3A_1798 : vector<16xi32>
    %gather3A_1800 = tpu.vector_load_idx %arg6[%iota3A, %min3A_1799] : memref<16x128xi32, #tpu.memory_space<vmem>>[vector<16xi32>, vector<16xi32>], vector<16xi32>,
    %lt3A_1801 = arith.cmpi slt, %gather3A_1800, %add3A_11 : vector<16xi32>
    %and3A_1802 = arith.andi %lt3A_1792, %lt3A_1801 : vector<16xi1>
    %add3A_1803 = arith.constant 1 : i32
    %add3A_1804 = vector.broadcast %add3A_1803 : i32 to vector<16xi32>
    %add3A_1805 = arith.addi %shift_right_arithmetic3A_1796, %add3A_1804 : vector<16xi32>
    %select_n3A_1806 = arith.select %and3A_1802, %add3A_1805, %select_n3A_1787 : vector<16xi1>, vector<16xi32>
    %not3A_1807 = arith.constant dense<true> : vector<16xi1>
    %not3A_1808 = arith.xori %lt3A_1801, %not3A_1807 : vector<16xi1>
    %and3A_1809 = arith.andi %lt3A_1792, %not3A_1808 : vector<16xi1>
    %select_n3A_1810 = arith.select %and3A_1809, %shift_right_arithmetic3A_1796, %select_n3A_1791 : vector<16xi1>, vector<16xi32>
    %lt3A_1811 = arith.cmpi slt, %select_n3A_1806, %select_n3A_1810 : vector<16xi32>
    %add3A_1812 = arith.addi %select_n3A_1806, %select_n3A_1810 : vector<16xi32>
    %shift_right_arithmetic3A_1813 = arith.constant 1 : i32
    %shift_right_arithmetic3A_1814 = vector.broadcast %shift_right_arithmetic3A_1813 : i32 to vector<16xi32>
    %shift_right_arithmetic3A_1815 = arith.shrsi %add3A_1812, %shift_right_arithmetic3A_1814 : vector<16xi32>
    %min3A_1816 = arith.constant 127 : i32
    %min3A_1817 = vector.broadcast %min3A_1816 : i32 to vector<16xi32>
    %min3A_1818 = arith.minsi %shift_right_arithmetic3A_1815, %min3A_1817 : vector<16xi32>
    %gather3A_1819 = tpu.vector_load_idx %arg6[%iota3A, %min3A_1818] : memref<16x128xi32, #tpu.memory_space<vmem>>[vector<16xi32>, vector<16xi32>], vector<16xi32>,
    %lt3A_1820 = arith.cmpi slt, %gather3A_1819, %add3A_11 : vector<16xi32>
    %and3A_1821 = arith.andi %lt3A_1811, %lt3A_1820 : vector<16xi1>
    %add3A_1822 = arith.constant 1 : i32
    %add3A_1823 = vector.broadcast %add3A_1822 : i32 to vector<16xi32>
    %add3A_1824 = arith.addi %shift_right_arithmetic3A_1815, %add3A_1823 : vector<16xi32>
    %select_n3A_1825 = arith.select %and3A_1821, %add3A_1824, %select_n3A_1806 : vector<16xi1>, vector<16xi32>
    %not3A_1826 = arith.constant dense<true> : vector<16xi1>
    %not3A_1827 = arith.xori %lt3A_1820, %not3A_1826 : vector<16xi1>
    %and3A_1828 = arith.andi %lt3A_1811, %not3A_1827 : vector<16xi1>
    %select_n3A_1829 = arith.select %and3A_1828, %shift_right_arithmetic3A_1815, %select_n3A_1810 : vector<16xi1>, vector<16xi32>
    %lt3A_1830 = arith.cmpi slt, %select_n3A_1825, %select_n3A_1829 : vector<16xi32>
    %add3A_1831 = arith.addi %select_n3A_1825, %select_n3A_1829 : vector<16xi32>
    %shift_right_arithmetic3A_1832 = arith.constant 1 : i32
    %shift_right_arithmetic3A_1833 = vector.broadcast %shift_right_arithmetic3A_1832 : i32 to vector<16xi32>
    %shift_right_arithmetic3A_1834 = arith.shrsi %add3A_1831, %shift_right_arithmetic3A_1833 : vector<16xi32>
    %min3A_1835 = arith.constant 127 : i32
    %min3A_1836 = vector.broadcast %min3A_1835 : i32 to vector<16xi32>
    %min3A_1837 = arith.minsi %shift_right_arithmetic3A_1834, %min3A_1836 : vector<16xi32>
    %gather3A_1838 = tpu.vector_load_idx %arg6[%iota3A, %min3A_1837] : memref<16x128xi32, #tpu.memory_space<vmem>>[vector<16xi32>, vector<16xi32>], vector<16xi32>,
    %lt3A_1839 = arith.cmpi slt, %gather3A_1838, %add3A_11 : vector<16xi32>
    %and3A_1840 = arith.andi %lt3A_1830, %lt3A_1839 : vector<16xi1>
    %add3A_1841 = arith.constant 1 : i32
    %add3A_1842 = vector.broadcast %add3A_1841 : i32 to vector<16xi32>
    %add3A_1843 = arith.addi %shift_right_arithmetic3A_1834, %add3A_1842 : vector<16xi32>
    %select_n3A_1844 = arith.select %and3A_1840, %add3A_1843, %select_n3A_1825 : vector<16xi1>, vector<16xi32>
    %not3A_1845 = arith.constant dense<true> : vector<16xi1>
    %not3A_1846 = arith.xori %lt3A_1839, %not3A_1845 : vector<16xi1>
    %and3A_1847 = arith.andi %lt3A_1830, %not3A_1846 : vector<16xi1>
    %select_n3A_1848 = arith.select %and3A_1847, %shift_right_arithmetic3A_1834, %select_n3A_1829 : vector<16xi1>, vector<16xi32>
    %lt3A_1849 = arith.cmpi slt, %select_n3A_1844, %select_n3A_1848 : vector<16xi32>
    %add3A_1850 = arith.addi %select_n3A_1844, %select_n3A_1848 : vector<16xi32>
    %shift_right_arithmetic3A_1851 = arith.constant 1 : i32
    %shift_right_arithmetic3A_1852 = vector.broadcast %shift_right_arithmetic3A_1851 : i32 to vector<16xi32>
    %shift_right_arithmetic3A_1853 = arith.shrsi %add3A_1850, %shift_right_arithmetic3A_1852 : vector<16xi32>
    %min3A_1854 = arith.constant 127 : i32
    %min3A_1855 = vector.broadcast %min3A_1854 : i32 to vector<16xi32>
    %min3A_1856 = arith.minsi %shift_right_arithmetic3A_1853, %min3A_1855 : vector<16xi32>
    %gather3A_1857 = tpu.vector_load_idx %arg6[%iota3A, %min3A_1856] : memref<16x128xi32, #tpu.memory_space<vmem>>[vector<16xi32>, vector<16xi32>], vector<16xi32>,
    %lt3A_1858 = arith.cmpi slt, %gather3A_1857, %add3A_11 : vector<16xi32>
    %and3A_1859 = arith.andi %lt3A_1849, %lt3A_1858 : vector<16xi1>
    %add3A_1860 = arith.constant 1 : i32
    %add3A_1861 = vector.broadcast %add3A_1860 : i32 to vector<16xi32>
    %add3A_1862 = arith.addi %shift_right_arithmetic3A_1853, %add3A_1861 : vector<16xi32>
    %select_n3A_1863 = arith.select %and3A_1859, %add3A_1862, %select_n3A_1844 : vector<16xi1>, vector<16xi32>
    %not3A_1864 = arith.constant dense<true> : vector<16xi1>
    %not3A_1865 = arith.xori %lt3A_1858, %not3A_1864 : vector<16xi1>
    %and3A_1866 = arith.andi %lt3A_1849, %not3A_1865 : vector<16xi1>
    %select_n3A_1867 = arith.select %and3A_1866, %shift_right_arithmetic3A_1853, %select_n3A_1848 : vector<16xi1>, vector<16xi32>
    %eq3A_1868 = arith.constant 0 : i32
    %eq3A_1869 = vector.broadcast %eq3A_1868 : i32 to vector<16xi32>
    %eq3A_1870 = arith.cmpi eq, %select_n3A_215, %eq3A_1869 : vector<16xi32>
    %add3A_1871 = arith.addi %min3A_453, %select_n3A_1863 : vector<16xi32>
    %jit3A_1872 = arith.constant 0 : i32
    %broadcast_in_dim3A_1873 = vector.broadcast %jit3A_1872 : i32 to vector<16xi32>
    %select_n3A_1874 = arith.select %eq3A_1870, %broadcast_in_dim3A_1873, %add3A_1871 : vector<16xi1>, vector<16xi32>
    %broadcast_in_dim3A_1875 = arith.constant 0 : i32
    %broadcast_in_dim3A_1876 = vector.broadcast %broadcast_in_dim3A_1875 : i32 to vector<16xi32>
    %broadcast_in_dim3A_1877 = arith.constant 128 : i32
    %broadcast_in_dim3A_1878 = vector.broadcast %broadcast_in_dim3A_1877 : i32 to vector<16xi32>
    %lt3A_1879 = arith.cmpi slt, %broadcast_in_dim3A_1876, %broadcast_in_dim3A_1878 : vector<16xi32>
    %add3A_1880 = arith.addi %broadcast_in_dim3A_1876, %broadcast_in_dim3A_1878 : vector<16xi32>
    %shift_right_arithmetic3A_1881 = arith.constant 1 : i32
    %shift_right_arithmetic3A_1882 = vector.broadcast %shift_right_arithmetic3A_1881 : i32 to vector<16xi32>
    %shift_right_arithmetic3A_1883 = arith.shrsi %add3A_1880, %shift_right_arithmetic3A_1882 : vector<16xi32>
    %min3A_1884 = arith.constant 127 : i32
    %min3A_1885 = vector.broadcast %min3A_1884 : i32 to vector<16xi32>
    %min3A_1886 = arith.minsi %shift_right_arithmetic3A_1883, %min3A_1885 : vector<16xi32>
    %gather3A_1887 = tpu.vector_load_idx %arg7[%iota3A, %min3A_1886] : memref<16x128xi32, #tpu.memory_space<vmem>>[vector<16xi32>, vector<16xi32>], vector<16xi32>,
    %lt3A_1888 = arith.cmpi slt, %gather3A_1887, %add3A_14 : vector<16xi32>
    %and3A_1889 = arith.andi %lt3A_1879, %lt3A_1888 : vector<16xi1>
    %add3A_1890 = arith.constant 1 : i32
    %add3A_1891 = vector.broadcast %add3A_1890 : i32 to vector<16xi32>
    %add3A_1892 = arith.addi %shift_right_arithmetic3A_1883, %add3A_1891 : vector<16xi32>
    %select_n3A_1893 = arith.select %and3A_1889, %add3A_1892, %broadcast_in_dim3A_1876 : vector<16xi1>, vector<16xi32>
    %not3A_1894 = arith.constant dense<true> : vector<16xi1>
    %not3A_1895 = arith.xori %lt3A_1888, %not3A_1894 : vector<16xi1>
    %and3A_1896 = arith.andi %lt3A_1879, %not3A_1895 : vector<16xi1>
    %select_n3A_1897 = arith.select %and3A_1896, %shift_right_arithmetic3A_1883, %broadcast_in_dim3A_1878 : vector<16xi1>, vector<16xi32>
    %lt3A_1898 = arith.cmpi slt, %select_n3A_1893, %select_n3A_1897 : vector<16xi32>
    %add3A_1899 = arith.addi %select_n3A_1893, %select_n3A_1897 : vector<16xi32>
    %shift_right_arithmetic3A_1900 = arith.constant 1 : i32
    %shift_right_arithmetic3A_1901 = vector.broadcast %shift_right_arithmetic3A_1900 : i32 to vector<16xi32>
    %shift_right_arithmetic3A_1902 = arith.shrsi %add3A_1899, %shift_right_arithmetic3A_1901 : vector<16xi32>
    %min3A_1903 = arith.constant 127 : i32
    %min3A_1904 = vector.broadcast %min3A_1903 : i32 to vector<16xi32>
    %min3A_1905 = arith.minsi %shift_right_arithmetic3A_1902, %min3A_1904 : vector<16xi32>
    %gather3A_1906 = tpu.vector_load_idx %arg7[%iota3A, %min3A_1905] : memref<16x128xi32, #tpu.memory_space<vmem>>[vector<16xi32>, vector<16xi32>], vector<16xi32>,
    %lt3A_1907 = arith.cmpi slt, %gather3A_1906, %add3A_14 : vector<16xi32>
    %and3A_1908 = arith.andi %lt3A_1898, %lt3A_1907 : vector<16xi1>
    %add3A_1909 = arith.constant 1 : i32
    %add3A_1910 = vector.broadcast %add3A_1909 : i32 to vector<16xi32>
    %add3A_1911 = arith.addi %shift_right_arithmetic3A_1902, %add3A_1910 : vector<16xi32>
    %select_n3A_1912 = arith.select %and3A_1908, %add3A_1911, %select_n3A_1893 : vector<16xi1>, vector<16xi32>
    %not3A_1913 = arith.constant dense<true> : vector<16xi1>
    %not3A_1914 = arith.xori %lt3A_1907, %not3A_1913 : vector<16xi1>
    %and3A_1915 = arith.andi %lt3A_1898, %not3A_1914 : vector<16xi1>
    %select_n3A_1916 = arith.select %and3A_1915, %shift_right_arithmetic3A_1902, %select_n3A_1897 : vector<16xi1>, vector<16xi32>
    %lt3A_1917 = arith.cmpi slt, %select_n3A_1912, %select_n3A_1916 : vector<16xi32>
    %add3A_1918 = arith.addi %select_n3A_1912, %select_n3A_1916 : vector<16xi32>
    %shift_right_arithmetic3A_1919 = arith.constant 1 : i32
    %shift_right_arithmetic3A_1920 = vector.broadcast %shift_right_arithmetic3A_1919 : i32 to vector<16xi32>
    %shift_right_arithmetic3A_1921 = arith.shrsi %add3A_1918, %shift_right_arithmetic3A_1920 : vector<16xi32>
    %min3A_1922 = arith.constant 127 : i32
    %min3A_1923 = vector.broadcast %min3A_1922 : i32 to vector<16xi32>
    %min3A_1924 = arith.minsi %shift_right_arithmetic3A_1921, %min3A_1923 : vector<16xi32>
    %gather3A_1925 = tpu.vector_load_idx %arg7[%iota3A, %min3A_1924] : memref<16x128xi32, #tpu.memory_space<vmem>>[vector<16xi32>, vector<16xi32>], vector<16xi32>,
    %lt3A_1926 = arith.cmpi slt, %gather3A_1925, %add3A_14 : vector<16xi32>
    %and3A_1927 = arith.andi %lt3A_1917, %lt3A_1926 : vector<16xi1>
    %add3A_1928 = arith.constant 1 : i32
    %add3A_1929 = vector.broadcast %add3A_1928 : i32 to vector<16xi32>
    %add3A_1930 = arith.addi %shift_right_arithmetic3A_1921, %add3A_1929 : vector<16xi32>
    %select_n3A_1931 = arith.select %and3A_1927, %add3A_1930, %select_n3A_1912 : vector<16xi1>, vector<16xi32>
    %not3A_1932 = arith.constant dense<true> : vector<16xi1>
    %not3A_1933 = arith.xori %lt3A_1926, %not3A_1932 : vector<16xi1>
    %and3A_1934 = arith.andi %lt3A_1917, %not3A_1933 : vector<16xi1>
    %select_n3A_1935 = arith.select %and3A_1934, %shift_right_arithmetic3A_1921, %select_n3A_1916 : vector<16xi1>, vector<16xi32>
    %lt3A_1936 = arith.cmpi slt, %select_n3A_1931, %select_n3A_1935 : vector<16xi32>
    %add3A_1937 = arith.addi %select_n3A_1931, %select_n3A_1935 : vector<16xi32>
    %shift_right_arithmetic3A_1938 = arith.constant 1 : i32
    %shift_right_arithmetic3A_1939 = vector.broadcast %shift_right_arithmetic3A_1938 : i32 to vector<16xi32>
    %shift_right_arithmetic3A_1940 = arith.shrsi %add3A_1937, %shift_right_arithmetic3A_1939 : vector<16xi32>
    %min3A_1941 = arith.constant 127 : i32
    %min3A_1942 = vector.broadcast %min3A_1941 : i32 to vector<16xi32>
    %min3A_1943 = arith.minsi %shift_right_arithmetic3A_1940, %min3A_1942 : vector<16xi32>
    %gather3A_1944 = tpu.vector_load_idx %arg7[%iota3A, %min3A_1943] : memref<16x128xi32, #tpu.memory_space<vmem>>[vector<16xi32>, vector<16xi32>], vector<16xi32>,
    %lt3A_1945 = arith.cmpi slt, %gather3A_1944, %add3A_14 : vector<16xi32>
    %and3A_1946 = arith.andi %lt3A_1936, %lt3A_1945 : vector<16xi1>
    %add3A_1947 = arith.constant 1 : i32
    %add3A_1948 = vector.broadcast %add3A_1947 : i32 to vector<16xi32>
    %add3A_1949 = arith.addi %shift_right_arithmetic3A_1940, %add3A_1948 : vector<16xi32>
    %select_n3A_1950 = arith.select %and3A_1946, %add3A_1949, %select_n3A_1931 : vector<16xi1>, vector<16xi32>
    %not3A_1951 = arith.constant dense<true> : vector<16xi1>
    %not3A_1952 = arith.xori %lt3A_1945, %not3A_1951 : vector<16xi1>
    %and3A_1953 = arith.andi %lt3A_1936, %not3A_1952 : vector<16xi1>
    %select_n3A_1954 = arith.select %and3A_1953, %shift_right_arithmetic3A_1940, %select_n3A_1935 : vector<16xi1>, vector<16xi32>
    %lt3A_1955 = arith.cmpi slt, %select_n3A_1950, %select_n3A_1954 : vector<16xi32>
    %add3A_1956 = arith.addi %select_n3A_1950, %select_n3A_1954 : vector<16xi32>
    %shift_right_arithmetic3A_1957 = arith.constant 1 : i32
    %shift_right_arithmetic3A_1958 = vector.broadcast %shift_right_arithmetic3A_1957 : i32 to vector<16xi32>
    %shift_right_arithmetic3A_1959 = arith.shrsi %add3A_1956, %shift_right_arithmetic3A_1958 : vector<16xi32>
    %min3A_1960 = arith.constant 127 : i32
    %min3A_1961 = vector.broadcast %min3A_1960 : i32 to vector<16xi32>
    %min3A_1962 = arith.minsi %shift_right_arithmetic3A_1959, %min3A_1961 : vector<16xi32>
    %gather3A_1963 = tpu.vector_load_idx %arg7[%iota3A, %min3A_1962] : memref<16x128xi32, #tpu.memory_space<vmem>>[vector<16xi32>, vector<16xi32>], vector<16xi32>,
    %lt3A_1964 = arith.cmpi slt, %gather3A_1963, %add3A_14 : vector<16xi32>
    %and3A_1965 = arith.andi %lt3A_1955, %lt3A_1964 : vector<16xi1>
    %add3A_1966 = arith.constant 1 : i32
    %add3A_1967 = vector.broadcast %add3A_1966 : i32 to vector<16xi32>
    %add3A_1968 = arith.addi %shift_right_arithmetic3A_1959, %add3A_1967 : vector<16xi32>
    %select_n3A_1969 = arith.select %and3A_1965, %add3A_1968, %select_n3A_1950 : vector<16xi1>, vector<16xi32>
    %not3A_1970 = arith.constant dense<true> : vector<16xi1>
    %not3A_1971 = arith.xori %lt3A_1964, %not3A_1970 : vector<16xi1>
    %and3A_1972 = arith.andi %lt3A_1955, %not3A_1971 : vector<16xi1>
    %select_n3A_1973 = arith.select %and3A_1972, %shift_right_arithmetic3A_1959, %select_n3A_1954 : vector<16xi1>, vector<16xi32>
    %lt3A_1974 = arith.cmpi slt, %select_n3A_1969, %select_n3A_1973 : vector<16xi32>
    %add3A_1975 = arith.addi %select_n3A_1969, %select_n3A_1973 : vector<16xi32>
    %shift_right_arithmetic3A_1976 = arith.constant 1 : i32
    %shift_right_arithmetic3A_1977 = vector.broadcast %shift_right_arithmetic3A_1976 : i32 to vector<16xi32>
    %shift_right_arithmetic3A_1978 = arith.shrsi %add3A_1975, %shift_right_arithmetic3A_1977 : vector<16xi32>
    %min3A_1979 = arith.constant 127 : i32
    %min3A_1980 = vector.broadcast %min3A_1979 : i32 to vector<16xi32>
    %min3A_1981 = arith.minsi %shift_right_arithmetic3A_1978, %min3A_1980 : vector<16xi32>
    %gather3A_1982 = tpu.vector_load_idx %arg7[%iota3A, %min3A_1981] : memref<16x128xi32, #tpu.memory_space<vmem>>[vector<16xi32>, vector<16xi32>], vector<16xi32>,
    %lt3A_1983 = arith.cmpi slt, %gather3A_1982, %add3A_14 : vector<16xi32>
    %and3A_1984 = arith.andi %lt3A_1974, %lt3A_1983 : vector<16xi1>
    %add3A_1985 = arith.constant 1 : i32
    %add3A_1986 = vector.broadcast %add3A_1985 : i32 to vector<16xi32>
    %add3A_1987 = arith.addi %shift_right_arithmetic3A_1978, %add3A_1986 : vector<16xi32>
    %select_n3A_1988 = arith.select %and3A_1984, %add3A_1987, %select_n3A_1969 : vector<16xi1>, vector<16xi32>
    %not3A_1989 = arith.constant dense<true> : vector<16xi1>
    %not3A_1990 = arith.xori %lt3A_1983, %not3A_1989 : vector<16xi1>
    %and3A_1991 = arith.andi %lt3A_1974, %not3A_1990 : vector<16xi1>
    %select_n3A_1992 = arith.select %and3A_1991, %shift_right_arithmetic3A_1978, %select_n3A_1973 : vector<16xi1>, vector<16xi32>
    %lt3A_1993 = arith.cmpi slt, %select_n3A_1988, %select_n3A_1992 : vector<16xi32>
    %add3A_1994 = arith.addi %select_n3A_1988, %select_n3A_1992 : vector<16xi32>
    %shift_right_arithmetic3A_1995 = arith.constant 1 : i32
    %shift_right_arithmetic3A_1996 = vector.broadcast %shift_right_arithmetic3A_1995 : i32 to vector<16xi32>
    %shift_right_arithmetic3A_1997 = arith.shrsi %add3A_1994, %shift_right_arithmetic3A_1996 : vector<16xi32>
    %min3A_1998 = arith.constant 127 : i32
    %min3A_1999 = vector.broadcast %min3A_1998 : i32 to vector<16xi32>
    %min3A_2000 = arith.minsi %shift_right_arithmetic3A_1997, %min3A_1999 : vector<16xi32>
    %gather3A_2001 = tpu.vector_load_idx %arg7[%iota3A, %min3A_2000] : memref<16x128xi32, #tpu.memory_space<vmem>>[vector<16xi32>, vector<16xi32>], vector<16xi32>,
    %lt3A_2002 = arith.cmpi slt, %gather3A_2001, %add3A_14 : vector<16xi32>
    %and3A_2003 = arith.andi %lt3A_1993, %lt3A_2002 : vector<16xi1>
    %add3A_2004 = arith.constant 1 : i32
    %add3A_2005 = vector.broadcast %add3A_2004 : i32 to vector<16xi32>
    %add3A_2006 = arith.addi %shift_right_arithmetic3A_1997, %add3A_2005 : vector<16xi32>
    %select_n3A_2007 = arith.select %and3A_2003, %add3A_2006, %select_n3A_1988 : vector<16xi1>, vector<16xi32>
    %not3A_2008 = arith.constant dense<true> : vector<16xi1>
    %not3A_2009 = arith.xori %lt3A_2002, %not3A_2008 : vector<16xi1>
    %and3A_2010 = arith.andi %lt3A_1993, %not3A_2009 : vector<16xi1>
    %select_n3A_2011 = arith.select %and3A_2010, %shift_right_arithmetic3A_1997, %select_n3A_1992 : vector<16xi1>, vector<16xi32>
    %lt3A_2012 = arith.cmpi slt, %select_n3A_2007, %select_n3A_2011 : vector<16xi32>
    %add3A_2013 = arith.addi %select_n3A_2007, %select_n3A_2011 : vector<16xi32>
    %shift_right_arithmetic3A_2014 = arith.constant 1 : i32
    %shift_right_arithmetic3A_2015 = vector.broadcast %shift_right_arithmetic3A_2014 : i32 to vector<16xi32>
    %shift_right_arithmetic3A_2016 = arith.shrsi %add3A_2013, %shift_right_arithmetic3A_2015 : vector<16xi32>
    %min3A_2017 = arith.constant 127 : i32
    %min3A_2018 = vector.broadcast %min3A_2017 : i32 to vector<16xi32>
    %min3A_2019 = arith.minsi %shift_right_arithmetic3A_2016, %min3A_2018 : vector<16xi32>
    %gather3A_2020 = tpu.vector_load_idx %arg7[%iota3A, %min3A_2019] : memref<16x128xi32, #tpu.memory_space<vmem>>[vector<16xi32>, vector<16xi32>], vector<16xi32>,
    %lt3A_2021 = arith.cmpi slt, %gather3A_2020, %add3A_14 : vector<16xi32>
    %and3A_2022 = arith.andi %lt3A_2012, %lt3A_2021 : vector<16xi1>
    %add3A_2023 = arith.constant 1 : i32
    %add3A_2024 = vector.broadcast %add3A_2023 : i32 to vector<16xi32>
    %add3A_2025 = arith.addi %shift_right_arithmetic3A_2016, %add3A_2024 : vector<16xi32>
    %select_n3A_2026 = arith.select %and3A_2022, %add3A_2025, %select_n3A_2007 : vector<16xi1>, vector<16xi32>
    %not3A_2027 = arith.constant dense<true> : vector<16xi1>
    %not3A_2028 = arith.xori %lt3A_2021, %not3A_2027 : vector<16xi1>
    %and3A_2029 = arith.andi %lt3A_2012, %not3A_2028 : vector<16xi1>
    %select_n3A_2030 = arith.select %and3A_2029, %shift_right_arithmetic3A_2016, %select_n3A_2011 : vector<16xi1>, vector<16xi32>
    %eq3A_2031 = arith.constant 0 : i32
    %eq3A_2032 = vector.broadcast %eq3A_2031 : i32 to vector<16xi32>
    %eq3A_2033 = arith.cmpi eq, %select_n3A_428, %eq3A_2032 : vector<16xi32>
    %add3A_2034 = arith.addi %min3A_459, %select_n3A_2026 : vector<16xi32>
    %jit3A_2035 = arith.constant 0 : i32
    %broadcast_in_dim3A_2036 = vector.broadcast %jit3A_2035 : i32 to vector<16xi32>
    %select_n3A_2037 = arith.select %eq3A_2033, %broadcast_in_dim3A_2036, %add3A_2034 : vector<16xi1>, vector<16xi32>
    %sub3A_2038 = arith.subi %select_n3A_2037, %select_n3A_1874 : vector<16xi32>
    %convert_element_type3A = arith.sitofp %sub3A_2038 : vector<16xi32> to vector<16xf32>
    %swap3A_2039 = arith.constant 0 : index
    %swap3A_2040 = tpu.vector_load %arg8[%swap3A_2039] {strides = array<i32>} : memref<16xf32, #tpu.memory_space<vmem>>, vector<16xf32>,
    tpu.vector_store %arg8[%swap3A_2039], %convert_element_type3A {strides = array<i32>} : memref<16xf32, #tpu.memory_space<vmem>>, vector<16xf32>,
    %add3A_2041 = arith.constant 0 : i32
    %add3A_2042 = vector.broadcast %add3A_2041 : i32 to vector<16xi32>
    %add3A_2043 = arith.addi %add3A_2042, %iota3A : vector<16xi32>
    %jit3A_2044 = arith.constant 6 : i32
    %div3A_2045 = vector.broadcast %jit3A_2044 : i32 to vector<16xi32>
    %div3A_2046 = arith.divsi %add3A_2043, %div3A_2045 : vector<16xi32>
    %sign3A = arith.constant 0 : i32
    %sign3A_2047 = vector.broadcast %sign3A : i32 to vector<16xi32>
    %sign3A_2048 = arith.cmpi sgt, %add3A_2043, %sign3A_2047 : vector<16xi32>
    %sign3A_2049 = arith.extui %sign3A_2048 : vector<16xi1> to vector<16xi32>
    %sign3A_2050 = arith.constant 0 : i32
    %sign3A_2051 = vector.broadcast %sign3A_2050 : i32 to vector<16xi32>
    %sign3A_2052 = arith.cmpi slt, %add3A_2043, %sign3A_2051 : vector<16xi32>
    %sign3A_2053 = arith.extui %sign3A_2052 : vector<16xi1> to vector<16xi32>
    %sign3A_2054 = arith.subi %sign3A_2049, %sign3A_2053 : vector<16xi32>
    %sign3A_2055 = arith.constant 0 : i32
    %sign3A_2056 = arith.cmpi sgt, %jit3A_2044, %sign3A_2055 : i32
    %sign3A_2057 = arith.extui %sign3A_2056 : i1 to i32
    %sign3A_2058 = arith.constant 0 : i32
    %sign3A_2059 = arith.cmpi slt, %jit3A_2044, %sign3A_2058 : i32
    %sign3A_2060 = arith.extui %sign3A_2059 : i1 to i32
    %sign3A_2061 = arith.subi %sign3A_2057, %sign3A_2060 : i32
    %ne3A = vector.broadcast %sign3A_2061 : i32 to vector<16xi32>
    %ne3A_2062 = arith.cmpi ne, %sign3A_2054, %ne3A : vector<16xi32>
    %rem3A = vector.broadcast %jit3A_2044 : i32 to vector<16xi32>
    %rem3A_2063 = arith.remsi %add3A_2043, %rem3A : vector<16xi32>
    %ne3A_2064 = arith.constant 0 : i32
    %ne3A_2065 = vector.broadcast %ne3A_2064 : i32 to vector<16xi32>
    %ne3A_2066 = arith.cmpi ne, %rem3A_2063, %ne3A_2065 : vector<16xi32>
    %and3A_2067 = arith.andi %ne3A_2062, %ne3A_2066 : vector<16xi1>
    %sub3A_2068 = arith.constant 1 : i32
    %sub3A_2069 = vector.broadcast %sub3A_2068 : i32 to vector<16xi32>
    %sub3A_2070 = arith.subi %div3A_2046, %sub3A_2069 : vector<16xi32>
    %select_n3A_2071 = arith.select %and3A_2067, %sub3A_2070, %div3A_2046 : vector<16xi1>, vector<16xi32>
    %mul3A_2072 = arith.constant 6 : i32
    %mul3A_2073 = vector.broadcast %mul3A_2072 : i32 to vector<16xi32>
    %mul3A_2074 = arith.muli %mul3A_2073, %select_n3A_2071 : vector<16xi32>
    %sub3A_2075 = arith.subi %add3A_2043, %mul3A_2074 : vector<16xi32>
    %gather3A_2076 = tpu.vector_load_idx %arg8[%select_n3A_2071] : memref<16xf32, #tpu.memory_space<vmem>>[vector<16xi32>], vector<16xf32>,
    %gather3A_2077 = tpu.vector_load_idx %arg9[%sub3A_2075] : memref<16xf32, #tpu.memory_space<vmem>>[vector<16xi32>], vector<16xf32>,
    %mul3A_2078 = arith.mulf %gather3A_2076, %gather3A_2077 : vector<16xf32>
    %swap3A_2079 = arith.constant 0 : index
    %swap3A_2080 = tpu.vector_load %arg10[%swap3A_2079] {strides = array<i32>} : memref<96xf32, #tpu.memory_space<vmem>>, vector<16xf32>,
    tpu.vector_store %arg10[%swap3A_2079], %mul3A_2078 {strides = array<i32>} : memref<96xf32, #tpu.memory_space<vmem>>, vector<16xf32>,
    %add3A_2081 = arith.constant 16 : i32
    %add3A_2082 = vector.broadcast %add3A_2081 : i32 to vector<16xi32>
    %add3A_2083 = arith.addi %add3A_2082, %iota3A : vector<16xi32>
    %jit3A_2084 = arith.constant 6 : i32
    %div3A_2085 = vector.broadcast %jit3A_2084 : i32 to vector<16xi32>
    %div3A_2086 = arith.divsi %add3A_2083, %div3A_2085 : vector<16xi32>
    %sign3A_2087 = arith.constant 0 : i32
    %sign3A_2088 = vector.broadcast %sign3A_2087 : i32 to vector<16xi32>
    %sign3A_2089 = arith.cmpi sgt, %add3A_2083, %sign3A_2088 : vector<16xi32>
    %sign3A_2090 = arith.extui %sign3A_2089 : vector<16xi1> to vector<16xi32>
    %sign3A_2091 = arith.constant 0 : i32
    %sign3A_2092 = vector.broadcast %sign3A_2091 : i32 to vector<16xi32>
    %sign3A_2093 = arith.cmpi slt, %add3A_2083, %sign3A_2092 : vector<16xi32>
    %sign3A_2094 = arith.extui %sign3A_2093 : vector<16xi1> to vector<16xi32>
    %sign3A_2095 = arith.subi %sign3A_2090, %sign3A_2094 : vector<16xi32>
    %sign3A_2096 = arith.constant 0 : i32
    %sign3A_2097 = arith.cmpi sgt, %jit3A_2084, %sign3A_2096 : i32
    %sign3A_2098 = arith.extui %sign3A_2097 : i1 to i32
    %sign3A_2099 = arith.constant 0 : i32
    %sign3A_2100 = arith.cmpi slt, %jit3A_2084, %sign3A_2099 : i32
    %sign3A_2101 = arith.extui %sign3A_2100 : i1 to i32
    %sign3A_2102 = arith.subi %sign3A_2098, %sign3A_2101 : i32
    %ne3A_2103 = vector.broadcast %sign3A_2102 : i32 to vector<16xi32>
    %ne3A_2104 = arith.cmpi ne, %sign3A_2095, %ne3A_2103 : vector<16xi32>
    %rem3A_2105 = vector.broadcast %jit3A_2084 : i32 to vector<16xi32>
    %rem3A_2106 = arith.remsi %add3A_2083, %rem3A_2105 : vector<16xi32>
    %ne3A_2107 = arith.constant 0 : i32
    %ne3A_2108 = vector.broadcast %ne3A_2107 : i32 to vector<16xi32>
    %ne3A_2109 = arith.cmpi ne, %rem3A_2106, %ne3A_2108 : vector<16xi32>
    %and3A_2110 = arith.andi %ne3A_2104, %ne3A_2109 : vector<16xi1>
    %sub3A_2111 = arith.constant 1 : i32
    %sub3A_2112 = vector.broadcast %sub3A_2111 : i32 to vector<16xi32>
    %sub3A_2113 = arith.subi %div3A_2086, %sub3A_2112 : vector<16xi32>
    %select_n3A_2114 = arith.select %and3A_2110, %sub3A_2113, %div3A_2086 : vector<16xi1>, vector<16xi32>
    %mul3A_2115 = arith.constant 6 : i32
    %mul3A_2116 = vector.broadcast %mul3A_2115 : i32 to vector<16xi32>
    %mul3A_2117 = arith.muli %mul3A_2116, %select_n3A_2114 : vector<16xi32>
    %sub3A_2118 = arith.subi %add3A_2083, %mul3A_2117 : vector<16xi32>
    %gather3A_2119 = tpu.vector_load_idx %arg8[%select_n3A_2114] : memref<16xf32, #tpu.memory_space<vmem>>[vector<16xi32>], vector<16xf32>,
    %gather3A_2120 = tpu.vector_load_idx %arg9[%sub3A_2118] : memref<16xf32, #tpu.memory_space<vmem>>[vector<16xi32>], vector<16xf32>,
    %mul3A_2121 = arith.mulf %gather3A_2119, %gather3A_2120 : vector<16xf32>
    %swap3A_2122 = arith.constant 16 : index
    %swap3A_2123 = tpu.vector_load %arg10[%swap3A_2122] {strides = array<i32>} : memref<96xf32, #tpu.memory_space<vmem>>, vector<16xf32>,
    tpu.vector_store %arg10[%swap3A_2122], %mul3A_2121 {strides = array<i32>} : memref<96xf32, #tpu.memory_space<vmem>>, vector<16xf32>,
    %add3A_2124 = arith.constant 32 : i32
    %add3A_2125 = vector.broadcast %add3A_2124 : i32 to vector<16xi32>
    %add3A_2126 = arith.addi %add3A_2125, %iota3A : vector<16xi32>
    %jit3A_2127 = arith.constant 6 : i32
    %div3A_2128 = vector.broadcast %jit3A_2127 : i32 to vector<16xi32>
    %div3A_2129 = arith.divsi %add3A_2126, %div3A_2128 : vector<16xi32>
    %sign3A_2130 = arith.constant 0 : i32
    %sign3A_2131 = vector.broadcast %sign3A_2130 : i32 to vector<16xi32>
    %sign3A_2132 = arith.cmpi sgt, %add3A_2126, %sign3A_2131 : vector<16xi32>
    %sign3A_2133 = arith.extui %sign3A_2132 : vector<16xi1> to vector<16xi32>
    %sign3A_2134 = arith.constant 0 : i32
    %sign3A_2135 = vector.broadcast %sign3A_2134 : i32 to vector<16xi32>
    %sign3A_2136 = arith.cmpi slt, %add3A_2126, %sign3A_2135 : vector<16xi32>
    %sign3A_2137 = arith.extui %sign3A_2136 : vector<16xi1> to vector<16xi32>
    %sign3A_2138 = arith.subi %sign3A_2133, %sign3A_2137 : vector<16xi32>
    %sign3A_2139 = arith.constant 0 : i32
    %sign3A_2140 = arith.cmpi sgt, %jit3A_2127, %sign3A_2139 : i32
    %sign3A_2141 = arith.extui %sign3A_2140 : i1 to i32
    %sign3A_2142 = arith.constant 0 : i32
    %sign3A_2143 = arith.cmpi slt, %jit3A_2127, %sign3A_2142 : i32
    %sign3A_2144 = arith.extui %sign3A_2143 : i1 to i32
    %sign3A_2145 = arith.subi %sign3A_2141, %sign3A_2144 : i32
    %ne3A_2146 = vector.broadcast %sign3A_2145 : i32 to vector<16xi32>
    %ne3A_2147 = arith.cmpi ne, %sign3A_2138, %ne3A_2146 : vector<16xi32>
    %rem3A_2148 = vector.broadcast %jit3A_2127 : i32 to vector<16xi32>
    %rem3A_2149 = arith.remsi %add3A_2126, %rem3A_2148 : vector<16xi32>
    %ne3A_2150 = arith.constant 0 : i32
    %ne3A_2151 = vector.broadcast %ne3A_2150 : i32 to vector<16xi32>
    %ne3A_2152 = arith.cmpi ne, %rem3A_2149, %ne3A_2151 : vector<16xi32>
    %and3A_2153 = arith.andi %ne3A_2147, %ne3A_2152 : vector<16xi1>
    %sub3A_2154 = arith.constant 1 : i32
    %sub3A_2155 = vector.broadcast %sub3A_2154 : i32 to vector<16xi32>
    %sub3A_2156 = arith.subi %div3A_2129, %sub3A_2155 : vector<16xi32>
    %select_n3A_2157 = arith.select %and3A_2153, %sub3A_2156, %div3A_2129 : vector<16xi1>, vector<16xi32>
    %mul3A_2158 = arith.constant 6 : i32
    %mul3A_2159 = vector.broadcast %mul3A_2158 : i32 to vector<16xi32>
    %mul3A_2160 = arith.muli %mul3A_2159, %select_n3A_2157 : vector<16xi32>
    %sub3A_2161 = arith.subi %add3A_2126, %mul3A_2160 : vector<16xi32>
    %gather3A_2162 = tpu.vector_load_idx %arg8[%select_n3A_2157] : memref<16xf32, #tpu.memory_space<vmem>>[vector<16xi32>], vector<16xf32>,
    %gather3A_2163 = tpu.vector_load_idx %arg9[%sub3A_2161] : memref<16xf32, #tpu.memory_space<vmem>>[vector<16xi32>], vector<16xf32>,
    %mul3A_2164 = arith.mulf %gather3A_2162, %gather3A_2163 : vector<16xf32>
    %swap3A_2165 = arith.constant 32 : index
    %swap3A_2166 = tpu.vector_load %arg10[%swap3A_2165] {strides = array<i32>} : memref<96xf32, #tpu.memory_space<vmem>>, vector<16xf32>,
    tpu.vector_store %arg10[%swap3A_2165], %mul3A_2164 {strides = array<i32>} : memref<96xf32, #tpu.memory_space<vmem>>, vector<16xf32>,
    %add3A_2167 = arith.constant 48 : i32
    %add3A_2168 = vector.broadcast %add3A_2167 : i32 to vector<16xi32>
    %add3A_2169 = arith.addi %add3A_2168, %iota3A : vector<16xi32>
    %jit3A_2170 = arith.constant 6 : i32
    %div3A_2171 = vector.broadcast %jit3A_2170 : i32 to vector<16xi32>
    %div3A_2172 = arith.divsi %add3A_2169, %div3A_2171 : vector<16xi32>
    %sign3A_2173 = arith.constant 0 : i32
    %sign3A_2174 = vector.broadcast %sign3A_2173 : i32 to vector<16xi32>
    %sign3A_2175 = arith.cmpi sgt, %add3A_2169, %sign3A_2174 : vector<16xi32>
    %sign3A_2176 = arith.extui %sign3A_2175 : vector<16xi1> to vector<16xi32>
    %sign3A_2177 = arith.constant 0 : i32
    %sign3A_2178 = vector.broadcast %sign3A_2177 : i32 to vector<16xi32>
    %sign3A_2179 = arith.cmpi slt, %add3A_2169, %sign3A_2178 : vector<16xi32>
    %sign3A_2180 = arith.extui %sign3A_2179 : vector<16xi1> to vector<16xi32>
    %sign3A_2181 = arith.subi %sign3A_2176, %sign3A_2180 : vector<16xi32>
    %sign3A_2182 = arith.constant 0 : i32
    %sign3A_2183 = arith.cmpi sgt, %jit3A_2170, %sign3A_2182 : i32
    %sign3A_2184 = arith.extui %sign3A_2183 : i1 to i32
    %sign3A_2185 = arith.constant 0 : i32
    %sign3A_2186 = arith.cmpi slt, %jit3A_2170, %sign3A_2185 : i32
    %sign3A_2187 = arith.extui %sign3A_2186 : i1 to i32
    %sign3A_2188 = arith.subi %sign3A_2184, %sign3A_2187 : i32
    %ne3A_2189 = vector.broadcast %sign3A_2188 : i32 to vector<16xi32>
    %ne3A_2190 = arith.cmpi ne, %sign3A_2181, %ne3A_2189 : vector<16xi32>
    %rem3A_2191 = vector.broadcast %jit3A_2170 : i32 to vector<16xi32>
    %rem3A_2192 = arith.remsi %add3A_2169, %rem3A_2191 : vector<16xi32>
    %ne3A_2193 = arith.constant 0 : i32
    %ne3A_2194 = vector.broadcast %ne3A_2193 : i32 to vector<16xi32>
    %ne3A_2195 = arith.cmpi ne, %rem3A_2192, %ne3A_2194 : vector<16xi32>
    %and3A_2196 = arith.andi %ne3A_2190, %ne3A_2195 : vector<16xi1>
    %sub3A_2197 = arith.constant 1 : i32
    %sub3A_2198 = vector.broadcast %sub3A_2197 : i32 to vector<16xi32>
    %sub3A_2199 = arith.subi %div3A_2172, %sub3A_2198 : vector<16xi32>
    %select_n3A_2200 = arith.select %and3A_2196, %sub3A_2199, %div3A_2172 : vector<16xi1>, vector<16xi32>
    %mul3A_2201 = arith.constant 6 : i32
    %mul3A_2202 = vector.broadcast %mul3A_2201 : i32 to vector<16xi32>
    %mul3A_2203 = arith.muli %mul3A_2202, %select_n3A_2200 : vector<16xi32>
    %sub3A_2204 = arith.subi %add3A_2169, %mul3A_2203 : vector<16xi32>
    %gather3A_2205 = tpu.vector_load_idx %arg8[%select_n3A_2200] : memref<16xf32, #tpu.memory_space<vmem>>[vector<16xi32>], vector<16xf32>,
    %gather3A_2206 = tpu.vector_load_idx %arg9[%sub3A_2204] : memref<16xf32, #tpu.memory_space<vmem>>[vector<16xi32>], vector<16xf32>,
    %mul3A_2207 = arith.mulf %gather3A_2205, %gather3A_2206 : vector<16xf32>
    %swap3A_2208 = arith.constant 48 : index
    %swap3A_2209 = tpu.vector_load %arg10[%swap3A_2208] {strides = array<i32>} : memref<96xf32, #tpu.memory_space<vmem>>, vector<16xf32>,
    tpu.vector_store %arg10[%swap3A_2208], %mul3A_2207 {strides = array<i32>} : memref<96xf32, #tpu.memory_space<vmem>>, vector<16xf32>,
    %add3A_2210 = arith.constant 64 : i32
    %add3A_2211 = vector.broadcast %add3A_2210 : i32 to vector<16xi32>
    %add3A_2212 = arith.addi %add3A_2211, %iota3A : vector<16xi32>
    %jit3A_2213 = arith.constant 6 : i32
    %div3A_2214 = vector.broadcast %jit3A_2213 : i32 to vector<16xi32>
    %div3A_2215 = arith.divsi %add3A_2212, %div3A_2214 : vector<16xi32>
    %sign3A_2216 = arith.constant 0 : i32
    %sign3A_2217 = vector.broadcast %sign3A_2216 : i32 to vector<16xi32>
    %sign3A_2218 = arith.cmpi sgt, %add3A_2212, %sign3A_2217 : vector<16xi32>
    %sign3A_2219 = arith.extui %sign3A_2218 : vector<16xi1> to vector<16xi32>
    %sign3A_2220 = arith.constant 0 : i32
    %sign3A_2221 = vector.broadcast %sign3A_2220 : i32 to vector<16xi32>
    %sign3A_2222 = arith.cmpi slt, %add3A_2212, %sign3A_2221 : vector<16xi32>
    %sign3A_2223 = arith.extui %sign3A_2222 : vector<16xi1> to vector<16xi32>
    %sign3A_2224 = arith.subi %sign3A_2219, %sign3A_2223 : vector<16xi32>
    %sign3A_2225 = arith.constant 0 : i32
    %sign3A_2226 = arith.cmpi sgt, %jit3A_2213, %sign3A_2225 : i32
    %sign3A_2227 = arith.extui %sign3A_2226 : i1 to i32
    %sign3A_2228 = arith.constant 0 : i32
    %sign3A_2229 = arith.cmpi slt, %jit3A_2213, %sign3A_2228 : i32
    %sign3A_2230 = arith.extui %sign3A_2229 : i1 to i32
    %sign3A_2231 = arith.subi %sign3A_2227, %sign3A_2230 : i32
    %ne3A_2232 = vector.broadcast %sign3A_2231 : i32 to vector<16xi32>
    %ne3A_2233 = arith.cmpi ne, %sign3A_2224, %ne3A_2232 : vector<16xi32>
    %rem3A_2234 = vector.broadcast %jit3A_2213 : i32 to vector<16xi32>
    %rem3A_2235 = arith.remsi %add3A_2212, %rem3A_2234 : vector<16xi32>
    %ne3A_2236 = arith.constant 0 : i32
    %ne3A_2237 = vector.broadcast %ne3A_2236 : i32 to vector<16xi32>
    %ne3A_2238 = arith.cmpi ne, %rem3A_2235, %ne3A_2237 : vector<16xi32>
    %and3A_2239 = arith.andi %ne3A_2233, %ne3A_2238 : vector<16xi1>
    %sub3A_2240 = arith.constant 1 : i32
    %sub3A_2241 = vector.broadcast %sub3A_2240 : i32 to vector<16xi32>
    %sub3A_2242 = arith.subi %div3A_2215, %sub3A_2241 : vector<16xi32>
    %select_n3A_2243 = arith.select %and3A_2239, %sub3A_2242, %div3A_2215 : vector<16xi1>, vector<16xi32>
    %mul3A_2244 = arith.constant 6 : i32
    %mul3A_2245 = vector.broadcast %mul3A_2244 : i32 to vector<16xi32>
    %mul3A_2246 = arith.muli %mul3A_2245, %select_n3A_2243 : vector<16xi32>
    %sub3A_2247 = arith.subi %add3A_2212, %mul3A_2246 : vector<16xi32>
    %gather3A_2248 = tpu.vector_load_idx %arg8[%select_n3A_2243] : memref<16xf32, #tpu.memory_space<vmem>>[vector<16xi32>], vector<16xf32>,
    %gather3A_2249 = tpu.vector_load_idx %arg9[%sub3A_2247] : memref<16xf32, #tpu.memory_space<vmem>>[vector<16xi32>], vector<16xf32>,
    %mul3A_2250 = arith.mulf %gather3A_2248, %gather3A_2249 : vector<16xf32>
    %swap3A_2251 = arith.constant 64 : index
    %swap3A_2252 = tpu.vector_load %arg10[%swap3A_2251] {strides = array<i32>} : memref<96xf32, #tpu.memory_space<vmem>>, vector<16xf32>,
    tpu.vector_store %arg10[%swap3A_2251], %mul3A_2250 {strides = array<i32>} : memref<96xf32, #tpu.memory_space<vmem>>, vector<16xf32>,
    %add3A_2253 = arith.constant 80 : i32
    %add3A_2254 = vector.broadcast %add3A_2253 : i32 to vector<16xi32>
    %add3A_2255 = arith.addi %add3A_2254, %iota3A : vector<16xi32>
    %jit3A_2256 = arith.constant 6 : i32
    %div3A_2257 = vector.broadcast %jit3A_2256 : i32 to vector<16xi32>
    %div3A_2258 = arith.divsi %add3A_2255, %div3A_2257 : vector<16xi32>
    %sign3A_2259 = arith.constant 0 : i32
    %sign3A_2260 = vector.broadcast %sign3A_2259 : i32 to vector<16xi32>
    %sign3A_2261 = arith.cmpi sgt, %add3A_2255, %sign3A_2260 : vector<16xi32>
    %sign3A_2262 = arith.extui %sign3A_2261 : vector<16xi1> to vector<16xi32>
    %sign3A_2263 = arith.constant 0 : i32
    %sign3A_2264 = vector.broadcast %sign3A_2263 : i32 to vector<16xi32>
    %sign3A_2265 = arith.cmpi slt, %add3A_2255, %sign3A_2264 : vector<16xi32>
    %sign3A_2266 = arith.extui %sign3A_2265 : vector<16xi1> to vector<16xi32>
    %sign3A_2267 = arith.subi %sign3A_2262, %sign3A_2266 : vector<16xi32>
    %sign3A_2268 = arith.constant 0 : i32
    %sign3A_2269 = arith.cmpi sgt, %jit3A_2256, %sign3A_2268 : i32
    %sign3A_2270 = arith.extui %sign3A_2269 : i1 to i32
    %sign3A_2271 = arith.constant 0 : i32
    %sign3A_2272 = arith.cmpi slt, %jit3A_2256, %sign3A_2271 : i32
    %sign3A_2273 = arith.extui %sign3A_2272 : i1 to i32
    %sign3A_2274 = arith.subi %sign3A_2270, %sign3A_2273 : i32
    %ne3A_2275 = vector.broadcast %sign3A_2274 : i32 to vector<16xi32>
    %ne3A_2276 = arith.cmpi ne, %sign3A_2267, %ne3A_2275 : vector<16xi32>
    %rem3A_2277 = vector.broadcast %jit3A_2256 : i32 to vector<16xi32>
    %rem3A_2278 = arith.remsi %add3A_2255, %rem3A_2277 : vector<16xi32>
    %ne3A_2279 = arith.constant 0 : i32
    %ne3A_2280 = vector.broadcast %ne3A_2279 : i32 to vector<16xi32>
    %ne3A_2281 = arith.cmpi ne, %rem3A_2278, %ne3A_2280 : vector<16xi32>
    %and3A_2282 = arith.andi %ne3A_2276, %ne3A_2281 : vector<16xi1>
    %sub3A_2283 = arith.constant 1 : i32
    %sub3A_2284 = vector.broadcast %sub3A_2283 : i32 to vector<16xi32>
    %sub3A_2285 = arith.subi %div3A_2258, %sub3A_2284 : vector<16xi32>
    %select_n3A_2286 = arith.select %and3A_2282, %sub3A_2285, %div3A_2258 : vector<16xi1>, vector<16xi32>
    %mul3A_2287 = arith.constant 6 : i32
    %mul3A_2288 = vector.broadcast %mul3A_2287 : i32 to vector<16xi32>
    %mul3A_2289 = arith.muli %mul3A_2288, %select_n3A_2286 : vector<16xi32>
    %sub3A_2290 = arith.subi %add3A_2255, %mul3A_2289 : vector<16xi32>
    %gather3A_2291 = tpu.vector_load_idx %arg8[%select_n3A_2286] : memref<16xf32, #tpu.memory_space<vmem>>[vector<16xi32>], vector<16xf32>,
    %gather3A_2292 = tpu.vector_load_idx %arg9[%sub3A_2290] : memref<16xf32, #tpu.memory_space<vmem>>[vector<16xi32>], vector<16xf32>,
    %mul3A_2293 = arith.mulf %gather3A_2291, %gather3A_2292 : vector<16xf32>
    %swap3A_2294 = arith.constant 80 : index
    %swap3A_2295 = tpu.vector_load %arg10[%swap3A_2294] {strides = array<i32>} : memref<96xf32, #tpu.memory_space<vmem>>, vector<16xf32>,
    tpu.vector_store %arg10[%swap3A_2294], %mul3A_2293 {strides = array<i32>} : memref<96xf32, #tpu.memory_space<vmem>>, vector<16xf32>,
    %mul3A_2296 = arith.constant 16 : i32
    %mul3A_2297 = arith.muli %add3A, %mul3A_2296 : i32
    %mul3A_2298 = arith.constant 6 : i32
    %mul3A_2299 = arith.muli %mul3A_2297, %mul3A_2298 : i32
    "tpu.region"() ({
      %run_scoped3A = tpu.sem_alloc : memref<!tpu.dma_semaphore, #tpu.memory_space<semaphore_mem>>
      %dma_start3A_2300 = tpu.memref_slice %arg4[%mul3A_2299] : memref<3072xf32, #tpu.memory_space<hbm>> -> memref<96xf32, #tpu.memory_space<hbm>>
      %dma_start3A_2301 = tpu.memref_slice %arg4[%mul3A_2299] : memref<3072xf32, #tpu.memory_space<hbm>> -> memref<96xf32, #tpu.memory_space<hbm>>
      tpu.enqueue_dma source(%arg10 : memref<96xf32, #tpu.memory_space<vmem>>) target(%dma_start3A_2301 : memref<96xf32, #tpu.memory_space<hbm>>) target_semaphore(%run_scoped3A : memref<!tpu.dma_semaphore, #tpu.memory_space<semaphore_mem>>)
      %dma_wait3A_2302 = tpu.memref_slice %arg4[%mul3A_2299] : memref<3072xf32, #tpu.memory_space<hbm>> -> memref<96xf32, #tpu.memory_space<hbm>>
      %dma_wait3A_2303 = tpu.memref_slice %arg4[%mul3A_2299] : memref<3072xf32, #tpu.memory_space<hbm>> -> memref<96xf32, #tpu.memory_space<hbm>>
      tpu.wait_dma2 semaphore(%run_scoped3A : memref<!tpu.dma_semaphore, #tpu.memory_space<semaphore_mem>>) src(%arg10 : memref<96xf32, #tpu.memory_space<vmem>>) dst(%dma_wait3A_2303 : memref<96xf32, #tpu.memory_space<hbm>>)
      tpu.yield
    }) : () -> ()
    return
  }
}

</mosaic_0001>

<sc_bundles>
// kernel: kernel.3.cloned.1.call-start
scs
__scs_entry_jumppad:
0x0: {  	(pc) =	sbr.rel $0x88, $3  }
0x1: {  	(tag) =	ssettag $0x0;
	lr =	simm.s32 $0x1  }
0x2: {  	[smem:$0x3F9D] =	sst lr;
	_ =	strace $0xD0000000  }
0x3: {  	_ = 	snop  }
0x4: {  	_ = 	snop  }
0x5: {  	_ = 	snop  }
0x6: {  	_ = 	snop  }
0x7: {  	_ = 	snop  }
__scs_overlays_trampoline_lowered:
0x8: {  	[smem:$0x3FAC] =	sst s0  }
0x9: {  	[smem:$0x3FAD] =	sst s1  }
0xa: {  	[smem:$0x3FAE] =	sst s2  }
0xb: {  	[smem:$0x3FAF] =	sst s3  }
0xc: {  	[smem:$0x3FB0] =	sst s4  }
0xd: {  	[smem:$0x3FB1] =	sst s5  }
0xe: {  	[smem:$0x3FB2] =	sst s6  }
0xf: {  	[smem:$0x3FB3] =	sst s7  }
0x10: {  	[smem:$0x3FB4] =	sst s8  }
0x11: {  	[smem:$0x3FB5] =	sst s9;
	s0 =	simm.s32 @!p0 $0x0  }
0x12: {  	s1 =	sld [smem:$0x3F9B];
	s0 =	simm.s32 @p0 $0x1  }
0x13: {  	[smem:$0x3FB6] =	sst s0;
	s0 =	simm.s32 @!p1 $0x0  }
0x14: {  	s2 =	sld [smem:$0x3F9A];
	s0 =	simm.s32 @p1 $0x1  }
0x15: {  	[smem:$0x3FB7] =	sst s0;
	s0 =	simm.s32 @!p2 $0x0  }
0x16: {  	s3 =	sld [smem:$0x3FDB];
	s0 =	simm.s32 @p2 $0x1  }
0x17: {  	s4 =	simm.s32 $0x1BF5;
	[smem:$0x3FB9] =	sst s0  }
0x18: {  	s0 =	sld [smem:$0x3F9C];
	_ =	swait.ge [sflag:s4], $0x0  }
0x19: {  	s7 =	sld [smem:$0x3F9D]  }
0x1a: {  	s8 =	sadd.s32 $0xFFFFE003, lr  }
0x1b: {  	s9 =	sadd.s32 $0xFFFFFEF7, lr;
	s5 =	simm.s32 $0xFFFFFFFF;
	p2 =	slt.u32 s8, $0xFFFFF086  }
0x1c: {  	p1 =	slt.u32 s9, $0xF7A;
	s5 =	simm.s32 @!p2 $0x0  }
0x1d: {  	s5 =	simm.s32 @p1 $0x1;
	p0 =	seq.s32 s7, s2  }
0x1e: {  	s7 =	smul.u32 @!p0 $0xF7A, s2;
	p2 =	seq.s32 @!p0 s5, $0x0  }
0x1f: {  	s9 =	smul.u32 $0xF7A, s1;
	s8 =	simm.s32 @!p0 $0x1BF5;
	p2 =	por !p2, p0  }
0x20: {  	[sflag:s8] =	ssyncset.s32 @!p0 $0xFFFFF086;
	s6 =	sadd.s32 @!p0 s3, s7;
	s7 =	simm.s32 @!p0 $0x108  }
0x21: {  	s3 =	sadd.s32 s3, s9;
	s6 =	sadd.s32 @!p0 $0x88, s6;
	s7 =	simm.s32 @p2 $0x1082  }
0x22: {  	[simem:s7], [sflag:s8] =	dma.local @!p0 [hbm:s6], $0xF7A  }
0x23: {  	s9 =	sor.u32 $0xD0000000, s2;
	s6 =	simm.s32 $0x108;
	_ =	swait.ge @!p0 [sflag:s8], $0x0  }
0x24: {  	s3 =	sadd.s32 $0x88, s3;
	s6 =	simm.s32 @!p1 $0x1082;
	[sflag:s4] =	ssyncset.s32 $0xFFFFF086  }
0x25: {  	[simem:s6], [sflag:s4] =	dma.local [hbm:s3], $0xF7A  }
0x26: {  	[smem:$0x3F9D] =	sst s1;
	(tag) =	ssettag s2;
	_ =	strace s9  }
0x27: {  	s1 =	sld [smem:$0x3FAD]  }
0x28: {  	s2 =	sld [smem:$0x3FAE]  }
0x29: {  	s4 =	sld [smem:$0x3FB0]  }
0x2a: {  	p0 =	seq.s32 s5, $0x0;
	s5 =	sld [smem:$0x3FB1]  }
0x2b: {  	s6 =	sld [smem:$0x3FB2]  }
0x2c: {  	s7 =	sld [smem:$0x3FB3]  }
0x2d: {  	s3 =	simm.s32 $0x108;
	s8 =	sld [smem:$0x3FB4]  }
0x2e: {  	s3 =	simm.s32 @!p0 $0x1082;
	s9 =	sld [smem:$0x3FB5]  }
0x2f: {  	lr =	sadd.s32 s0, s3;
	s0 =	sld [smem:$0x3FAC]  }
0x30: {  	s3 =	sld [smem:$0x3FAF]  }
0x31: {  	[smem:$0x3FB8] =	sst s10  }
0x32: {  	s10 =	sld [smem:$0x3FB6];
	_ =	sdelay $0x3  }
0x33: {  	p0 =	seq.s32 s10, $0x1;
	s10 =	sld [smem:$0x3FB8];
	_ =	sdelay $0x3  }
0x34: {  	[smem:$0x3FB8] =	sst s10  }
0x35: {  	s10 =	sld [smem:$0x3FB7];
	_ =	sdelay $0x3  }
0x36: {  	p1 =	seq.s32 s10, $0x1;
	s10 =	sld [smem:$0x3FB8];
	_ =	sdelay $0x3  }
0x37: {  	[smem:$0x3FB8] =	sst s10  }
0x38: {  	s10 =	sld [smem:$0x3FB9]  }
0x39: {  	_ = 	snop;
	(pc) =	sbr.ind lr, $3  }
0x3a: {  	_ = 	snop  }
0x3b: {  	_ = 	snop  }
0x3c: {  	p2 =	seq.s32 s10, $0x1;
	s10 =	sld [smem:$0x3FB8]  }
0x3d: {  	_ =	shalt  }
0x3e: {  	_ =	shalt  }
0x3f: {  	_ =	shalt  }
0x40: {  	_ =	shalt  }
0x41: {  	_ =	shalt  }
0x42: {  	_ =	shalt  }
0x43: {  	_ =	shalt  }
0x44: {  	_ =	shalt  }
0x45: {  	_ =	shalt  }
0x46: {  	_ =	shalt  }
0x47: {  	_ =	shalt  }
0x48: {  	_ =	shalt  }
0x49: {  	_ =	shalt  }
0x4a: {  	_ =	shalt  }
0x4b: {  	_ =	shalt  }
0x4c: {  	_ =	shalt  }
0x4d: {  	_ =	shalt  }
0x4e: {  	_ =	shalt  }
0x4f: {  	_ =	shalt  }
0x50: {  	_ =	shalt  }
0x51: {  	_ =	shalt  }
0x52: {  	_ =	shalt  }
0x53: {  	_ =	shalt  }
0x54: {  	_ =	shalt  }
0x55: {  	_ =	shalt  }
0x56: {  	_ =	shalt  }
0x57: {  	_ =	shalt  }
0x58: {  	_ =	shalt  }
0x59: {  	_ =	shalt  }
0x5a: {  	_ =	shalt  }
0x5b: {  	_ =	shalt  }
0x5c: {  	_ =	shalt  }
0x5d: {  	_ =	shalt  }
0x5e: {  	_ =	shalt  }
0x5f: {  	_ =	shalt  }
0x60: {  	_ =	shalt  }
0x61: {  	_ =	shalt  }
0x62: {  	_ =	shalt  }
0x63: {  	_ =	shalt  }
0x64: {  	_ =	shalt  }
0x65: {  	_ =	shalt  }
0x66: {  	_ =	shalt  }
0x67: {  	_ =	shalt  }
0x68: {  	_ =	shalt  }
0x69: {  	_ =	shalt  }
0x6a: {  	_ =	shalt  }
0x6b: {  	_ =	shalt  }
0x6c: {  	_ =	shalt  }
0x6d: {  	_ =	shalt  }
0x6e: {  	_ =	shalt  }
0x6f: {  	_ =	shalt  }
0x70: {  	_ =	shalt  }
0x71: {  	_ =	shalt  }
0x72: {  	_ =	shalt  }
0x73: {  	_ =	shalt  }
0x74: {  	_ =	shalt  }
0x75: {  	_ =	shalt  }
0x76: {  	_ =	shalt  }
0x77: {  	_ =	shalt  }
0x78: {  	_ =	shalt  }
0x79: {  	_ =	shalt  }
0x7a: {  	_ =	shalt  }
0x7b: {  	_ =	shalt  }
0x7c: {  	_ =	shalt  }
0x7d: {  	_ =	shalt  }
0x7e: {  	_ =	shalt  }
0x7f: {  	_ =	shalt  }
0x80: {  	_ =	shalt  }
0x81: {  	_ =	shalt  }
0x82: {  	_ =	shalt  }
0x83: {  	_ =	shalt  }
0x84: {  	_ =	shalt  }
0x85: {  	_ =	shalt  }
0x86: {  	_ =	shalt  }
0x87: {  	_ =	shalt  }
.Lfunc_end0:
.L_simem_size_0:
called_computation_lowered:
.L_overlay_start_0:
0x88: {  	s2 =	sld [smem:$0x3FD9]  }
0x89: {  	s3 =	sld [smem:$0x3FFE];
	_ =	sdelay $0x1  }
0x8a: {  	s1 =	srdreg.scid  }
0x8b: {  	s0 =	sand.u32 $0x1, s1  }
0x8c: {  	s15 =	sshll.u32 s0, $0xA;
	s2 =	sadd.s32 s3, s2  }
0x8d: {  	s2 =	sadd.s32 s2, s15  }
0x8e: {  	[smem:$0x3FC4] =	sst s2  }
0x8f: {  	_ = 	snop  }
0x90: {  	s2 =	sld [smem:$0x3FD0];
	_ =	sdelay $0x2  }
0x91: {  	s4 =	simm.s32 $0xA;
	s5 =	simm.s32 $0x10;
	s16 =	sld [smem:$0x3FC9]  }
0x92: {  	[smem:s5], [sflag:s4] =	dma.local [hbm:s2], $0x1  }
0x93: {  	_ =	swait.eq [sflag:s4], $0x1  }
0x94: {  	[sflag:s4] =	ssyncset.done $0x0  }
0x95: {  	s17 =	sld [smem:$0x10];
	[sflag:s4] =	ssyncadd.s32 $0xFFFFFFFF  }
0x96: {  	s18 =	sld [smem:$0x12];
	(tm) =	ssettm $0x1  }
0x97: {  	s19 =	sld [smem:$0x3FFB];
	_ =	sdelay $0x3  }
0x98: {  	_ =	strace s19  }
0x99: {  	s5 =	sld [smem:$0x3FFC];
	_ =	sdelay $0x3  }
0x9a: {  	_ =	strace s5  }
0x9b: {  	s5 =	sld [smem:$0x3FFD];
	_ =	sdelay $0x3  }
0x9c: {  	_ =	strace s5  }
0x9d: {  	_ =	strace $0x8FFFFFFF  }
0x9e: {  	s20 =	sld [smem:$0x3FDB];
	_ =	sdelay $0x1  }
0x9f: {  	s6 =	simm.s32 $_scs_section_size  }
0xa0: {  	s7 =	simm.s32 $_size__tile_overlayer_lowered;
	s8 =	simm.s32 $_tile_overlayer_lowered  }
0xa1: {  	s23 =	simm.s32 $0x1BFF;
	s22 =	sshll.u32 s8, $0x1;
	s5 =	sadd.s32 s6, s20  }
0xa2: {  	s9 =	simm.s32 $0x0;
	s21 =	sshll.u32 s7, $0x1;
	s7 =	sadd.s32 s22, s5  }
0xa3: {  	[timem:s9], [sflag:s23] =	dma.local [hbm:s7], s21  }
0xa4: {  	_ =	swait.ge [sflag:s23], s21  }
0xa5: {  	s6 =	ssub.s32 $0x0, s21;
	[sflag:s23] =	ssyncset.done $0x0  }
0xa6: {  	[sflag:s23] =	ssyncadd.s32 s6;
	_ =	sdelay $0x1  }
0xa7: {  	s24 =	simm.s32 $0x1B8B  }
0xa8: {  	_ =	swait.ge [sflag:s24], $0x1  }
0xa9: {  	[sflag:s24] =	ssyncset.done $0x0  }
0xaa: {  	s25 =	simm.s32 $0x1B8E;
	[sflag:s24] =	ssyncadd.s32 $0xFFFFFFFF  }
0xab: {  	s26 =	simm.s32 $execute0_lowered;
	[smem:$0x3FD2] =	sst s25  }
0xac: {  	s6 =	sshll.u32 s26, $0x1;
	_ =	strace $0x80000046;
	[dreg:$0x1] =	wrdreg $0xFFFFFFFF  }
0xad: {  	s28 =	simm.s32 $_size_execute0_lowered;
	s5 =	sadd.s32 s5, s6;
	[dreg:$0x0] =	wrdreg $0x0  }
0xae: {  	s6 =	sshll.u32 s28, $0x1;
	[dreg:$0x2] =	wrdreg s5  }
0xaf: {  	[dreg:$0x3] =	wrdreg s6  }
0xb0: {  	[dreg:$0x4] =	wrdreg $0xC0  }
0xb1: {  	_ =	task [dreg:s9], $0x5FFFF  }
0xb2: {  	[dreg:$0x1] =	wrdreg $0xFFFFFFFF  }
0xb3: {  	[dreg:$0x0] =	wrdreg $0x60  }
0xb4: {  	[dreg:$0x2] =	wrdreg s16  }
0xb5: {  	[dreg:$0x3] =	wrdreg s17  }
0xb6: {  	[dreg:$0x4] =	wrdreg s18  }
0xb7: {  	[dreg:$0x5] =	wrdreg $0x9  }
0xb8: {  	_ =	task.clear_ibuf [dreg:s9], $0x6FFFF;
	_ =	strace $0x90000046  }
0xb9: {  	s29 =	simm.s32 $0x9;
	_ =	strace $0x80000048  }
0xba: {  	_ =	swait.ge [sflag:s29], $0x1  }
0xbb: {  	[sflag:s29] =	ssyncadd.s32 $0xFFFFFFFF  }
0xbc: {  	_ =	strace $0x90000048  }
0xbd: {  	_ =	sfence  }
0xbe: {  	s30 =	sld [smem:$0x0];
	_ =	sdelay $0x2  }
0xbf: {  	s31 =	sshll.u32 s1, $0xD;
	s1 =	sshrl.u32 s1, $0x2  }
0xc0: {  	s3 =	sand.u32 $0x4000, s31;
	s1 =	sadd.s32 s1, s30  }
0xc1: {  	s0 =	sor.u32 s3, s0;
	s1 =	sshll.u32 s1, $0x11  }
0xc2: {  	s0 =	sor.u32 s1, s0  }
0xc3: {  	s0 =	sadd.s32 $0x8F2B, s0  }
0xc4: {  	[sflag:s0] =	ssyncadd.remote.s32 $0x1  }
0xc5: {  	_ =	sfence.sel $0xFFFF  }
0xc6: {  	[dreg:$0x0] =	wrdreg $0xFFFFFFFF;
	(pc) =	sbr.abs _section_cstart, $3  }
0xc7: {  	[dreg:$0x1] =	wrdreg $0xFFFFFFFF  }
0xc8: {  	_ =	task.clear_ibuf [dreg:s9], $0x2FFFF;
	_ =	strace $0x9FFFFFFF  }
0xc9: {  	(tm) =	ssettm $0x7FFFFFFF  }
tec
execute0_lowered:
.L_overlay_start_1:
0x0: {  	(tag) =	ssettag $0x1  }
0x1: {  	s1 =	rddreg [dreg:$0x0];
	v4 =	vlaneseq.u32  }
0x2: {  	s3 =	rddreg [dreg:$0x1];
	v5 =	vmul.u32 $0x6, v4  }
0x3: {  	s7 =	rddreg [dreg:$0x2];
	s4 =	simm.s32 $0x0  }
0x4: {  	s2 =	srdreg.scid;
	[smem:$0x7FF] =	sst s4;
	v6 =	vadd.s32 $0x3A0, v5  }
0x5: {  	s5 =	sand.u32 $0x1, s2;
	s2 =	rddreg [dreg:$0x3];
	_ =	strace $0x80000047;
	[tilespmem:$0x1FD70] =	vst v6;
	v6 =	vadd.s32 $0x3A1, v5  }
0x6: {  	[tilespmem:$0x1FD80] =	vst v6;
	v6 =	vadd.s32 $0x3A2, v5  }
0x7: {  	[tilespmem:$0x1FD90] =	vst v6;
	v6 =	vadd.s32 $0x3A3, v5  }
0x8: {  	[tilespmem:$0x1FDA0] =	vst v6;
	v6 =	vadd.s32 $0x3A4, v5  }
0x9: {  	[tilespmem:$0x1FDB0] =	vst v6;
	v6 =	vadd.s32 $0x3A5, v5  }
0xa: {  	[tilespmem:$0x1FDC0] =	vst v6;
	v6 =	vor.u32 $0x400, v5  }
0xb: {  	[tilespmem:$0x1FDD0] =	vst v6;
	v6 =	vor.u32 $0x401, v5  }
0xc: {  	[tilespmem:$0x1FDE0] =	vst v6;
	v6 =	vadd.s32 $0x402, v5  }
0xd: {  	[tilespmem:$0x1FDF0] =	vst v6;
	v6 =	vadd.s32 $0x403, v5  }
0xe: {  	[tilespmem:$0x1FE00] =	vst v6;
	v6 =	vadd.s32 $0x404, v5  }
0xf: {  	[tilespmem:$0x1FE10] =	vst v6;
	v6 =	vadd.s32 $0x405, v5  }
0x10: {  	[tilespmem:$0x1FE20] =	vst v6;
	v6 =	vadd.s32 $0x460, v5  }
0x11: {  	[tilespmem:$0x1FE30] =	vst v6;
	v6 =	vadd.s32 $0x461, v5  }
0x12: {  	[tilespmem:$0x1FE40] =	vst v6;
	v6 =	vadd.s32 $0x462, v5  }
0x13: {  	[tilespmem:$0x1FE50] =	vst v6;
	v6 =	vadd.s32 $0x463, v5  }
0x14: {  	[tilespmem:$0x1FE60] =	vst v6;
	v6 =	vadd.s32 $0x464, v5  }
0x15: {  	[tilespmem:$0x1FE70] =	vst v6;
	v6 =	vadd.s32 $0x465, v5  }
0x16: {  	[tilespmem:$0x1FE80] =	vst v6;
	v6 =	vadd.s32 $0x4C0, v5  }
0x17: {  	[tilespmem:$0x1FE90] =	vst v6;
	v6 =	vadd.s32 $0x4C1, v5  }
0x18: {  	[tilespmem:$0x1FEA0] =	vst v6;
	v6 =	vadd.s32 $0x4C2, v5  }
0x19: {  	s23 =	sadd.s32 $0x64, s3;
	[tilespmem:$0x1FEB0] =	vst v6;
	v6 =	vadd.s32 $0x4C3, v5  }
0x1a: {  	s24 =	simm.s32 $0x320;
	[dreg:$0x4] =	wrdreg s23;
	[tilespmem:$0x1FEC0] =	vst v6;
	v6 =	vadd.s32 $0x4C4, v5  }
0x1b: {  	s25 =	simm.s32 $0x780;
	[dreg:$0x6] =	wrdreg s24;
	[tilespmem:$0x1FED0] =	vst v6;
	v6 =	vadd.s32 $0x4C5, v5  }
0x1c: {  	s26 =	simm.s32 $0xF80;
	[dreg:$0x7] =	wrdreg s25;
	[tilespmem:$0x1FEE0] =	vst v6;
	v6 =	vadd.s32 $0x520, v5  }
0x1d: {  	s28 =	simm.s32 $0x800;
	[dreg:$0x8] =	wrdreg s26;
	[tilespmem:$0x1FEF0] =	vst v6;
	v6 =	vadd.s32 $0x521, v5  }
0x1e: {  	s29 =	simm.s32 $0x1000;
	[dreg:$0x9] =	wrdreg s28;
	[tilespmem:$0x1FF00] =	vst v6;
	v6 =	vadd.s32 $0x522, v5  }
0x1f: {  	v2 =	vimm.s32 $0x190;
	s30 =	simm.s32 $0x880;
	[dreg:$0xa] =	wrdreg s29;
	[tilespmem:$0x1FF10] =	vst v6;
	v6 =	vadd.s32 $0x523, v5  }
0x20: {  	v3 =	vimm.s32 $0x0;
	s31 =	simm.s32 $0x1080;
	vm0 =	vcmask $0x300;
	[dreg:$0xb] =	wrdreg s30;
	[tilespmem:$0x1FF20] =	vst v6;
	v6 =	vadd.s32 $0x524, v5  }
0x21: {  	s9 =	simm.s32 $0x980;
	vm1 =	vmmov $0x1;
	vm2 =	vcmask $0x30C;
	[dreg:$0xc] =	wrdreg s31;
	[tilespmem:$0x1FF30] =	vst v6;
	v6 =	vadd.s32 $0x525, v5  }
0x22: {  	s10 =	simm.s32 $0x1180;
	vm3 =	vcmask $0x710;
	vm4 =	vcmask $0xB14;
	[dreg:$0xf] =	wrdreg s9;
	[tilespmem:$0x1FF40] =	vst v6;
	v6 =	vor.u32 $0x580, v5  }
0x23: {  	s11 =	simm.s32 $0xA00;
	vm5 =	vcmask $0xF18;
	vm6 =	vcmask $0x1318;
	[dreg:$0x10] =	wrdreg s10;
	[tilespmem:$0x1FF50] =	vst v6;
	v6 =	vor.u32 $0x581, v5  }
0x24: {  	s12 =	simm.s32 $0x1200;
	vm8 =	vcmask $0x1700;
	vm7 =	vcmask $0x2F18;
	[dreg:$0x11] =	wrdreg s11;
	[tilespmem:$0x1FF60] =	vst v6;
	v6 =	vadd.s32 $0x582, v5  }
0x25: {  	s13 =	simm.s32 $0xA80;
	vm9 =	vcmask $0xF00;
	vm10 =	vcmask $0x1F10;
	[dreg:$0x12] =	wrdreg s12;
	[tilespmem:$0x1FF70] =	vst v6;
	v6 =	vadd.s32 $0x583, v5  }
0x26: {  	s0 =	stileid.u32;
	s14 =	simm.s32 $0x1280;
	vm11 =	vcmask $0x3720;
	v1 =	vadd.s32 $0x1, v4;
	[dreg:$0x13] =	wrdreg s13;
	[tilespmem:$0x1FF80] =	vst v6;
	v6 =	vadd.s32 $0x584, v5  }
0x27: {  	s15 =	simm.s32 $0xB00;
	s22 =	sshll.u32 s0, $0x1;
	v54 =	vmul.u32 $0x80, v4;
	[dreg:$0x14] =	wrdreg s14;
	v46 =	vadd.s32 $0x5E5, v5;
	[tilespmem:$0x1FF90] =	vst v6;
	v6 =	vadd.s32 $0x585, v5  }
0x28: {  	s16 =	simm.s32 $0x1300;
	s6 =	sor.u32 s5, s22;
	[dreg:$0x15] =	wrdreg s15;
	v47 =	vadd.s32 $0x640, v5;
	v48 =	vadd.s32 $0x641, v5;
	[tilespmem:$0x1FFA0] =	vst v6;
	v6 =	vadd.s32 $0x5E0, v5  }
0x29: {  	s17 =	simm.s32 $0xB80;
	[dreg:$0x16] =	wrdreg s16;
	s8 =	sshll.u32 s6, $0x4;
	v49 =	vadd.s32 $0x642, v5;
	v50 =	vadd.s32 $0x643, v5;
	[tilespmem:$0x1FFB0] =	vst v6;
	v6 =	vadd.s32 $0x5E1, v5  }
0x2a: {  	s18 =	simm.s32 $0x1380;
	[dreg:$0x17] =	wrdreg s17;
	v0 =	vor.u32 s8, v4;
	v4 =	vimm.s32 $0x2;
	[tilespmem:$0x1FFC0] =	vst v6;
	v6 =	vadd.s32 $0x5E2, v5  }
0x2b: {  	s19 =	simm.s32 $0xC00;
	[dreg:$0x18] =	wrdreg s18;
	v51 =	vadd.s32 $0x644, v5;
	v4 =	vsel vm8, $0x0, v4;
	[tilespmem:$0x1FFD0] =	vst v6;
	v6 =	vadd.s32 $0x5E3, v5  }
0x2c: {  	s20 =	simm.s32 $0x1400;
	[dreg:$0x19] =	wrdreg s19;
	v55 =	vsel vm7, $0x1, v4;
	v4 =	vimm.s32 $0x10543210;
	[tilespmem:$0x1FFE0] =	vst v6;
	v6 =	vadd.s32 $0x5E4, v5  }
0x2d: {  	s21 =	simm.s32 $0xC80;
	[dreg:$0x1a] =	wrdreg s20;
	v52 =	vadd.s32 $0x645, v5;
	v4 =	vunpack.c.l.s4.s8 v4;
	[tilespmem:$0x1FFF0] =	vst v6;
	v6 =	vimm.s32 $0x6A5  }
0x2e: {  	[dreg:$0x1b] =	wrdreg s21;
	s22 =	simm.s32 $0x1480;
	v5 =	vimm.s32 $0x3030202;
	v6 =	vsel vm0, $0x6A0, v6;
	vm0 =	vcmask $0x704  }
0x2f: {  	s23 =	simm.s32 $0xD00;
	[dreg:$0x1c] =	wrdreg s22;
	v5 =	vunpack.c.0.s8.s32 v5;
	v6 =	vsel vm0, $0x6A1, v6;
	vm0 =	vcmask $0xB08  }
0x30: {  	s24 =	simm.s32 $0x1500;
	s5 =	ssub.s32 $0x2, s5;
	[dreg:$0x1d] =	wrdreg s23;
	v56 =	vunpack.c.0.s8.s32 v4;
	v6 =	vsel vm0, $0x6A2, v6;
	vm0 =	vcmask $0xF0C  }
0x31: {  	s25 =	simm.s32 $0xD80;
	s28 =	simm.s32 $0x1580;
	[dreg:$0x1e] =	wrdreg s24;
	v5 =	vnsel vm9, $0x5, v5;
	v6 =	vsel vm0, $0x6A3, v6;
	vm0 =	vcmask $0x1310  }
0x32: {  	s29 =	simm.s32 $0xE00;
	s30 =	simm.s32 $0x1600;
	[dreg:$0x1f] =	wrdreg s25;
	v4 =	vsel vm10, $0x3, v5;
	v53 =	vsel vm0, $0x6A4, v6;
	v6 =	vimm.s32 $0x32105432  }
0x33: {  	s31 =	simm.s32 $0xE80;
	s9 =	simm.s32 $0x1680;
	[smem:$0x7F8] =	sst s28;
	v58 =	vsel vm11, $0x4, v4;
	v4 =	vimm.s32 $0x54321054;
	v6 =	vunpack.c.l.s4.s8 v6  }
0x34: {  	vm12 =	vcmask $0x2710;
	s10 =	simm.s32 $0x1;
	s11 =	simm.s32 $0x2;
	[smem:$0x7F9] =	sst s29;
	v1 =	vadd.s32 s8, v1;
	v4 =	vunpack.c.l.s4.s8 v4  }
0x35: {  	s14 =	simm.s32 $0x1800;
	s12 =	simm.s32 $0x1700;
	[smem:$0x7FA] =	sst s30;
	v5 =	vimm.s32 $0x7;
	v57 =	vunpack.c.0.s8.s32 v6;
	v6 =	vimm.s32 $0xB0B0A0A  }
0x36: {  	s13 =	simm.s32 $0x1780;
	s6 =	smul.u32 $0xC, s6;
	[smem:$0x7FB] =	sst s31;
	v59 =	vunpack.c.0.s8.s32 v4;
	v4 =	vimm.s32 $0xA;
	v6 =	vunpack.c.0.s8.s32 v6  }
0x37: {  	s26 =	sshrl.u32 s5, $0x1;
	[smem:$0x7FC] =	sst s9;
	s9 =	simm.s32 $0x3;
	v5 =	vsel vm9, $0x5, v5;
	vm0 =	vcmask $0x1704;
	v4 =	vsel vm8, $0x8, v4  }
0x38: {  	[smem:$0x7FD] =	sst s14;
	s8 =	simm.s32 $0x1100;
	s5 =	ssub.s32 s5, s26;
	v60 =	vsel vm12, $0x6, v5;
	v61 =	vsel vm7, $0x9, v4;
	v5 =	vnsel vm9, $0xD, v6  }
0x39: {  	s6 =	sadd.s32 s7, s6;
	s7 =	simm.s32 $0x900;
	[dreg:$0xe] =	wrdreg s8;
	v7 =	vcombine.low v56, v57;
	v6 =	vimm.s32 $0xF;
	v4 =	vsel vm10, $0xB, v5  }
0x3a: {  	s5 =	smax.u32 s5, $0x1;
	s8 =	simm.s32 $0xF00;
	[dreg:$0x5] =	wrdreg s6;
	v5 =	vsel vm9, $0xD, v6;
	v6 =	vimm.s32 $0x20;
	v62 =	vsel vm11, $0xC, v4  }
0x3b: {  	[dreg:$0xd] =	wrdreg s7;
	s6 =	simm.s32 $0x4;
	s7 =	simm.s32 $0x700;
	v63 =	vsel vm12, $0xE, v5;
	v4 =	vor.u32 $0x40, v54;
	v5 =	vimm.s32 $0x40  }
.LBB2_1:
0x3c: {  	s14 =	rddreg [dreg:$0x4]  }
0x3d: {  	s15 =	rddreg [dreg:$0x6]  }
0x3e: {  	[tilespmem:s15], [sflag:$0x3] =	stream.linear.gather [hbm4b:s14+s4], $0x390, $0x38;
	[tilespmem:$0x1880] =	vst v63  }
0x3f: {  	_ = 	snop  }
0x40: {  	[tilespmem:s4], [sflag:$0x4] =	stream.linear.gather [hbm4b:s3+s4], $0x320, $0x38;
	[tilespmem:$0x1880] =	vst v63  }
0x41: {  	_ =	swait.ge [sflag:s6], $0x320  }
0x42: {  	[sflag:s6] =	ssyncset.done $0x0  }
0x43: {  	[sflag:s6] =	ssyncadd.s32 $0xFFFFFCE0  }
0x44: {  	v8 =	vld.idx.msk [tilespmem:v2+s4+$0x0], $0xffff;
	_ =	sdelay $0x4  }
0x45: {  	v11 =	vimm.s32 $0xC8;
	vm7 =	vlt.s32 v8, v0  }
0x46: {  	v9 =	vsel vm7, $0x258, v11;
	_ =	sdelay $0x2  }
0x47: {  	vm8 =	vlt.s32 v8, v1  }
0x48: {  	v8 =	vsel vm8, $0x258, v11  }
0x49: {  	v10 =	vld.idx.msk [tilespmem:v9+s4+$0x0], $0xffff;
	_ =	sdelay $0x3  }
0x4a: {  	v28 =	vld.idx.msk [tilespmem:v8+s4+$0x0], $0xffff  }
0x4b: {  	v26 =	vsel vm7, $0x320, v2;
	vm9 =	vlt.s32 v10, v0  }
0x4c: {  	v27 =	vsel vm7, $0x191, v3;
	v12 =	vor.u32 $0x1, v9;
	v9 =	vsel vm9, v26, v9  }
0x4d: {  	v10 =	vsel vm9, v12, v27;
	v29 =	vadd.s32 $0xFFFFFFFF, v9  }
0x4e: {  	v30 =	vsel vm8, $0x320, v2;
	v31 =	vsel vm8, $0x191, v3;
	v13 =	vxor.u32 v29, v10  }
0x4f: {  	vm7 =	vlt.s32 v28, v1;
	v12 =	vor.u32 v29, v10;
	v13 =	vshrl.u32 v13, $0x1  }
0x50: {  	v14 =	vor.u32 $0x1, v8;
	v8 =	vsel vm7, v30, v8;
	v12 =	vsub.s32 v12, v13  }
0x51: {  	v11 =	vsel vm7, v14, v31;
	v13 =	vadd.s32 $0xFFFFFFFF, v8  }
0x52: {  	v14 =	vxor.u32 v13, v11  }
0x53: {  	v13 =	vor.u32 v13, v11;
	v14 =	vshrl.u32 v14, $0x1  }
0x54: {  	v13 =	vsub.s32 v13, v14  }
0x55: {  	v15 =	vld.idx.msk [tilespmem:v12+s4+$0x0], $0xffff;
	_ =	sdelay $0x3  }
0x56: {  	v33 =	vld.idx.msk [tilespmem:v13+s4+$0x0], $0xffff  }
0x57: {  	vm7 =	vlt.u32 v10, v9;
	vm8 =	vge.s32 v15, v0;
	vm13 =	vlt.s32 v15, v0  }
0x58: {  	v32 =	vor.u32 $0x1, v12;
	vm9 =	vmand vm13, vm7;
	vm7 =	vmand vm7, vm8  }
0x59: {  	v10 =	vsel vm9, v32, v10;
	v9 =	vsel vm7, v12, v9  }
0x5a: {  	v34 =	vor.u32 $0x1, v13;
	vm7 =	vlt.u32 v11, v8;
	v12 =	vxor.u32 v9, v10  }
0x5b: {  	v14 =	vand.u32 v9, v10;
	vm8 =	vge.s32 v33, v1;
	vm14 =	vlt.s32 v33, v1  }
0x5c: {  	v12 =	vshrl.u32 v12, $0x1;
	vm9 =	vmand vm14, vm7;
	vm7 =	vmand vm7, vm8  }
0x5d: {  	v12 =	vadd.s32 v12, v14;
	v11 =	vsel vm9, v34, v11;
	v8 =	vsel vm7, v13, v8  }
0x5e: {  	v13 =	vxor.u32 v8, v11  }
0x5f: {  	v36 =	vand.u32 v8, v11;
	v13 =	vshrl.u32 v13, $0x1  }
0x60: {  	v13 =	vadd.s32 v13, v36;
	_ =	sdelay $0x1  }
0x61: {  	v35 =	vld.idx.msk [tilespmem:v12+s4+$0x0], $0xffff;
	_ =	sdelay $0x2  }
0x62: {  	v15 =	vld.idx.msk [tilespmem:v13+s4+$0x0], $0xffff  }
0x63: {  	vm7 =	vlt.u32 v10, v9  }
0x64: {  	v37 =	vadd.s32 $0x1, v12;
	vm8 =	vge.s32 v35, v0;
	vm15 =	vlt.s32 v35, v0  }
0x65: {  	v38 =	vadd.s32 $0x1, v13;
	vm9 =	vmand vm15, vm7;
	vm7 =	vmand vm7, vm8  }
0x66: {  	v10 =	vsel vm9, v37, v10;
	v9 =	vsel vm7, v12, v9;
	vm7 =	vlt.u32 v11, v8  }
0x67: {  	v12 =	vadd.s32 v9, v10;
	vm8 =	vge.s32 v15, v1;
	vm12 =	vlt.s32 v15, v1  }
0x68: {  	v12 =	vshrl.u32 v12, $0x1;
	vm9 =	vmand vm12, vm7;
	vm7 =	vmand vm7, vm8  }
0x69: {  	v11 =	vsel vm9, v38, v11;
	v8 =	vsel vm7, v13, v8  }
0x6a: {  	v14 =	vadd.s32 v8, v11  }
0x6b: {  	v14 =	vshrl.u32 v14, $0x1;
	_ =	sdelay $0x1  }
0x6c: {  	v39 =	vld.idx.msk [tilespmem:v12+s4+$0x0], $0xffff;
	_ =	sdelay $0x2  }
0x6d: {  	v41 =	vld.idx.msk [tilespmem:v14+s4+$0x0], $0xffff  }
0x6e: {  	vm7 =	vlt.u32 v10, v9  }
0x6f: {  	v40 =	vadd.s32 $0x1, v12;
	vm8 =	vge.s32 v39, v0;
	vm13 =	vlt.s32 v39, v0  }
0x70: {  	v42 =	vadd.s32 $0x1, v14;
	vm9 =	vmand vm13, vm7;
	vm7 =	vmand vm7, vm8  }
0x71: {  	v10 =	vsel vm9, v40, v10;
	v9 =	vsel vm7, v12, v9;
	vm7 =	vlt.u32 v11, v8  }
0x72: {  	v12 =	vadd.s32 v9, v10;
	vm8 =	vge.s32 v41, v1;
	vm14 =	vlt.s32 v41, v1  }
0x73: {  	v12 =	vshrl.u32 v12, $0x1;
	vm9 =	vmand vm14, vm7;
	vm7 =	vmand vm7, vm8  }
0x74: {  	v11 =	vsel vm9, v42, v11;
	v8 =	vsel vm7, v14, v8  }
0x75: {  	v14 =	vadd.s32 v8, v11  }
0x76: {  	v14 =	vshrl.u32 v14, $0x1;
	_ =	sdelay $0x1  }
0x77: {  	v43 =	vld.idx.msk [tilespmem:v12+s4+$0x0], $0xffff;
	_ =	sdelay $0x2  }
0x78: {  	v45 =	vld.idx.msk [tilespmem:v14+s4+$0x0], $0xffff  }
0x79: {  	vm7 =	vlt.u32 v10, v9  }
0x7a: {  	v44 =	vadd.s32 $0x1, v12;
	vm8 =	vge.s32 v43, v0;
	vm15 =	vlt.s32 v43, v0  }
0x7b: {  	v16 =	vadd.s32 $0x1, v14;
	vm9 =	vmand vm15, vm7;
	vm7 =	vmand vm7, vm8  }
0x7c: {  	v10 =	vsel vm9, v44, v10;
	v9 =	vsel vm7, v12, v9;
	vm7 =	vlt.u32 v11, v8  }
0x7d: {  	v12 =	vadd.s32 v9, v10;
	vm8 =	vge.s32 v45, v1;
	vm12 =	vlt.s32 v45, v1  }
0x7e: {  	v12 =	vshrl.u32 v12, $0x1;
	vm9 =	vmand vm12, vm7;
	vm7 =	vmand vm7, vm8  }
0x7f: {  	v11 =	vsel vm9, v16, v11;
	v8 =	vsel vm7, v14, v8  }
0x80: {  	v14 =	vadd.s32 v8, v11  }
0x81: {  	v14 =	vshrl.u32 v14, $0x1;
	_ =	sdelay $0x1  }
0x82: {  	v17 =	vld.idx.msk [tilespmem:v12+s4+$0x0], $0xffff;
	_ =	sdelay $0x2  }
0x83: {  	v19 =	vld.idx.msk [tilespmem:v14+s4+$0x0], $0xffff  }
0x84: {  	vm7 =	vlt.u32 v10, v9  }
0x85: {  	v18 =	vadd.s32 $0x1, v12;
	vm8 =	vge.s32 v17, v0;
	vm13 =	vlt.s32 v17, v0  }
0x86: {  	v20 =	vadd.s32 $0x1, v14;
	vm9 =	vmand vm13, vm7;
	vm7 =	vmand vm7, vm8  }
0x87: {  	v10 =	vsel vm9, v18, v10;
	v9 =	vsel vm7, v12, v9;
	vm7 =	vlt.u32 v11, v8  }
0x88: {  	v12 =	vadd.s32 v9, v10;
	vm8 =	vge.s32 v19, v1;
	vm14 =	vlt.s32 v19, v1  }
0x89: {  	v12 =	vshrl.u32 v12, $0x1;
	vm9 =	vmand vm14, vm7;
	vm7 =	vmand vm7, vm8  }
0x8a: {  	v11 =	vsel vm9, v20, v11;
	v8 =	vsel vm7, v14, v8  }
0x8b: {  	v14 =	vadd.s32 v8, v11  }
0x8c: {  	v14 =	vshrl.u32 v14, $0x1;
	_ =	sdelay $0x1  }
0x8d: {  	v21 =	vld.idx.msk [tilespmem:v12+s4+$0x0], $0xffff;
	_ =	sdelay $0x2  }
0x8e: {  	v23 =	vld.idx.msk [tilespmem:v14+s4+$0x0], $0xffff  }
0x8f: {  	vm7 =	vlt.u32 v10, v9  }
0x90: {  	v22 =	vadd.s32 $0x1, v12;
	vm8 =	vge.s32 v21, v0;
	vm15 =	vlt.s32 v21, v0  }
0x91: {  	v24 =	vadd.s32 $0x1, v14;
	vm9 =	vmand vm15, vm7;
	vm7 =	vmand vm7, vm8  }
0x92: {  	v10 =	vsel vm9, v22, v10;
	v9 =	vsel vm7, v12, v9;
	vm7 =	vlt.u32 v11, v8  }
0x93: {  	v12 =	vadd.s32 v9, v10;
	vm8 =	vge.s32 v23, v1;
	vm12 =	vlt.s32 v23, v1  }
0x94: {  	v12 =	vshrl.u32 v12, $0x1;
	vm9 =	vmand vm12, vm7;
	vm7 =	vmand vm7, vm8  }
0x95: {  	v11 =	vsel vm9, v24, v11;
	v8 =	vsel vm7, v14, v8  }
0x96: {  	v14 =	vadd.s32 v8, v11  }
0x97: {  	v14 =	vshrl.u32 v14, $0x1;
	_ =	sdelay $0x1  }
0x98: {  	v25 =	vld.idx.msk [tilespmem:v12+s4+$0x0], $0xffff;
	_ =	sdelay $0x2  }
0x99: {  	v27 =	vld.idx.msk [tilespmem:v14+s4+$0x0], $0xffff  }
0x9a: {  	vm7 =	vlt.u32 v10, v9  }
0x9b: {  	v26 =	vadd.s32 $0x1, v12;
	vm8 =	vge.s32 v25, v0;
	vm13 =	vlt.s32 v25, v0  }
0x9c: {  	v29 =	vadd.s32 $0x1, v14;
	vm9 =	vmand vm13, vm7;
	vm7 =	vmand vm7, vm8  }
0x9d: {  	v10 =	vsel vm9, v26, v10;
	v9 =	vsel vm7, v12, v9;
	vm7 =	vlt.u32 v11, v8  }
0x9e: {  	v12 =	vadd.s32 v9, v10;
	vm8 =	vge.s32 v27, v1;
	vm14 =	vlt.s32 v27, v1  }
0x9f: {  	v12 =	vshrl.u32 v12, $0x1;
	vm9 =	vmand vm14, vm7;
	vm7 =	vmand vm7, vm8  }
0xa0: {  	v28 =	vmin.u32 v12, $0x31F;
	v11 =	vsel vm9, v29, v11;
	v8 =	vsel vm7, v14, v8  }
0xa1: {  	v14 =	vadd.s32 v8, v11  }
0xa2: {  	v14 =	vshrl.u32 v14, $0x1  }
0xa3: {  	v30 =	vmin.u32 v14, $0x31F;
	_ =	sdelay $0x1  }
0xa4: {  	v13 =	vld.idx.msk [tilespmem:v28+s4+$0x0], $0xffff;
	_ =	sdelay $0x2  }
0xa5: {  	v15 =	vld.idx.msk [tilespmem:v30+s4+$0x0], $0xffff;
	_ =	sdelay $0x1  }
0xa6: {  	vm7 =	vlt.u32 v10, v9;
	vm8 =	vge.s32 v13, v0;
	vm15 =	vlt.s32 v13, v0  }
0xa7: {  	v31 =	vadd.s32 $0x1, v12;
	vm9 =	vmand vm15, vm7;
	vm7 =	vmand vm7, vm8  }
0xa8: {  	v32 =	vadd.s32 $0x1, v14;
	v10 =	vsel vm9, v31, v10;
	v9 =	vsel vm7, v12, v9  }
0xa9: {  	vm7 =	vlt.u32 v11, v8;
	vm8 =	vge.s32 v15, v1;
	vm12 =	vlt.s32 v15, v1  }
0xaa: {  	v12 =	vadd.s32 v9, v10;
	vm9 =	vmand vm12, vm7;
	vm7 =	vmand vm7, vm8  }
0xab: {  	v12 =	vshrl.u32 v12, $0x1;
	v11 =	vsel vm9, v32, v11;
	v33 =	vsel vm7, v14, v8  }
0xac: {  	v8 =	vmin.u32 v12, $0x31F;
	v14 =	vadd.s32 v33, v11  }
0xad: {  	v14 =	vshrl.u32 v14, $0x1  }
0xae: {  	v34 =	vmin.u32 v14, $0x31F;
	_ =	sdelay $0x2  }
0xaf: {  	v8 =	vld.idx.msk [tilespmem:v8+s4+$0x0], $0xffff;
	_ =	sdelay $0x1  }
0xb0: {  	v15 =	vld.idx.msk [tilespmem:v34+s4+$0x0], $0xffff;
	_ =	sdelay $0x2  }
0xb1: {  	vm7 =	vlt.u32 v10, v9;
	vm8 =	vlt.s32 v8, v0  }
0xb2: {  	v8 =	vadd.s32 $0x1, v12;
	vm7 =	vmand vm8, vm7  }
0xb3: {  	v8 =	vsel vm7, v8, v10;
	vm7 =	vlt.u32 v11, v33;
	vm8 =	vlt.s32 v15, v1  }
0xb4: {  	v35 =	vadd.s32 $0x1, v14;
	v10 =	vmax.u32 v8, $0x1;
	vm7 =	vmand vm8, vm7  }
0xb5: {  	v10 =	vmin.u32 v10, $0x30E;
	v9 =	vsel vm7, v35, v11  }
0xb6: {  	v10 =	vshll.u32 v10, $0x7;
	v11 =	vmax.u32 v9, $0x1  }
0xb7: {  	v10 =	vmin.u32 v10, $0x186A0;
	v11 =	vmin.u32 v11, $0x30E  }
0xb8: {  	v10 =	vadd.s32 $0xFFFFFF80, v10;
	v11 =	vshll.u32 v11, $0x7  }
0xb9: {  	v36 =	vshrl.u32 v10, $0x3;
	v11 =	vmin.u32 v11, $0x186A0  }
0xba: {  	v12 =	vadd.s32 s1, v36;
	v11 =	vadd.s32 $0xFFFFFF80, v11  }
0xbb: {  	(v2sf) =	vpush v12, $0x0;
	v37 =	vshrl.u32 v11, $0x3  }
0xbc: {  	v13 =	vadd.s32 s1, v37  }
0xbd: {  	(v2sf) =	vpush v13, $0x0;
	_ =	sdelay $0x1  }
0xbe: {  	(v2sf) =	vpush v12, $0x1;
	_ =	sdelay $0x1  }
0xbf: {  	(v2sf) =	vpush v13, $0x1;
	_ =	sdelay $0x1  }
0xc0: {  	(v2sf) =	vpush v12, $0x2;
	_ =	sdelay $0x1  }
0xc1: {  	(v2sf) =	vpush v13, $0x2;
	_ =	sdelay $0x1  }
0xc2: {  	(v2sf) =	vpush v12, $0x3;
	_ =	sdelay $0x1  }
0xc3: {  	(v2sf) =	vpush v13, $0x3  }
0xc4: {  	s25 =	spop (v2sf)  }
0xc5: {  	(v2sf) =	vpush v12, $0x4;
	[tilespmem:s7], [sflag:$0x1] =	stream.linear.gather [hbm4b:s25+s4], $0x80, $0x38;
	[tilespmem:$0x1880] =	vst v63  }
0xc6: {  	s28 =	rddreg [dreg:$0x7];
	s26 =	spop (v2sf)  }
0xc7: {  	(v2sf) =	vpush v13, $0x4;
	[tilespmem:s8], [sflag:$0x2] =	stream.linear.gather [hbm4b:s26+s4], $0x80, $0x38;
	[tilespmem:$0x1880] =	vst v63  }
0xc8: {  	s16 =	rddreg [dreg:$0x8];
	s29 =	spop (v2sf)  }
0xc9: {  	(v2sf) =	vpush v12, $0x5;
	[tilespmem:s28], [sflag:$0x1] =	stream.linear.gather [hbm4b:s29+s4], $0x80, $0x38;
	[tilespmem:$0x1880] =	vst v63  }
0xca: {  	s31 =	rddreg [dreg:$0x9];
	s30 =	spop (v2sf)  }
0xcb: {  	(v2sf) =	vpush v13, $0x5;
	[tilespmem:s16], [sflag:$0x2] =	stream.linear.gather [hbm4b:s30+s4], $0x80, $0x38;
	[tilespmem:$0x1880] =	vst v63  }
0xcc: {  	s18 =	rddreg [dreg:$0xa];
	s17 =	spop (v2sf)  }
0xcd: {  	(v2sf) =	vpush v12, $0x6;
	[tilespmem:s31], [sflag:$0x1] =	stream.linear.gather [hbm4b:s17+s4], $0x80, $0x38;
	[tilespmem:$0x1880] =	vst v63  }
0xce: {  	s20 =	rddreg [dreg:$0xb];
	s19 =	spop (v2sf)  }
0xcf: {  	(v2sf) =	vpush v13, $0x6;
	[tilespmem:s18], [sflag:$0x2] =	stream.linear.gather [hbm4b:s19+s4], $0x80, $0x38;
	[tilespmem:$0x1880] =	vst v63  }
0xd0: {  	s22 =	rddreg [dreg:$0xc];
	s21 =	spop (v2sf)  }
0xd1: {  	(v2sf) =	vpush v12, $0x7;
	[tilespmem:s20], [sflag:$0x1] =	stream.linear.gather [hbm4b:s21+s4], $0x80, $0x38;
	[tilespmem:$0x1880] =	vst v63  }
0xd2: {  	s24 =	rddreg [dreg:$0xd];
	s23 =	spop (v2sf)  }
0xd3: {  	(v2sf) =	vpush v13, $0x7;
	[tilespmem:s22], [sflag:$0x2] =	stream.linear.gather [hbm4b:s23+s4], $0x80, $0x38;
	[tilespmem:$0x1880] =	vst v63  }
0xd4: {  	s26 =	rddreg [dreg:$0xe];
	s25 =	spop (v2sf)  }
0xd5: {  	(v2sf) =	vpush v12, $0x8;
	[tilespmem:s24], [sflag:$0x1] =	stream.linear.gather [hbm4b:s25+s4], $0x80, $0x38;
	[tilespmem:$0x1880] =	vst v63  }
0xd6: {  	s29 =	rddreg [dreg:$0xf];
	s28 =	spop (v2sf)  }
0xd7: {  	(v2sf) =	vpush v13, $0x8;
	[tilespmem:s26], [sflag:$0x2] =	stream.linear.gather [hbm4b:s28+s4], $0x80, $0x38;
	[tilespmem:$0x1880] =	vst v63  }
0xd8: {  	s31 =	rddreg [dreg:$0x10];
	s30 =	spop (v2sf)  }
0xd9: {  	(v2sf) =	vpush v12, $0x9;
	[tilespmem:s29], [sflag:$0x1] =	stream.linear.gather [hbm4b:s30+s4], $0x80, $0x38;
	[tilespmem:$0x1880] =	vst v63  }
0xda: {  	s18 =	rddreg [dreg:$0x11];
	s17 =	spop (v2sf)  }
0xdb: {  	(v2sf) =	vpush v13, $0x9;
	[tilespmem:s31], [sflag:$0x2] =	stream.linear.gather [hbm4b:s17+s4], $0x80, $0x38;
	[tilespmem:$0x1880] =	vst v63  }
0xdc: {  	s20 =	rddreg [dreg:$0x12];
	s19 =	spop (v2sf)  }
0xdd: {  	(v2sf) =	vpush v12, $0xA;
	[tilespmem:s18], [sflag:$0x1] =	stream.linear.gather [hbm4b:s19+s4], $0x80, $0x38;
	[tilespmem:$0x1880] =	vst v63  }
0xde: {  	s22 =	rddreg [dreg:$0x13];
	s21 =	spop (v2sf)  }
0xdf: {  	(v2sf) =	vpush v13, $0xA;
	[tilespmem:s20], [sflag:$0x2] =	stream.linear.gather [hbm4b:s21+s4], $0x80, $0x38;
	[tilespmem:$0x1880] =	vst v63  }
0xe0: {  	s24 =	rddreg [dreg:$0x14];
	s23 =	spop (v2sf)  }
0xe1: {  	(v2sf) =	vpush v12, $0xB;
	[tilespmem:s22], [sflag:$0x1] =	stream.linear.gather [hbm4b:s23+s4], $0x80, $0x38;
	[tilespmem:$0x1880] =	vst v63  }
0xe2: {  	s26 =	rddreg [dreg:$0x15];
	s25 =	spop (v2sf)  }
0xe3: {  	(v2sf) =	vpush v13, $0xB;
	[tilespmem:s24], [sflag:$0x2] =	stream.linear.gather [hbm4b:s25+s4], $0x80, $0x38;
	[tilespmem:$0x1880] =	vst v63  }
0xe4: {  	s29 =	rddreg [dreg:$0x16];
	s28 =	spop (v2sf)  }
0xe5: {  	(v2sf) =	vpush v12, $0xC;
	[tilespmem:s26], [sflag:$0x1] =	stream.linear.gather [hbm4b:s28+s4], $0x80, $0x38;
	[tilespmem:$0x1880] =	vst v63  }
0xe6: {  	s31 =	rddreg [dreg:$0x17];
	s30 =	spop (v2sf)  }
0xe7: {  	(v2sf) =	vpush v13, $0xC;
	[tilespmem:s29], [sflag:$0x2] =	stream.linear.gather [hbm4b:s30+s4], $0x80, $0x38;
	[tilespmem:$0x1880] =	vst v63  }
0xe8: {  	s18 =	rddreg [dreg:$0x18];
	s17 =	spop (v2sf)  }
0xe9: {  	(v2sf) =	vpush v12, $0xD;
	[tilespmem:s31], [sflag:$0x1] =	stream.linear.gather [hbm4b:s17+s4], $0x80, $0x38;
	[tilespmem:$0x1880] =	vst v63  }
0xea: {  	s20 =	rddreg [dreg:$0x19];
	s19 =	spop (v2sf)  }
0xeb: {  	(v2sf) =	vpush v13, $0xD;
	[tilespmem:s18], [sflag:$0x2] =	stream.linear.gather [hbm4b:s19+s4], $0x80, $0x38;
	[tilespmem:$0x1880] =	vst v63  }
0xec: {  	s22 =	rddreg [dreg:$0x1a];
	s21 =	spop (v2sf)  }
0xed: {  	(v2sf) =	vpush v12, $0xE;
	[tilespmem:s20], [sflag:$0x1] =	stream.linear.gather [hbm4b:s21+s4], $0x80, $0x38;
	[tilespmem:$0x1880] =	vst v63  }
0xee: {  	s24 =	rddreg [dreg:$0x1b];
	s23 =	spop (v2sf)  }
0xef: {  	(v2sf) =	vpush v13, $0xE;
	[tilespmem:s22], [sflag:$0x2] =	stream.linear.gather [hbm4b:s23+s4], $0x80, $0x38;
	[tilespmem:$0x1880] =	vst v63  }
0xf0: {  	s26 =	rddreg [dreg:$0x1c];
	s25 =	spop (v2sf)  }
0xf1: {  	(v2sf) =	vpush v12, $0xF;
	[tilespmem:s24], [sflag:$0x1] =	stream.linear.gather [hbm4b:s25+s4], $0x80, $0x38;
	[tilespmem:$0x1880] =	vst v63  }
0xf2: {  	s29 =	rddreg [dreg:$0x1d];
	s28 =	spop (v2sf)  }
0xf3: {  	(v2sf) =	vpush v13, $0xF;
	[tilespmem:s26], [sflag:$0x2] =	stream.linear.gather [hbm4b:s28+s4], $0x80, $0x38;
	[tilespmem:$0x1880] =	vst v63  }
0xf4: {  	s31 =	rddreg [dreg:$0x1e];
	s30 =	spop (v2sf)  }
0xf5: {  	[tilespmem:s29], [sflag:$0x1] =	stream.linear.gather [hbm4b:s30+s4], $0x80, $0x38;
	[tilespmem:$0x1880] =	vst v63  }
0xf6: {  	s17 =	rddreg [dreg:$0x1f];
	s15 =	spop (v2sf)  }
0xf7: {  	[tilespmem:s31], [sflag:$0x2] =	stream.linear.gather [hbm4b:s15+s4], $0x80, $0x38;
	[tilespmem:$0x1880] =	vst v63  }
0xf8: {  	s19 =	sld [smem:$0x7F8];
	s18 =	spop (v2sf)  }
0xf9: {  	[tilespmem:s17], [sflag:$0x1] =	stream.linear.gather [hbm4b:s18+s4], $0x80, $0x38;
	[tilespmem:$0x1880] =	vst v63  }
0xfa: {  	s21 =	sld [smem:$0x7F9];
	s20 =	spop (v2sf)  }
0xfb: {  	[tilespmem:s19], [sflag:$0x2] =	stream.linear.gather [hbm4b:s20+s4], $0x80, $0x38;
	[tilespmem:$0x1880] =	vst v63  }
0xfc: {  	s23 =	sld [smem:$0x7FA];
	s22 =	spop (v2sf)  }
0xfd: {  	[tilespmem:s21], [sflag:$0x1] =	stream.linear.gather [hbm4b:s22+s4], $0x80, $0x38;
	[tilespmem:$0x1880] =	vst v63  }
0xfe: {  	s25 =	sld [smem:$0x7FB];
	s24 =	spop (v2sf)  }
0xff: {  	[tilespmem:s23], [sflag:$0x2] =	stream.linear.gather [hbm4b:s24+s4], $0x80, $0x38;
	[tilespmem:$0x1880] =	vst v63  }
0x100: {  	s28 =	sld [smem:$0x7FC];
	s26 =	spop (v2sf)  }
0x101: {  	[tilespmem:s25], [sflag:$0x1] =	stream.linear.gather [hbm4b:s26+s4], $0x80, $0x38;
	[tilespmem:$0x1880] =	vst v63  }
0x102: {  	s29 =	spop (v2sf)  }
0x103: {  	[tilespmem:s28], [sflag:$0x2] =	stream.linear.gather [hbm4b:s29+s4], $0x80, $0x38;
	[tilespmem:$0x1880] =	vst v63  }
0x104: {  	_ =	swait.ge [sflag:s9], $0x390  }
0x105: {  	[sflag:s9] =	ssyncset.done $0x0  }
0x106: {  	[sflag:s9] =	ssyncadd.s32 $0xFFFFFC70  }
0x107: {  	v13 =	vld [tilespmem:$0x320];
	_ =	sdelay $0x4  }
0x108: {  	v38 =	vsub.f32 $0.0e+00, v13;
	_ =	sdelay $0x1  }
0x109: {  	v12 =	vmul.f32 $1.442695020e+00, v38;
	_ =	sdelay $0x1  }
0x10a: {  	(erf) = vpow2.f32 v12;
	_ =	sdelay $0x3  }
0x10b: {  	v14 =	vld [tilespmem:$0x330];
	_ =	sdelay $0x4  }
0x10c: {  	v39 =	vsub.f32 $0.0e+00, v14;
	v12 =	vpop (erf)  }
0x10d: {  	v12 =	vadd.f32 $1.000000000e+00, v12  }
0x10e: {  	v15 =	vmul.f32 $1.442695020e+00, v39  }
0x10f: {  	(erf) = vrcp.f32 v12  }
0x110: {  	(erf) = vpow2.f32 v15;
	_ =	sdelay $0x3  }
0x111: {  	v15 =	vld [tilespmem:$0x340];
	_ =	sdelay $0x3  }
0x112: {  	v16 =	vpop (erf)  }
0x113: {  	v17 =	vsub.f32 $0.0e+00, v15;
	v40 =	vpop (erf)  }
0x114: {  	v12 =	vadd.f32 $1.000000000e+00, v40  }
0x115: {  	v17 =	vmul.f32 $1.442695020e+00, v17  }
0x116: {  	(erf) = vrcp.f32 v12  }
0x117: {  	(erf) = vpow2.f32 v17;
	_ =	sdelay $0x3  }
0x118: {  	v17 =	vld [tilespmem:$0x350];
	_ =	sdelay $0x3  }
0x119: {  	v18 =	vpop (erf)  }
0x11a: {  	v19 =	vsub.f32 $0.0e+00, v17;
	v41 =	vpop (erf)  }
0x11b: {  	v12 =	vadd.f32 $1.000000000e+00, v41  }
0x11c: {  	v44 =	vld [tilespmem:$0x1FD70];
	v19 =	vmul.f32 $1.442695020e+00, v19  }
0x11d: {  	v24 =	vld [tilespmem:$0x1FD80];
	(erf) = vrcp.f32 v12  }
0x11e: {  	v25 =	vld [tilespmem:$0x1FD90];
	(erf) = vpow2.f32 v19  }
0x11f: {  	v26 =	vld [tilespmem:$0x1FDA0]  }
0x120: {  	v27 =	vld [tilespmem:$0x1FDB0]  }
0x121: {  	v29 =	vld [tilespmem:$0x1FDC0]  }
0x122: {  	v19 =	vld [tilespmem:$0x360]  }
0x123: {  	v32 =	vld [tilespmem:$0x1FDD0]  }
0x124: {  	v33 =	vld [tilespmem:$0x1FDE0]  }
0x125: {  	v34 =	vld [tilespmem:$0x1FDF0]  }
0x126: {  	v35 =	vld [tilespmem:$0x1FE20];
	v20 =	vpop (erf)  }
0x127: {  	v36 =	vld [tilespmem:$0x1FE30];
	v21 =	vsub.f32 $0.0e+00, v19;
	v42 =	vpop (erf)  }
0x128: {  	v37 =	vld [tilespmem:$0x390];
	v12 =	vadd.f32 $1.000000000e+00, v42  }
0x129: {  	v45 =	vld.idx.msk [tilespmem:v44+s4+$0x0], $0xffff;
	v21 =	vmul.f32 $1.442695020e+00, v21  }
0x12a: {  	v24 =	vld.idx.msk [tilespmem:v24+s4+$0x0], $0xffff;
	(erf) = vrcp.f32 v12  }
0x12b: {  	v25 =	vld.idx.msk [tilespmem:v25+s4+$0x0], $0xffff;
	(erf) = vpow2.f32 v21  }
0x12c: {  	v26 =	vld.idx.msk [tilespmem:v26+s4+$0x0], $0xffff  }
0x12d: {  	v27 =	vld.idx.msk [tilespmem:v27+s4+$0x0], $0xffff  }
0x12e: {  	v29 =	vld.idx.msk [tilespmem:v29+s4+$0x0], $0xffff  }
0x12f: {  	v21 =	vld [tilespmem:$0x370]  }
0x130: {  	v38 =	vld [tilespmem:$0x1FE40]  }
0x131: {  	v39 =	vld [tilespmem:$0x1FE60]  }
0x132: {  	v32 =	vld.idx.msk [tilespmem:v32+s4+$0x0], $0xffff  }
0x133: {  	v33 =	vld.idx.msk [tilespmem:v33+s4+$0x0], $0xffff;
	v22 =	vpop (erf)  }
0x134: {  	v34 =	vld.idx.msk [tilespmem:v34+s4+$0x0], $0xffff;
	v23 =	vsub.f32 $0.0e+00, v21;
	v43 =	vpop (erf)  }
0x135: {  	v44 =	vld [tilespmem:$0x1FE50];
	v12 =	vadd.f32 $1.000000000e+00, v43  }
0x136: {  	v35 =	vld.idx.msk [tilespmem:v35+s4+$0x0], $0xffff;
	v23 =	vmul.f32 $1.442695020e+00, v23  }
0x137: {  	v36 =	vld.idx.msk [tilespmem:v36+s4+$0x0], $0xffff;
	(erf) = vrcp.f32 v12  }
0x138: {  	v38 =	vld.idx.msk [tilespmem:v38+s4+$0x0], $0xffff;
	v13 =	vmul.f32 v16, v13;
	(erf) = vpow2.f32 v23  }
0x139: {  	v39 =	vld.idx.msk [tilespmem:v39+s4+$0x0], $0xffff  }
0x13a: {  	v14 =	vmul.f32 v18, v14;
	v23 =	vmul.f32 v45, v13;
	v45 =	vld [tilespmem:$0x1FE90]  }
0x13b: {  	v42 =	vld [tilespmem:$0x1FE00]  }
0x13c: {  	v32 =	vmul.f32 v32, v14;
	v12 =	vld [tilespmem:$0x380];
	v23 =	vadd.f32 $0.0e+00, v23  }
0x13d: {  	v16 =	vld.idx.msk [tilespmem:v44+s4+$0x0], $0xffff;
	v24 =	vmul.f32 v24, v13  }
0x13e: {  	v23 =	vadd.f32 v32, v23;
	v32 =	vld [tilespmem:$0x1FED0]  }
0x13f: {  	v40 =	vld [tilespmem:$0x1FE70];
	v24 =	vadd.f32 $0.0e+00, v24;
	v33 =	vmul.f32 v33, v14  }
0x140: {  	v43 =	vld [tilespmem:$0x1FE10];
	v28 =	vpop (erf)  }
0x141: {  	v24 =	vadd.f32 v33, v24;
	v33 =	vld [tilespmem:$0x1FEE0];
	v31 =	vsub.f32 $0.0e+00, v12;
	v30 =	vpop (erf)  }
0x142: {  	v18 =	vld.idx.msk [tilespmem:v45+s4+$0x0], $0xffff;
	v30 =	vadd.f32 $1.000000000e+00, v30  }
0x143: {  	v31 =	vmul.f32 $1.442695020e+00, v31;
	v45 =	vld [tilespmem:$0x1FEA0]  }
0x144: {  	v25 =	vmul.f32 v25, v13;
	(erf) = vrcp.f32 v30;
	v30 =	vld.idx.msk [tilespmem:v42+s4+$0x0], $0xffff  }
0x145: {  	v26 =	vmul.f32 v26, v13;
	v42 =	vld [tilespmem:$0x1FE80];
	(erf) = vpow2.f32 v31  }
0x146: {  	v27 =	vmul.f32 v27, v13;
	v13 =	vmul.f32 v29, v13;
	v29 =	vld.idx.msk [tilespmem:v32+s4+$0x0], $0xffff  }
0x147: {  	v32 =	vmul.f32 v34, v14;
	v34 =	vld [tilespmem:$0x1FEF0]  }
0x148: {  	v31 =	vld.idx.msk [tilespmem:v43+s4+$0x0], $0xffff  }
0x149: {  	v25 =	vadd.f32 $0.0e+00, v25;
	v40 =	vld.idx.msk [tilespmem:v40+s4+$0x0], $0xffff  }
0x14a: {  	v26 =	vadd.f32 $0.0e+00, v26;
	v33 =	vld.idx.msk [tilespmem:v33+s4+$0x0], $0xffff  }
0x14b: {  	v15 =	vmul.f32 v20, v15;
	v25 =	vadd.f32 v32, v25;
	v32 =	vld [tilespmem:$0x1FF00];
	v30 =	vmul.f32 v30, v14  }
0x14c: {  	v45 =	vld.idx.msk [tilespmem:v45+s4+$0x0], $0xffff  }
0x14d: {  	v31 =	vmul.f32 v31, v14;
	v26 =	vadd.f32 v30, v26;
	v30 =	vmul.f32 v36, v15;
	v36 =	vld [tilespmem:$0x1FF10];
	v41 =	vpop (erf)  }
0x14e: {  	v14 =	vmul.f32 v35, v14;
	v35 =	vmul.f32 v40, v15;
	v40 =	vld [tilespmem:$0x1FF30];
	v43 =	vpop (erf)  }
0x14f: {  	v42 =	vld.idx.msk [tilespmem:v42+s4+$0x0], $0xffff;
	v43 =	vadd.f32 $1.000000000e+00, v43  }
0x150: {  	v44 =	vsub.f32 $0.0e+00, v37;
	v20 =	vld.idx.msk [tilespmem:v34+s4+$0x0], $0xffff  }
0x151: {  	v13 =	vadd.f32 $0.0e+00, v13;
	(erf) = vrcp.f32 v43;
	v43 =	vld [tilespmem:$0x1FEB0]  }
0x152: {  	v44 =	vmul.f32 $1.442695020e+00, v44;
	v23 =	vadd.f32 v30, v23;
	v30 =	vmul.f32 v39, v15;
	v39 =	vld [tilespmem:$0x1FF40]  }
0x153: {  	v27 =	vadd.f32 $0.0e+00, v27;
	v13 =	vadd.f32 v14, v13;
	v14 =	vmul.f32 v38, v15;
	v38 =	vld [tilespmem:$0x1FF20]  }
0x154: {  	(erf) = vpow2.f32 v44;
	v44 =	vld [tilespmem:$0x1FEC0]  }
0x155: {  	v27 =	vadd.f32 v31, v27;
	v31 =	vld.idx.msk [tilespmem:v36+s4+$0x0], $0xffff  }
0x156: {  	v36 =	vld.idx.msk [tilespmem:v40+s4+$0x0], $0xffff  }
0x157: {  	v40 =	vld [tilespmem:$0x1FF50]  }
0x158: {  	v32 =	vld.idx.msk [tilespmem:v32+s4+$0x0], $0xffff  }
0x159: {  	v43 =	vld.idx.msk [tilespmem:v43+s4+$0x0], $0xffff  }
0x15a: {  	v17 =	vmul.f32 v22, v17;
	v22 =	vld.idx.msk [tilespmem:v39+s4+$0x0], $0xffff  }
0x15b: {  	v16 =	vmul.f32 v16, v15;
	v39 =	vld [tilespmem:$0x1FF90]  }
0x15c: {  	v14 =	vadd.f32 v14, v24;
	v21 =	vmul.f32 v41, v21;
	v41 =	vld [tilespmem:$0x1FFD0];
	v24 =	vpop (erf)  }
0x15d: {  	v16 =	vadd.f32 v16, v25;
	v15 =	vmul.f32 v42, v15;
	v44 =	vld.idx.msk [tilespmem:v44+s4+$0x0], $0xffff;
	v42 =	vpop (erf)  }
0x15e: {  	v25 =	vadd.f32 v30, v26;
	v30 =	vadd.f32 $1.000000000e+00, v42;
	v42 =	vmul.f32 v43, v17;
	v43 =	vld [tilespmem:$0x1FF70]  }
0x15f: {  	v26 =	vadd.f32 v35, v27;
	v27 =	vld.idx.msk [tilespmem:v40+s4+$0x0], $0xffff  }
0x160: {  	v19 =	vmul.f32 v28, v19;
	v35 =	vmul.f32 v45, v17;
	v40 =	vld [tilespmem:$0x1FF60]  }
0x161: {  	v18 =	vmul.f32 v18, v17;
	v29 =	vmul.f32 v29, v17;
	v45 =	vld [tilespmem:$0x1FF80]  }
0x162: {  	v14 =	vadd.f32 v35, v14;
	v13 =	vadd.f32 v15, v13;
	v34 =	vld.idx.msk [tilespmem:v38+s4+$0x0], $0xffff;
	v44 =	vmul.f32 v44, v17  }
0x163: {  	v17 =	vmul.f32 v33, v17;
	v33 =	vld.idx.msk [tilespmem:v39+s4+$0x0], $0xffff;
	v15 =	vadd.f32 v42, v16;
	v42 =	vmul.f32 v32, v19  }
0x164: {  	v39 =	vld [tilespmem:$0x1FFC0]  }
0x165: {  	v14 =	vadd.f32 v42, v14;
	v42 =	vld [tilespmem:$0x1FFE0]  }
0x166: {  	v28 =	vld.idx.msk [tilespmem:v43+s4+$0x0], $0xffff  }
0x167: {  	(erf) = vrcp.f32 v30;
	v43 =	vld [tilespmem:$0x1FFB0]  }
0x168: {  	v38 =	vld.idx.msk [tilespmem:v40+s4+$0x0], $0xffff  }
0x169: {  	v30 =	vld.idx.msk [tilespmem:v45+s4+$0x0], $0xffff  }
0x16a: {  	v40 =	vld [tilespmem:$0x1FFA0]  }
0x16b: {  	v45 =	vmul.f32 v34, v19;
	v34 =	vld.idx.msk [tilespmem:v48+s4+$0x0], $0xffff;
	v16 =	vadd.f32 v44, v25;
	v44 =	vmul.f32 v31, v19  }
0x16c: {  	v18 =	vadd.f32 v18, v23;
	v32 =	vld.idx.msk [tilespmem:v41+s4+$0x0], $0xffff  }
0x16d: {  	v20 =	vmul.f32 v20, v19;
	v15 =	vadd.f32 v44, v15;
	v44 =	vmul.f32 v38, v21;
	v38 =	vld [tilespmem:$0x1FFF0]  }
0x16e: {  	v31 =	vld.idx.msk [tilespmem:v39+s4+$0x0], $0xffff  }
0x16f: {  	v18 =	vadd.f32 v20, v18;
	v25 =	vadd.f32 v29, v26;
	v26 =	vld.idx.msk [tilespmem:v43+s4+$0x0], $0xffff  }
0x170: {  	v12 =	vmul.f32 v24, v12;
	v16 =	vadd.f32 v45, v16;
	v35 =	vmul.f32 v30, v21;
	v39 =	vpop (erf);
	v20 =	vld.idx.msk [tilespmem:v42+s4+$0x0], $0xffff  }
0x171: {  	v13 =	vadd.f32 v17, v13;
	v41 =	vmul.f32 v39, v37;
	v43 =	vmul.f32 v27, v21;
	v27 =	vld.idx.msk [tilespmem:v47+s4+$0x0], $0xffff  }
0x172: {  	v16 =	vadd.f32 v35, v16;
	v23 =	vld.idx.msk [tilespmem:v40+s4+$0x0], $0xffff;
	v40 =	vmul.f32 v36, v19;
	v19 =	vmul.f32 v22, v19  }
0x173: {  	v14 =	vadd.f32 v44, v14;
	v42 =	vld.idx.msk [tilespmem:v49+s4+$0x0], $0xffff;
	v45 =	vmul.f32 v28, v21;
	v36 =	vmul.f32 v33, v21  }
0x174: {  	v44 =	vld.idx.msk [tilespmem:v50+s4+$0x0], $0xffff;
	v17 =	vadd.f32 v40, v25;
	v18 =	vadd.f32 v43, v18;
	v40 =	vmul.f32 v26, v12  }
0x175: {  	v33 =	vmul.f32 v32, v12;
	v13 =	vadd.f32 v19, v13;
	v29 =	vld.idx.msk [tilespmem:v38+s4+$0x0], $0xffff;
	v43 =	vmul.f32 v31, v12  }
0x176: {  	v15 =	vadd.f32 v45, v15;
	v45 =	vld.idx.msk [tilespmem:v46+s4+$0x0], $0xffff;
	v27 =	vmul.f32 v27, v41;
	v18 =	vadd.f32 v40, v18  }
0x177: {  	v24 =	vmul.f32 v34, v41;
	v34 =	vld.idx.msk [tilespmem:v51+s4+$0x0], $0xffff;
	v17 =	vadd.f32 v36, v17;
	v14 =	vadd.f32 v43, v14  }
0x178: {  	v35 =	vld.idx.msk [tilespmem:v52+s4+$0x0], $0xffff;
	v20 =	vmul.f32 v20, v12;
	v15 =	vadd.f32 v33, v15;
	v18 =	vadd.f32 v27, v18  }
0x179: {  	v36 =	vmul.f32 v42, v41;
	v21 =	vmul.f32 v23, v21;
	v14 =	vadd.f32 v24, v14  }
0x17a: {  	v38 =	vmul.f32 v44, v41;
	v16 =	vadd.f32 v20, v16;
	v37 =	vmul.f32 v29, v12;
	(xrf2) =	vadd.scan.msk.f32 $0xffff, v18  }
0x17b: {  	v15 =	vadd.f32 v36, v15;
	v13 =	vadd.f32 v21, v13;
	v12 =	vmul.f32 v45, v12;
	(xrf2) =	vadd.scan.msk.f32 $0xffff, v14  }
0x17c: {  	v16 =	vadd.f32 v38, v16;
	v40 =	vmul.f32 v34, v41;
	v39 =	vadd.f32 v37, v17  }
0x17d: {  	v41 =	vmul.f32 v35, v41;
	v12 =	vadd.f32 v12, v13;
	(xrf2) =	vadd.scan.msk.f32 $0xffff, v15  }
0x17e: {  	v14 =	vadd.f32 v40, v39;
	(xrf2) =	vadd.scan.msk.f32 $0xffff, v16  }
0x17f: {  	v12 =	vadd.f32 v41, v12  }
0x180: {  	(xrf2) =	vadd.scan.msk.f32 $0xffff, v14  }
0x181: {  	(xrf2) =	vadd.scan.msk.f32 $0xffff, v12  }
0x182: {  	v42 =	vld.idx.msk [tilespmem:v53+s4+$0x0], $0xffff;
	_ =	sdelay $0x1  }
0x183: {  	v43, _, _ =	vpop (xrf2)  }
0x184: {  	v44, _, _ =	vpop (xrf2);
	v13 =	vbroadcast v43, $0xF  }
0x185: {  	v14 =	vbroadcast v44, $0xF  }
0x186: {  	v45 =	vnsel vm0, $0x0, v42;
	v15, _, _ =	vpop (xrf2);
	v12 =	vadd.f32 v13, v42  }
0x187: {  	v19, _, _ =	vpop (xrf2);
	v15 =	vbroadcast v15, $0xF;
	v14 =	vadd.f32 v45, v14  }
0x188: {  	v13 =	vbroadcast v19, $0xF;
	v12 =	vsel vm1, v12, v45  }
0x189: {  	v20, _, _ =	vpop (xrf2);
	v21 =	vadd.f32 v45, v15;
	v12 =	vsel vm2, v12, v14  }
0x18a: {  	v22 =	vbroadcast v20, $0xF;
	v23, _, _ =	vpop (xrf2);
	v13 =	vadd.f32 v12, v13  }
0x18b: {  	v24 =	vbroadcast v23, $0xF;
	v12 =	vsel vm3, v12, v21  }
0x18c: {  	v13 =	vsel vm4, v12, v13;
	v12 =	vadd.f32 v12, v22  }
0x18d: {  	v14 =	vadd.f32 v13, v24  }
0x18e: {  	v12 =	vsel vm5, v13, v12  }
0x18f: {  	v12 =	vsel vm6, v12, v14  }
0x190: {  	[tilespmem:$0x1780] =	vst v12  }
0x191: {  	_ =	swait.ge [sflag:s10], $0x80  }
0x192: {  	[sflag:s10] =	ssyncset.done $0x0  }
0x193: {  	[sflag:s10] =	ssyncadd.s32 $0xFFFFFF80  }
0x194: {  	_ =	swait.ge [sflag:s11], $0x80  }
0x195: {  	[sflag:s11] =	ssyncset.done $0x0  }
0x196: {  	[sflag:s11] =	ssyncadd.s32 $0xFFFFFF80  }
0x197: {  	_ =	swait.ge [sflag:s10], $0x80  }
0x198: {  	[sflag:s10] =	ssyncset.done $0x0  }
0x199: {  	[sflag:s10] =	ssyncadd.s32 $0xFFFFFF80  }
0x19a: {  	_ =	swait.ge [sflag:s11], $0x80  }
0x19b: {  	[sflag:s11] =	ssyncset.done $0x0  }
0x19c: {  	[sflag:s11] =	ssyncadd.s32 $0xFFFFFF80  }
0x19d: {  	_ =	swait.ge [sflag:s10], $0x80  }
0x19e: {  	[sflag:s10] =	ssyncset.done $0x0  }
0x19f: {  	[sflag:s10] =	ssyncadd.s32 $0xFFFFFF80  }
0x1a0: {  	_ =	swait.ge [sflag:s11], $0x80  }
0x1a1: {  	[sflag:s11] =	ssyncset.done $0x0  }
0x1a2: {  	[sflag:s11] =	ssyncadd.s32 $0xFFFFFF80  }
0x1a3: {  	_ =	swait.ge [sflag:s10], $0x80  }
0x1a4: {  	[sflag:s10] =	ssyncset.done $0x0  }
0x1a5: {  	[sflag:s10] =	ssyncadd.s32 $0xFFFFFF80  }
0x1a6: {  	_ =	swait.ge [sflag:s11], $0x80  }
0x1a7: {  	[sflag:s11] =	ssyncset.done $0x0  }
0x1a8: {  	[sflag:s11] =	ssyncadd.s32 $0xFFFFFF80  }
0x1a9: {  	_ =	swait.ge [sflag:s10], $0x80  }
0x1aa: {  	[sflag:s10] =	ssyncset.done $0x0  }
0x1ab: {  	[sflag:s10] =	ssyncadd.s32 $0xFFFFFF80  }
0x1ac: {  	_ =	swait.ge [sflag:s11], $0x80  }
0x1ad: {  	[sflag:s11] =	ssyncset.done $0x0  }
0x1ae: {  	[sflag:s11] =	ssyncadd.s32 $0xFFFFFF80  }
0x1af: {  	_ =	swait.ge [sflag:s10], $0x80  }
0x1b0: {  	[sflag:s10] =	ssyncset.done $0x0  }
0x1b1: {  	[sflag:s10] =	ssyncadd.s32 $0xFFFFFF80  }
0x1b2: {  	_ =	swait.ge [sflag:s11], $0x80  }
0x1b3: {  	[sflag:s11] =	ssyncset.done $0x0  }
0x1b4: {  	[sflag:s11] =	ssyncadd.s32 $0xFFFFFF80  }
0x1b5: {  	_ =	swait.ge [sflag:s10], $0x80  }
0x1b6: {  	[sflag:s10] =	ssyncset.done $0x0  }
0x1b7: {  	[sflag:s10] =	ssyncadd.s32 $0xFFFFFF80  }
0x1b8: {  	_ =	swait.ge [sflag:s11], $0x80  }
0x1b9: {  	[sflag:s11] =	ssyncset.done $0x0  }
0x1ba: {  	[sflag:s11] =	ssyncadd.s32 $0xFFFFFF80  }
0x1bb: {  	_ =	swait.ge [sflag:s10], $0x80  }
0x1bc: {  	[sflag:s10] =	ssyncset.done $0x0  }
0x1bd: {  	[sflag:s10] =	ssyncadd.s32 $0xFFFFFF80  }
0x1be: {  	_ =	swait.ge [sflag:s11], $0x80  }
0x1bf: {  	[sflag:s11] =	ssyncset.done $0x0  }
0x1c0: {  	[sflag:s11] =	ssyncadd.s32 $0xFFFFFF80  }
0x1c1: {  	_ =	swait.ge [sflag:s10], $0x80  }
0x1c2: {  	[sflag:s10] =	ssyncset.done $0x0  }
0x1c3: {  	[sflag:s10] =	ssyncadd.s32 $0xFFFFFF80  }
0x1c4: {  	_ =	swait.ge [sflag:s11], $0x80  }
0x1c5: {  	[sflag:s11] =	ssyncset.done $0x0  }
0x1c6: {  	[sflag:s11] =	ssyncadd.s32 $0xFFFFFF80  }
0x1c7: {  	_ =	swait.ge [sflag:s10], $0x80  }
0x1c8: {  	[sflag:s10] =	ssyncset.done $0x0  }
0x1c9: {  	[sflag:s10] =	ssyncadd.s32 $0xFFFFFF80  }
0x1ca: {  	_ =	swait.ge [sflag:s11], $0x80  }
0x1cb: {  	[sflag:s11] =	ssyncset.done $0x0  }
0x1cc: {  	[sflag:s11] =	ssyncadd.s32 $0xFFFFFF80  }
0x1cd: {  	_ =	swait.ge [sflag:s10], $0x80  }
0x1ce: {  	[sflag:s10] =	ssyncset.done $0x0  }
0x1cf: {  	[sflag:s10] =	ssyncadd.s32 $0xFFFFFF80  }
0x1d0: {  	_ =	swait.ge [sflag:s11], $0x80  }
0x1d1: {  	[sflag:s11] =	ssyncset.done $0x0  }
0x1d2: {  	[sflag:s11] =	ssyncadd.s32 $0xFFFFFF80  }
0x1d3: {  	_ =	swait.ge [sflag:s10], $0x80  }
0x1d4: {  	[sflag:s10] =	ssyncset.done $0x0  }
0x1d5: {  	[sflag:s10] =	ssyncadd.s32 $0xFFFFFF80  }
0x1d6: {  	_ =	swait.ge [sflag:s11], $0x80  }
0x1d7: {  	[sflag:s11] =	ssyncset.done $0x0  }
0x1d8: {  	[sflag:s11] =	ssyncadd.s32 $0xFFFFFF80  }
0x1d9: {  	_ =	swait.ge [sflag:s10], $0x80  }
0x1da: {  	[sflag:s10] =	ssyncset.done $0x0  }
0x1db: {  	[sflag:s10] =	ssyncadd.s32 $0xFFFFFF80  }
0x1dc: {  	_ =	swait.ge [sflag:s11], $0x80  }
0x1dd: {  	[sflag:s11] =	ssyncset.done $0x0  }
0x1de: {  	[sflag:s11] =	ssyncadd.s32 $0xFFFFFF80  }
0x1df: {  	_ =	swait.ge [sflag:s10], $0x80  }
0x1e0: {  	[sflag:s10] =	ssyncset.done $0x0  }
0x1e1: {  	[sflag:s10] =	ssyncadd.s32 $0xFFFFFF80  }
0x1e2: {  	_ =	swait.ge [sflag:s11], $0x80  }
0x1e3: {  	[sflag:s11] =	ssyncset.done $0x0  }
0x1e4: {  	[sflag:s11] =	ssyncadd.s32 $0xFFFFFF80  }
0x1e5: {  	_ =	swait.ge [sflag:s10], $0x80  }
0x1e6: {  	[sflag:s10] =	ssyncset.done $0x0  }
0x1e7: {  	[sflag:s10] =	ssyncadd.s32 $0xFFFFFF80  }
0x1e8: {  	_ =	swait.ge [sflag:s11], $0x80  }
0x1e9: {  	[sflag:s11] =	ssyncset.done $0x0  }
0x1ea: {  	[sflag:s11] =	ssyncadd.s32 $0xFFFFFF80  }
0x1eb: {  	_ =	swait.ge [sflag:s10], $0x80  }
0x1ec: {  	[sflag:s10] =	ssyncset.done $0x0  }
0x1ed: {  	[sflag:s10] =	ssyncadd.s32 $0xFFFFFF80  }
0x1ee: {  	_ =	swait.ge [sflag:s11], $0x80  }
0x1ef: {  	[sflag:s11] =	ssyncset.done $0x0  }
0x1f0: {  	[sflag:s11] =	ssyncadd.s32 $0xFFFFFF80  }
0x1f1: {  	v25 =	vld.idx.msk [tilespmem:v4+s7+$0x0], $0xffff  }
0x1f2: {  	v27 =	vld.idx.msk [tilespmem:v4+s8+$0x0], $0xffff;
	_ =	sdelay $0x3  }
0x1f3: {  	vm7 =	vlt.s32 v25, v0  }
0x1f4: {  	vm8 =	vlt.s32 v27, v1;
	v12 =	vsel vm7, $0x60, v6  }
0x1f5: {  	v14 =	vsel vm8, $0x60, v6;
	v26 =	vor.u32 v54, v12  }
0x1f6: {  	v28 =	vor.u32 v54, v14;
	_ =	sdelay $0x3  }
0x1f7: {  	v13 =	vld.idx.msk [tilespmem:v26+s7+$0x0], $0xffff  }
0x1f8: {  	v15 =	vld.idx.msk [tilespmem:v28+s8+$0x0], $0xffff;
	_ =	sdelay $0x2  }
0x1f9: {  	v29 =	vsel vm7, $0x80, v5;
	v30 =	vsel vm7, $0x41, v3;
	v32 =	vsel vm8, $0x80, v5  }
0x1fa: {  	v33 =	vsel vm8, $0x41, v3;
	v31 =	vor.u32 $0x1, v12;
	vm13 =	vlt.s32 v13, v0  }
0x1fb: {  	v34 =	vor.u32 $0x1, v14;
	vm7 =	vlt.s32 v15, v1;
	v12 =	vsel vm13, v29, v12  }
0x1fc: {  	v13 =	vsel vm13, v31, v30;
	v14 =	vsel vm7, v32, v14;
	v16 =	vadd.s32 $0xFFFFFFFF, v12  }
0x1fd: {  	v15 =	vsel vm7, v34, v33;
	v18 =	vadd.s32 $0xFFFFFFFF, v14;
	v17 =	vxor.u32 v16, v13  }
0x1fe: {  	v16 =	vor.u32 v16, v13;
	v19 =	vxor.u32 v18, v15;
	v17 =	vshrl.u32 v17, $0x1  }
0x1ff: {  	v18 =	vor.u32 v18, v15;
	v19 =	vshrl.u32 v19, $0x1;
	v16 =	vsub.s32 v16, v17  }
0x200: {  	v18 =	vsub.s32 v18, v19;
	v17 =	vor.u32 v54, v16  }
0x201: {  	v19 =	vor.u32 v54, v18;
	_ =	sdelay $0x3  }
0x202: {  	v17 =	vld.idx.msk [tilespmem:v17+s7+$0x0], $0xffff  }
0x203: {  	v36 =	vld.idx.msk [tilespmem:v19+s8+$0x0], $0xffff;
	_ =	sdelay $0x2  }
0x204: {  	vm7 =	vlt.u32 v13, v12;
	v35 =	vor.u32 $0x1, v16  }
0x205: {  	v38 =	vor.u32 $0x1, v18;
	vm8 =	vge.s32 v17, v0;
	vm14 =	vlt.s32 v17, v0  }
0x206: {  	vm15 =	vlt.s32 v36, v1;
	vm9 =	vmand vm14, vm7;
	vm7 =	vmand vm7, vm8  }
0x207: {  	vm8 =	vge.s32 v36, v1;
	v13 =	vsel vm9, v35, v13;
	v12 =	vsel vm7, v16, v12  }
0x208: {  	vm7 =	vlt.u32 v15, v14;
	v17 =	vxor.u32 v12, v13;
	v37 =	vand.u32 v12, v13  }
0x209: {  	vm9 =	vmand vm15, vm7;
	vm7 =	vmand vm7, vm8;
	v17 =	vshrl.u32 v17, $0x1  }
0x20a: {  	v15 =	vsel vm9, v38, v15;
	v14 =	vsel vm7, v18, v14;
	v17 =	vadd.s32 v17, v37  }
0x20b: {  	v16 =	vxor.u32 v14, v15;
	v19 =	vor.u32 v54, v17  }
0x20c: {  	v18 =	vand.u32 v14, v15;
	v16 =	vshrl.u32 v16, $0x1  }
0x20d: {  	v16 =	vadd.s32 v16, v18  }
0x20e: {  	v18 =	vor.u32 v54, v16;
	_ =	sdelay $0x1  }
0x20f: {  	v19 =	vld.idx.msk [tilespmem:v19+s7+$0x0], $0xffff;
	_ =	sdelay $0x2  }
0x210: {  	v18 =	vld.idx.msk [tilespmem:v18+s8+$0x0], $0xffff  }
0x211: {  	vm7 =	vlt.u32 v13, v12  }
0x212: {  	v39 =	vadd.s32 $0x1, v17;
	vm8 =	vge.s32 v19, v0;
	vm12 =	vlt.s32 v19, v0  }
0x213: {  	v41 =	vadd.s32 $0x1, v16;
	vm9 =	vmand vm12, vm7;
	vm7 =	vmand vm7, vm8  }
0x214: {  	v13 =	vsel vm9, v39, v13;
	v12 =	vsel vm7, v17, v12;
	vm7 =	vlt.u32 v15, v14  }
0x215: {  	vm8 =	vge.s32 v18, v1;
	vm13 =	vlt.s32 v18, v1;
	v17 =	vadd.s32 v12, v13  }
0x216: {  	vm9 =	vmand vm13, vm7;
	vm7 =	vmand vm7, vm8;
	v17 =	vshrl.u32 v17, $0x1  }
0x217: {  	v15 =	vsel vm9, v41, v15;
	v14 =	vsel vm7, v16, v14;
	v40 =	vor.u32 v54, v17  }
0x218: {  	v16 =	vadd.s32 v14, v15  }
0x219: {  	v16 =	vshrl.u32 v16, $0x1  }
0x21a: {  	v43 =	vor.u32 v54, v16;
	_ =	sdelay $0x1  }
0x21b: {  	v42 =	vld.idx.msk [tilespmem:v40+s7+$0x0], $0xffff;
	_ =	sdelay $0x2  }
0x21c: {  	v19 =	vld.idx.msk [tilespmem:v43+s8+$0x0], $0xffff  }
0x21d: {  	vm7 =	vlt.u32 v13, v12  }
0x21e: {  	v44 =	vadd.s32 $0x1, v17;
	vm8 =	vge.s32 v42, v0;
	vm14 =	vlt.s32 v42, v0  }
0x21f: {  	v21 =	vadd.s32 $0x1, v16;
	vm9 =	vmand vm14, vm7;
	vm7 =	vmand vm7, vm8  }
0x220: {  	v13 =	vsel vm9, v44, v13;
	v12 =	vsel vm7, v17, v12;
	vm7 =	vlt.u32 v15, v14  }
0x221: {  	vm8 =	vge.s32 v19, v1;
	vm15 =	vlt.s32 v19, v1;
	v17 =	vadd.s32 v12, v13  }
0x222: {  	vm9 =	vmand vm15, vm7;
	vm7 =	vmand vm7, vm8;
	v17 =	vshrl.u32 v17, $0x1  }
0x223: {  	v15 =	vsel vm9, v21, v15;
	v14 =	vsel vm7, v16, v14;
	v45 =	vor.u32 v54, v17  }
0x224: {  	v16 =	vadd.s32 v14, v15  }
0x225: {  	v16 =	vshrl.u32 v16, $0x1  }
0x226: {  	v22 =	vor.u32 v54, v16;
	_ =	sdelay $0x1  }
0x227: {  	v18 =	vld.idx.msk [tilespmem:v45+s7+$0x0], $0xffff;
	_ =	sdelay $0x2  }
0x228: {  	v23 =	vld.idx.msk [tilespmem:v22+s8+$0x0], $0xffff  }
0x229: {  	vm7 =	vlt.u32 v13, v12  }
0x22a: {  	v24 =	vadd.s32 $0x1, v17;
	vm8 =	vge.s32 v18, v0;
	vm12 =	vlt.s32 v18, v0  }
0x22b: {  	v25 =	vadd.s32 $0x1, v16;
	vm9 =	vmand vm12, vm7;
	vm7 =	vmand vm7, vm8  }
0x22c: {  	v13 =	vsel vm9, v24, v13;
	v12 =	vsel vm7, v17, v12;
	vm7 =	vlt.u32 v15, v14  }
0x22d: {  	vm8 =	vge.s32 v23, v1;
	vm13 =	vlt.s32 v23, v1;
	v17 =	vadd.s32 v12, v13  }
0x22e: {  	vm9 =	vmand vm13, vm7;
	vm7 =	vmand vm7, vm8;
	v17 =	vshrl.u32 v17, $0x1  }
0x22f: {  	v15 =	vsel vm9, v25, v15;
	v14 =	vsel vm7, v16, v14;
	v26 =	vor.u32 v54, v17  }
0x230: {  	v16 =	vadd.s32 v14, v15  }
0x231: {  	v16 =	vshrl.u32 v16, $0x1  }
0x232: {  	v27 =	vor.u32 v54, v16;
	_ =	sdelay $0x1  }
0x233: {  	v19 =	vld.idx.msk [tilespmem:v26+s7+$0x0], $0xffff;
	_ =	sdelay $0x2  }
0x234: {  	v18 =	vld.idx.msk [tilespmem:v27+s8+$0x0], $0xffff;
	_ =	sdelay $0x1  }
0x235: {  	vm7 =	vlt.u32 v13, v12;
	vm8 =	vge.s32 v19, v0;
	vm14 =	vlt.s32 v19, v0  }
0x236: {  	vm9 =	vmand vm14, vm7;
	vm7 =	vmand vm7, vm8  }
0x237: {  	v28 =	vadd.s32 $0x1, v17;
	v29 =	vadd.s32 $0x1, v16;
	v12 =	vsel vm7, v17, v12  }
0x238: {  	vm7 =	vlt.u32 v15, v14;
	vm8 =	vge.s32 v18, v1;
	vm15 =	vlt.s32 v18, v1  }
0x239: {  	v13 =	vsel vm9, v28, v13;
	vm9 =	vmand vm15, vm7;
	vm7 =	vmand vm7, vm8  }
0x23a: {  	v30 =	vadd.s32 v12, v13;
	v15 =	vsel vm9, v29, v15;
	v14 =	vsel vm7, v16, v14  }
0x23b: {  	v31 =	vshrl.u32 v30, $0x1;
	v32 =	vadd.s32 v14, v15  }
0x23c: {  	v33 =	vmin.u32 v31, $0x7F;
	v17 =	vshrl.u32 v32, $0x1  }
0x23d: {  	v18 =	vor.u32 v54, v33;
	v34 =	vmin.u32 v17, $0x7F  }
0x23e: {  	v19 =	vor.u32 v54, v34;
	_ =	sdelay $0x3  }
0x23f: {  	v18 =	vld.idx.msk [tilespmem:v18+s7+$0x0], $0xffff  }
0x240: {  	v19 =	vld.idx.msk [tilespmem:v19+s8+$0x0], $0xffff;
	_ =	sdelay $0x3  }
0x241: {  	vm7 =	vlt.u32 v13, v12;
	vm9 =	vlt.u32 v15, v14  }
0x242: {  	v35 =	vadd.s32 $0x1, v31;
	vm8 =	vlt.s32 v18, v0;
	vm10 =	vlt.s32 v19, v1  }
0x243: {  	v36 =	vadd.s32 $0x1, v17;
	vm7 =	vmand vm8, vm7;
	vm8 =	vmand vm10, vm9  }
0x244: {  	v12 =	vsel vm7, v35, v13;
	vm7 =	veq.s32 v8, $0x0;
	v8 =	vsel vm8, v36, v15  }
0x245: {  	v10 =	vadd.s32 v10, v12;
	vm8 =	veq.s32 v9, $0x0;
	v8 =	vadd.s32 v11, v8  }
0x246: {  	v37 =	vsel vm7, $0x0, v10;
	v8 =	vsel vm8, $0x0, v8  }
0x247: {  	v8 =	vsub.s32 v8, v37  }
0x248: {  	v8 =	vcvt.s32.f32 v8;
	_ =	sdelay $0x1  }
0x249: {  	[tilespmem:$0x1700] =	vst v8  }
0x24a: {  	v8 =	vld.idx.msk [tilespmem:v55+s12+$0x0], $0xffff  }
0x24b: {  	v38 =	vld.idx.msk [tilespmem:v7+s13+$0x0], $0xffff;
	_ =	sdelay $0x2  }
0x24c: {  	v39 =	vcombine.low v59, v56;
	_ =	sdelay $0x1  }
0x24d: {  	v8 =	vmul.f32 v38, v8;
	_ =	sdelay $0x1  }
0x24e: {  	[tilespmem:$0x1800] =	vst v8  }
0x24f: {  	v8 =	vld.idx.msk [tilespmem:v58+s12+$0x0], $0xffff  }
0x250: {  	v40 =	vld.idx.msk [tilespmem:v39+s13+$0x0], $0xffff;
	_ =	sdelay $0x2  }
0x251: {  	v41 =	vcombine.low v57, v59;
	_ =	sdelay $0x1  }
0x252: {  	v8 =	vmul.f32 v40, v8;
	_ =	sdelay $0x1  }
0x253: {  	[tilespmem:$0x1810] =	vst v8  }
0x254: {  	v8 =	vld.idx.msk [tilespmem:v60+s12+$0x0], $0xffff  }
0x255: {  	v42 =	vld.idx.msk [tilespmem:v41+s13+$0x0], $0xffff;
	_ =	sdelay $0x4  }
0x256: {  	v8 =	vmul.f32 v42, v8;
	_ =	sdelay $0x1  }
0x257: {  	[tilespmem:$0x1820] =	vst v8  }
0x258: {  	v8 =	vld.idx.msk [tilespmem:v61+s12+$0x0], $0xffff  }
0x259: {  	v43 =	vld.idx.msk [tilespmem:v7+s13+$0x0], $0xffff;
	_ =	sdelay $0x4  }
0x25a: {  	v8 =	vmul.f32 v43, v8;
	_ =	sdelay $0x1  }
0x25b: {  	[tilespmem:$0x1830] =	vst v8  }
0x25c: {  	v8 =	vld.idx.msk [tilespmem:v62+s12+$0x0], $0xffff  }
0x25d: {  	v44 =	vld.idx.msk [tilespmem:v39+s13+$0x0], $0xffff;
	_ =	sdelay $0x4  }
0x25e: {  	v8 =	vmul.f32 v44, v8;
	_ =	sdelay $0x1  }
0x25f: {  	[tilespmem:$0x1840] =	vst v8  }
0x260: {  	v8 =	vld.idx.msk [tilespmem:v63+s12+$0x0], $0xffff  }
0x261: {  	v45 =	vld.idx.msk [tilespmem:v41+s13+$0x0], $0xffff;
	_ =	sdelay $0x4  }
0x262: {  	s31 =	sld [smem:$0x7FD];
	v8 =	vmul.f32 v45, v8  }
0x263: {  	p0 =	sne.s32 s5, $0x1  }
.Ltmp0:
0x264: {  	s30 =	rddreg [dreg:$0x5];
	[tilespmem:$0x1850] =	vst v8;
	(pc) =	sbr.rel @p0 .LBB2_1-.Ltmp0, $4  }
0x265: {  	[hbm4b:s30+s4] =	stream.linear.scatter [tilespmem:s31], [sflag:$0x4], $0x60, $0x38;
	[tilespmem:$0x1880] =	vst v63  }
0x266: {  	_ =	swait.ge [sflag:s6], $0x60  }
0x267: {  	[sflag:s6] =	ssyncset.done $0x0  }
0x268: {  	s5 =	sadd.s32 $0xFFFFFFFF, s5;
	[sflag:s6] =	ssyncadd.s32 $0xFFFFFFA0  }
0x269: {  	_ =	sfence.sel $0x180000  }
0x26a: {  	[bflag:$0x0] =	sbarrier.arrive $0xFFFF  }
0x26b: {  	p0 =	sne.s32 s0, $0x0;
	_ =	strace $0x90000047  }
0x26c: {  	s0 =	sadd.s32 @!p0 $0x100000, s2;
	[bflag:$0x2] =	sbarrier.arrive $0xFFFF  }
0x26d: {  	[sflag:s0] =	ssyncadd.tile.s32 @!p0 $0x1;
	_ =	shalt  }
.Lfunc_end2:
_tile_overlayer_lowered:
.L_overlay_start_2:
0x26e: {  	(tag) =	ssettag $0x2  }
0x26f: {  	s0 =	rddreg [dreg:$0x0];
	s2 =	stileid.u32  }
0x270: {  	s1 =	rddreg [dreg:$0x1];
	p0 =	sne.s32 s2, $0x0  }
0x271: {  	s3 =	rddreg [dreg:$0x2];
	[bflag:$0x3] =	sbarrier.arrive $0xFFFF;
	s2 =	simm.s32 @!p0 $0x1C04  }
0x272: {  	[timem:s3], [sflag:s2] =	dma.local @!p0 [hbm:s0], s1  }
0x273: {  	s0 =	simm.s32 @!p0 $0x4  }
0x274: {  	_ =	swait.ge @!p0 [sflag:s0], s1  }
0x275: {  	s1 =	ssub.s32 @!p0 $0x0, s1;
	[sflag:s0] =	ssyncset.done @!p0 $0x0  }
0x276: {  	[sflag:s0] =	ssyncadd.s32 @!p0 s1  }
0x277: {  	[bflag:$0x3] =	sbarrier.arrive $0xFFFF  }
0x278: {  	_ =	shalt  }

</sc_bundles>
